<compile_context>
chip_gen: v7x
topology: tpu7x:2x2x1
jax: 0.10.2.dev20260603
libtpu: 0.0.44.dev20260713+nightly
codegen_flags: <defaults>
</compile_context>

<pallas_src>
import functools

import jax
import jax.numpy as jnp
from jax import lax
from jax.experimental import pallas as pl
from jax.experimental.pallas import tpu as pltpu
from jax.experimental.pallas import tpu_sc as plsc

B, T, C = 16, 2048, 512
G, V, VD = 2, 320, 256
N = B * T
P = N * G
BLK = 2048

NW = 32
PPW = P // NW
CHUNK = 128
NCHUNK = PPW // CHUNK


def _tc_body(x_ref, gu_ref, W_ref, b_ref, idx_ref):
    logits = jnp.dot(x_ref[...], W_ref[...], preferred_element_type=jnp.float32)
    logits = logits + b_ref[...]
    eps = 1e-10
    u = gu_ref[...] * (1.0 - 2.0 * eps) + eps
    y = logits - jnp.log(-jnp.log(u))
    for g in range(G):
        yg = y[:, g * V:(g + 1) * V]
        m = jnp.max(yg, axis=1, keepdims=True)
        iota = lax.broadcasted_iota(jnp.int32, (BLK, V), 1)
        first = jnp.min(jnp.where(yg == m, iota, V), axis=1, keepdims=True)
        idx_ref[:, g:g + 1] = first + g * V


def _sc_gather(tbl_hbm, idx_hbm, out_hbm, idx_v, buf0, buf1, sem0, sem1):
    wid = lax.axis_index("s") * 2 + lax.axis_index("c")
    base = wid * PPW
    pltpu.sync_copy(idx_hbm.at[wid], idx_v)
    bufs = (buf0, buf1)
    sems = (sem0, sem1)
    cps = [pltpu.async_copy(tbl_hbm.at[idx_v.at[0]], buf0, sem0), None]
    for c in range(NCHUNK):
        nxt = c + 1
        if nxt < NCHUNK:
            cps[nxt % 2] = pltpu.async_copy(
                tbl_hbm.at[idx_v.at[nxt]], bufs[nxt % 2], sems[nxt % 2])
        cps[c % 2].wait()
        pltpu.sync_copy(bufs[c % 2],
                        out_hbm.at[pl.ds(base + c * CHUNK, CHUNK)])


def kernel(x, gumbel_u, W, b, codevectors):
    x2 = x.reshape(N, C)
    gu2 = gumbel_u.reshape(N, G * V)
    grid = (N // BLK,)
    idx = pl.pallas_call(
        _tc_body,
        grid=grid,
        in_specs=[
            pl.BlockSpec((BLK, C), lambda i: (i, 0)),
            pl.BlockSpec((BLK, G * V), lambda i: (i, 0)),
            pl.BlockSpec((C, G * V), lambda i: (0, 0)),
            pl.BlockSpec((1, G * V), lambda i: (0, 0)),
        ],
        out_specs=pl.BlockSpec((BLK, G), lambda i: (i, 0)),
        out_shape=jax.ShapeDtypeStruct((N, G), jnp.int32),
    )(x2, gu2, W, b.reshape(1, G * V))

    idx3 = idx.reshape(NW, NCHUNK, CHUNK)

    mesh = plsc.VectorSubcoreMesh(core_axis_name="c", subcore_axis_name="s")
    gathered = pl.kernel(
        _sc_gather,
        out_type=jax.ShapeDtypeStruct((P, VD), jnp.float32),
        mesh=mesh,
        scratch_types=[
            pltpu.VMEM((NCHUNK, CHUNK), jnp.int32),
            pltpu.VMEM((CHUNK, VD), jnp.float32),
            pltpu.VMEM((CHUNK, VD), jnp.float32),
            pltpu.SemaphoreType.DMA,
            pltpu.SemaphoreType.DMA,
        ],
    )(codevectors, idx3)

    return gathered.reshape(B, T, G * VD)

# --- scband reference (transcript-rebuilt; emitter-appended) ---
"""Pipeline reference for scband-gumbel-vector-quantizer-8933531976395 (READ-ONLY COPY).

The authoritative reference and input builder live on the scoring server;
editing this copy changes nothing except your own understanding.
"""

import jax, jax.numpy as jnp
import numpy as np

B, T, C = 16, 2048, 512
G, V, VD = 2, 320, 256  # groups, codes per group, codevector dim per group
TAU = 2.0


def setup_inputs(seed: int = 0) -> dict:
    key = jax.random.key(seed)
    k1, k2, k3, k4 = jax.random.split(key, 4)
    x = jax.random.normal(k1, (B, T, C), dtype=jnp.float32)
    gumbel_u = jax.random.uniform(k2, (B, T, G * V), dtype=jnp.float32)
    W = jax.random.normal(k3, (C, G * V), dtype=jnp.float32) * 0.02
    b = jnp.zeros((G * V,), dtype=jnp.float32)
    codevectors = jax.random.normal(k4, (G * V, VD), dtype=jnp.float32) * 0.02
    return {"x": x, "gumbel_u": gumbel_u, "W": W, "b": b, "codevectors": codevectors}


def reference(x, gumbel_u, W, b, codevectors):
    Bv, Tv, Cv = x.shape
    # weight projection: [B, T, C] -> [B, T, G*V]
    logits = x @ W + b
    logits = logits.reshape(Bv * Tv * G, V)
    # fixed gumbel noise from uniform samples
    eps = 1e-10
    u = gumbel_u.reshape(Bv * Tv * G, V) * (1.0 - 2.0 * eps) + eps
    g = -jnp.log(-jnp.log(u))
    y = (logits + g) / TAU
    probs = jax.nn.softmax(y, axis=-1)
    # straight-through hard one-hot
    idx = jnp.argmax(probs, axis=-1)
    hard = jax.nn.one_hot(idx, V, dtype=probs.dtype)
    st = hard + probs - jax.lax.stop_gradient(probs)
    # select codevectors per group and concatenate
    st = st.reshape(Bv * Tv, G, V)
    cv = codevectors.reshape(G, V, VD)
    q = jnp.einsum('ngv,gvd->ngd', st, cv)
    return q.reshape(Bv, Tv, G * VD)

if __name__ == "__main__":
    import jax
    _d = setup_inputs()
    print(jax.jit(kernel)(*tuple(_d.values())))

</pallas_src>

<mosaic_0001>
#map = affine_map<(d0, d1) -> (0, 0)>
#map1 = affine_map<(d0, d1) -> (0, 0, 0)>
module attributes {stable_mosaic.version = 14 : i64} {
  func.func @_sc_gather(%arg0: i32, %arg1: i32, %arg2: memref<640x256xf32, #tpu.memory_space<hbm>>, %arg3: memref<32x16x128xi32, #tpu.memory_space<hbm>>, %arg4: memref<65536x256xf32, #tpu.memory_space<hbm>>, %arg5: memref<16x128xi32, #tpu.memory_space<vmem>>, %arg6: memref<128x256xf32, #tpu.memory_space<vmem>>, %arg7: memref<128x256xf32, #tpu.memory_space<vmem>>, %arg8: memref<!tpu.dma_semaphore, #tpu.memory_space<semaphore_mem>>, %arg9: memref<!tpu.dma_semaphore, #tpu.memory_space<semaphore_mem>>) attributes {dimension_semantics = [#tpu.dimension_semantics<core_parallel>, #tpu.dimension_semantics<subcore_parallel>], iteration_bounds = array<i64: 2, 16>, scalar_prefetch = 0 : i64, scratch_operands = 5 : i64, tpu.core_type = #tpu.core_type<sc_vector_subcore>, window_params = [{transform_indices = #map}, {transform_indices = #map1}, {transform_indices = #map}]} {
    %mul3A = arith.constant 2 : i32
    %mul3A_0 = arith.muli %arg1, %mul3A : i32
    %add3A = arith.addi %mul3A_0, %arg0 : i32
    %mul3A_1 = arith.constant 2048 : i32
    %mul3A_2 = arith.muli %add3A, %mul3A_1 : i32
    "tpu.region"() ({
      %run_scoped3A = tpu.sem_alloc : memref<!tpu.dma_semaphore, #tpu.memory_space<semaphore_mem>>
      %dma_start3A_257 = arith.constant 0 : i32
      %dma_start3A_258 = arith.constant 0 : i32
      %dma_start3A_259 = tpu.memref_slice %arg3[%add3A, %dma_start3A_257, %dma_start3A_258] : memref<32x16x128xi32, #tpu.memory_space<hbm>> -> memref<1x16x128xi32, #tpu.memory_space<hbm>>
      %dma_start3A_260 = tpu.memref_squeeze %dma_start3A_259 : memref<1x16x128xi32, #tpu.memory_space<hbm>> -> memref<16x128xi32, #tpu.memory_space<hbm>>
      %dma_start3A_261 = arith.constant 0 : i32
      %dma_start3A_262 = arith.constant 0 : i32
      %dma_start3A_263 = tpu.memref_slice %arg3[%add3A, %dma_start3A_261, %dma_start3A_262] : memref<32x16x128xi32, #tpu.memory_space<hbm>> -> memref<1x16x128xi32, #tpu.memory_space<hbm>>
      %dma_start3A_264 = tpu.memref_squeeze %dma_start3A_263 : memref<1x16x128xi32, #tpu.memory_space<hbm>> -> memref<16x128xi32, #tpu.memory_space<hbm>>
      tpu.enqueue_dma source(%dma_start3A_264 : memref<16x128xi32, #tpu.memory_space<hbm>>) target(%arg5 : memref<16x128xi32, #tpu.memory_space<vmem>>) target_semaphore(%run_scoped3A : memref<!tpu.dma_semaphore, #tpu.memory_space<semaphore_mem>>)
      %dma_wait3A_265 = arith.constant 0 : i32
      %dma_wait3A_266 = arith.constant 0 : i32
      %dma_wait3A_267 = tpu.memref_slice %arg3[%add3A, %dma_wait3A_265, %dma_wait3A_266] : memref<32x16x128xi32, #tpu.memory_space<hbm>> -> memref<1x16x128xi32, #tpu.memory_space<hbm>>
      %dma_wait3A_268 = tpu.memref_squeeze %dma_wait3A_267 : memref<1x16x128xi32, #tpu.memory_space<hbm>> -> memref<16x128xi32, #tpu.memory_space<hbm>>
      %dma_wait3A_269 = arith.constant 0 : i32
      %dma_wait3A_270 = arith.constant 0 : i32
      %dma_wait3A_271 = tpu.memref_slice %arg3[%add3A, %dma_wait3A_269, %dma_wait3A_270] : memref<32x16x128xi32, #tpu.memory_space<hbm>> -> memref<1x16x128xi32, #tpu.memory_space<hbm>>
      %dma_wait3A_272 = tpu.memref_squeeze %dma_wait3A_271 : memref<1x16x128xi32, #tpu.memory_space<hbm>> -> memref<16x128xi32, #tpu.memory_space<hbm>>
      tpu.wait_dma2 semaphore(%run_scoped3A : memref<!tpu.dma_semaphore, #tpu.memory_space<semaphore_mem>>) src(%dma_wait3A_272 : memref<16x128xi32, #tpu.memory_space<hbm>>) dst(%arg5 : memref<16x128xi32, #tpu.memory_space<vmem>>)
      tpu.yield
    }) : () -> ()
    %dma_start3A = arith.constant 0 : i32
    %dma_start3A_3 = arith.constant 0 : i32
    %dma_start3A_4 = tpu.memref_slice %arg5[%dma_start3A, %dma_start3A_3] : memref<16x128xi32, #tpu.memory_space<vmem>> -> memref<1x128xi32, #tpu.memory_space<vmem>>
    %dma_start3A_5 = tpu.memref_squeeze %dma_start3A_4 : memref<1x128xi32, #tpu.memory_space<vmem>> -> memref<128xi32, #tpu.memory_space<vmem>>
    %dma_start3A_6 = arith.constant 0 : i32
    %dma_start3A_7 = arith.constant 0 : i32
    %dma_start3A_8 = tpu.memref_slice %arg2[%dma_start3A_6, %dma_start3A_7] : memref<640x256xf32, #tpu.memory_space<hbm>> -> memref<640x256xf32, #tpu.memory_space<hbm>>
    tpu.enqueue_indirect_dma source(%dma_start3A_8 : memref<640x256xf32, #tpu.memory_space<hbm>>) target(%arg6 : memref<128x256xf32, #tpu.memory_space<vmem>>) offsets(%dma_start3A_5 : memref<128xi32, #tpu.memory_space<vmem>>) semaphore(%arg8 : memref<!tpu.dma_semaphore, #tpu.memory_space<semaphore_mem>>)
    %dma_start3A_9 = arith.constant 1 : i32
    %dma_start3A_10 = arith.constant 0 : i32
    %dma_start3A_11 = tpu.memref_slice %arg5[%dma_start3A_9, %dma_start3A_10] : memref<16x128xi32, #tpu.memory_space<vmem>> -> memref<1x128xi32, #tpu.memory_space<vmem>>
    %dma_start3A_12 = tpu.memref_squeeze %dma_start3A_11 : memref<1x128xi32, #tpu.memory_space<vmem>> -> memref<128xi32, #tpu.memory_space<vmem>>
    %dma_start3A_13 = arith.constant 0 : i32
    %dma_start3A_14 = arith.constant 0 : i32
    %dma_start3A_15 = tpu.memref_slice %arg2[%dma_start3A_13, %dma_start3A_14] : memref<640x256xf32, #tpu.memory_space<hbm>> -> memref<640x256xf32, #tpu.memory_space<hbm>>
    tpu.enqueue_indirect_dma source(%dma_start3A_15 : memref<640x256xf32, #tpu.memory_space<hbm>>) target(%arg7 : memref<128x256xf32, #tpu.memory_space<vmem>>) offsets(%dma_start3A_12 : memref<128xi32, #tpu.memory_space<vmem>>) semaphore(%arg9 : memref<!tpu.dma_semaphore, #tpu.memory_space<semaphore_mem>>)
    %dma_wait3A = arith.constant 0 : i32
    %dma_wait3A_16 = arith.constant 0 : i32
    %dma_wait3A_17 = tpu.memref_slice %arg5[%dma_wait3A, %dma_wait3A_16] : memref<16x128xi32, #tpu.memory_space<vmem>> -> memref<1x128xi32, #tpu.memory_space<vmem>>
    %dma_wait3A_18 = tpu.memref_squeeze %dma_wait3A_17 : memref<1x128xi32, #tpu.memory_space<vmem>> -> memref<128xi32, #tpu.memory_space<vmem>>
    %dma_wait3A_19 = arith.constant 0 : i32
    %dma_wait3A_20 = arith.constant 0 : i32
    %dma_wait3A_21 = tpu.memref_slice %arg2[%dma_wait3A_19, %dma_wait3A_20] : memref<640x256xf32, #tpu.memory_space<hbm>> -> memref<640x256xf32, #tpu.memory_space<hbm>>
    tpu.wait_indirect_dma semaphore(%arg8 : memref<!tpu.dma_semaphore, #tpu.memory_space<semaphore_mem>>) src(%dma_wait3A_21 : memref<640x256xf32, #tpu.memory_space<hbm>>) dst(%arg6 : memref<128x256xf32, #tpu.memory_space<vmem>>)
    %add3A_22 = arith.constant 0 : i32
    %add3A_23 = arith.addi %mul3A_2, %add3A_22 : i32
    "tpu.region"() ({
      %run_scoped3A = tpu.sem_alloc : memref<!tpu.dma_semaphore, #tpu.memory_space<semaphore_mem>>
      %dma_start3A_257 = arith.constant 0 : i32
      %dma_start3A_258 = tpu.memref_slice %arg4[%add3A_23, %dma_start3A_257] : memref<65536x256xf32, #tpu.memory_space<hbm>> -> memref<128x256xf32, #tpu.memory_space<hbm>>
      %dma_start3A_259 = arith.constant 0 : i32
      %dma_start3A_260 = tpu.memref_slice %arg4[%add3A_23, %dma_start3A_259] : memref<65536x256xf32, #tpu.memory_space<hbm>> -> memref<128x256xf32, #tpu.memory_space<hbm>>
      tpu.enqueue_dma source(%arg6 : memref<128x256xf32, #tpu.memory_space<vmem>>) target(%dma_start3A_260 : memref<128x256xf32, #tpu.memory_space<hbm>>) target_semaphore(%run_scoped3A : memref<!tpu.dma_semaphore, #tpu.memory_space<semaphore_mem>>)
      %dma_wait3A_261 = arith.constant 0 : i32
      %dma_wait3A_262 = tpu.memref_slice %arg4[%add3A_23, %dma_wait3A_261] : memref<65536x256xf32, #tpu.memory_space<hbm>> -> memref<128x256xf32, #tpu.memory_space<hbm>>
      %dma_wait3A_263 = arith.constant 0 : i32
      %dma_wait3A_264 = tpu.memref_slice %arg4[%add3A_23, %dma_wait3A_263] : memref<65536x256xf32, #tpu.memory_space<hbm>> -> memref<128x256xf32, #tpu.memory_space<hbm>>
      tpu.wait_dma2 semaphore(%run_scoped3A : memref<!tpu.dma_semaphore, #tpu.memory_space<semaphore_mem>>) src(%arg6 : memref<128x256xf32, #tpu.memory_space<vmem>>) dst(%dma_wait3A_264 : memref<128x256xf32, #tpu.memory_space<hbm>>)
      tpu.yield
    }) : () -> ()
    %dma_start3A_24 = arith.constant 2 : i32
    %dma_start3A_25 = arith.constant 0 : i32
    %dma_start3A_26 = tpu.memref_slice %arg5[%dma_start3A_24, %dma_start3A_25] : memref<16x128xi32, #tpu.memory_space<vmem>> -> memref<1x128xi32, #tpu.memory_space<vmem>>
    %dma_start3A_27 = tpu.memref_squeeze %dma_start3A_26 : memref<1x128xi32, #tpu.memory_space<vmem>> -> memref<128xi32, #tpu.memory_space<vmem>>
    %dma_start3A_28 = arith.constant 0 : i32
    %dma_start3A_29 = arith.constant 0 : i32
    %dma_start3A_30 = tpu.memref_slice %arg2[%dma_start3A_28, %dma_start3A_29] : memref<640x256xf32, #tpu.memory_space<hbm>> -> memref<640x256xf32, #tpu.memory_space<hbm>>
    tpu.enqueue_indirect_dma source(%dma_start3A_30 : memref<640x256xf32, #tpu.memory_space<hbm>>) target(%arg6 : memref<128x256xf32, #tpu.memory_space<vmem>>) offsets(%dma_start3A_27 : memref<128xi32, #tpu.memory_space<vmem>>) semaphore(%arg8 : memref<!tpu.dma_semaphore, #tpu.memory_space<semaphore_mem>>)
    %dma_wait3A_31 = arith.constant 1 : i32
    %dma_wait3A_32 = arith.constant 0 : i32
    %dma_wait3A_33 = tpu.memref_slice %arg5[%dma_wait3A_31, %dma_wait3A_32] : memref<16x128xi32, #tpu.memory_space<vmem>> -> memref<1x128xi32, #tpu.memory_space<vmem>>
    %dma_wait3A_34 = tpu.memref_squeeze %dma_wait3A_33 : memref<1x128xi32, #tpu.memory_space<vmem>> -> memref<128xi32, #tpu.memory_space<vmem>>
    %dma_wait3A_35 = arith.constant 0 : i32
    %dma_wait3A_36 = arith.constant 0 : i32
    %dma_wait3A_37 = tpu.memref_slice %arg2[%dma_wait3A_35, %dma_wait3A_36] : memref<640x256xf32, #tpu.memory_space<hbm>> -> memref<640x256xf32, #tpu.memory_space<hbm>>
    tpu.wait_indirect_dma semaphore(%arg9 : memref<!tpu.dma_semaphore, #tpu.memory_space<semaphore_mem>>) src(%dma_wait3A_37 : memref<640x256xf32, #tpu.memory_space<hbm>>) dst(%arg7 : memref<128x256xf32, #tpu.memory_space<vmem>>)
    %add3A_38 = arith.constant 128 : i32
    %add3A_39 = arith.addi %mul3A_2, %add3A_38 : i32
    "tpu.region"() ({
      %run_scoped3A = tpu.sem_alloc : memref<!tpu.dma_semaphore, #tpu.memory_space<semaphore_mem>>
      %dma_start3A_257 = arith.constant 0 : i32
      %dma_start3A_258 = tpu.memref_slice %arg4[%add3A_39, %dma_start3A_257] : memref<65536x256xf32, #tpu.memory_space<hbm>> -> memref<128x256xf32, #tpu.memory_space<hbm>>
      %dma_start3A_259 = arith.constant 0 : i32
      %dma_start3A_260 = tpu.memref_slice %arg4[%add3A_39, %dma_start3A_259] : memref<65536x256xf32, #tpu.memory_space<hbm>> -> memref<128x256xf32, #tpu.memory_space<hbm>>
      tpu.enqueue_dma source(%arg7 : memref<128x256xf32, #tpu.memory_space<vmem>>) target(%dma_start3A_260 : memref<128x256xf32, #tpu.memory_space<hbm>>) target_semaphore(%run_scoped3A : memref<!tpu.dma_semaphore, #tpu.memory_space<semaphore_mem>>)
      %dma_wait3A_261 = arith.constant 0 : i32
      %dma_wait3A_262 = tpu.memref_slice %arg4[%add3A_39, %dma_wait3A_261] : memref<65536x256xf32, #tpu.memory_space<hbm>> -> memref<128x256xf32, #tpu.memory_space<hbm>>
      %dma_wait3A_263 = arith.constant 0 : i32
      %dma_wait3A_264 = tpu.memref_slice %arg4[%add3A_39, %dma_wait3A_263] : memref<65536x256xf32, #tpu.memory_space<hbm>> -> memref<128x256xf32, #tpu.memory_space<hbm>>
      tpu.wait_dma2 semaphore(%run_scoped3A : memref<!tpu.dma_semaphore, #tpu.memory_space<semaphore_mem>>) src(%arg7 : memref<128x256xf32, #tpu.memory_space<vmem>>) dst(%dma_wait3A_264 : memref<128x256xf32, #tpu.memory_space<hbm>>)
      tpu.yield
    }) : () -> ()
    %dma_start3A_40 = arith.constant 3 : i32
    %dma_start3A_41 = arith.constant 0 : i32
    %dma_start3A_42 = tpu.memref_slice %arg5[%dma_start3A_40, %dma_start3A_41] : memref<16x128xi32, #tpu.memory_space<vmem>> -> memref<1x128xi32, #tpu.memory_space<vmem>>
    %dma_start3A_43 = tpu.memref_squeeze %dma_start3A_42 : memref<1x128xi32, #tpu.memory_space<vmem>> -> memref<128xi32, #tpu.memory_space<vmem>>
    %dma_start3A_44 = arith.constant 0 : i32
    %dma_start3A_45 = arith.constant 0 : i32
    %dma_start3A_46 = tpu.memref_slice %arg2[%dma_start3A_44, %dma_start3A_45] : memref<640x256xf32, #tpu.memory_space<hbm>> -> memref<640x256xf32, #tpu.memory_space<hbm>>
    tpu.enqueue_indirect_dma source(%dma_start3A_46 : memref<640x256xf32, #tpu.memory_space<hbm>>) target(%arg7 : memref<128x256xf32, #tpu.memory_space<vmem>>) offsets(%dma_start3A_43 : memref<128xi32, #tpu.memory_space<vmem>>) semaphore(%arg9 : memref<!tpu.dma_semaphore, #tpu.memory_space<semaphore_mem>>)
    %dma_wait3A_47 = arith.constant 2 : i32
    %dma_wait3A_48 = arith.constant 0 : i32
    %dma_wait3A_49 = tpu.memref_slice %arg5[%dma_wait3A_47, %dma_wait3A_48] : memref<16x128xi32, #tpu.memory_space<vmem>> -> memref<1x128xi32, #tpu.memory_space<vmem>>
    %dma_wait3A_50 = tpu.memref_squeeze %dma_wait3A_49 : memref<1x128xi32, #tpu.memory_space<vmem>> -> memref<128xi32, #tpu.memory_space<vmem>>
    %dma_wait3A_51 = arith.constant 0 : i32
    %dma_wait3A_52 = arith.constant 0 : i32
    %dma_wait3A_53 = tpu.memref_slice %arg2[%dma_wait3A_51, %dma_wait3A_52] : memref<640x256xf32, #tpu.memory_space<hbm>> -> memref<640x256xf32, #tpu.memory_space<hbm>>
    tpu.wait_indirect_dma semaphore(%arg8 : memref<!tpu.dma_semaphore, #tpu.memory_space<semaphore_mem>>) src(%dma_wait3A_53 : memref<640x256xf32, #tpu.memory_space<hbm>>) dst(%arg6 : memref<128x256xf32, #tpu.memory_space<vmem>>)
    %add3A_54 = arith.constant 256 : i32
    %add3A_55 = arith.addi %mul3A_2, %add3A_54 : i32
    "tpu.region"() ({
      %run_scoped3A = tpu.sem_alloc : memref<!tpu.dma_semaphore, #tpu.memory_space<semaphore_mem>>
      %dma_start3A_257 = arith.constant 0 : i32
      %dma_start3A_258 = tpu.memref_slice %arg4[%add3A_55, %dma_start3A_257] : memref<65536x256xf32, #tpu.memory_space<hbm>> -> memref<128x256xf32, #tpu.memory_space<hbm>>
      %dma_start3A_259 = arith.constant 0 : i32
      %dma_start3A_260 = tpu.memref_slice %arg4[%add3A_55, %dma_start3A_259] : memref<65536x256xf32, #tpu.memory_space<hbm>> -> memref<128x256xf32, #tpu.memory_space<hbm>>
      tpu.enqueue_dma source(%arg6 : memref<128x256xf32, #tpu.memory_space<vmem>>) target(%dma_start3A_260 : memref<128x256xf32, #tpu.memory_space<hbm>>) target_semaphore(%run_scoped3A : memref<!tpu.dma_semaphore, #tpu.memory_space<semaphore_mem>>)
      %dma_wait3A_261 = arith.constant 0 : i32
      %dma_wait3A_262 = tpu.memref_slice %arg4[%add3A_55, %dma_wait3A_261] : memref<65536x256xf32, #tpu.memory_space<hbm>> -> memref<128x256xf32, #tpu.memory_space<hbm>>
      %dma_wait3A_263 = arith.constant 0 : i32
      %dma_wait3A_264 = tpu.memref_slice %arg4[%add3A_55, %dma_wait3A_263] : memref<65536x256xf32, #tpu.memory_space<hbm>> -> memref<128x256xf32, #tpu.memory_space<hbm>>
      tpu.wait_dma2 semaphore(%run_scoped3A : memref<!tpu.dma_semaphore, #tpu.memory_space<semaphore_mem>>) src(%arg6 : memref<128x256xf32, #tpu.memory_space<vmem>>) dst(%dma_wait3A_264 : memref<128x256xf32, #tpu.memory_space<hbm>>)
      tpu.yield
    }) : () -> ()
    %dma_start3A_56 = arith.constant 4 : i32
    %dma_start3A_57 = arith.constant 0 : i32
    %dma_start3A_58 = tpu.memref_slice %arg5[%dma_start3A_56, %dma_start3A_57] : memref<16x128xi32, #tpu.memory_space<vmem>> -> memref<1x128xi32, #tpu.memory_space<vmem>>
    %dma_start3A_59 = tpu.memref_squeeze %dma_start3A_58 : memref<1x128xi32, #tpu.memory_space<vmem>> -> memref<128xi32, #tpu.memory_space<vmem>>
    %dma_start3A_60 = arith.constant 0 : i32
    %dma_start3A_61 = arith.constant 0 : i32
    %dma_start3A_62 = tpu.memref_slice %arg2[%dma_start3A_60, %dma_start3A_61] : memref<640x256xf32, #tpu.memory_space<hbm>> -> memref<640x256xf32, #tpu.memory_space<hbm>>
    tpu.enqueue_indirect_dma source(%dma_start3A_62 : memref<640x256xf32, #tpu.memory_space<hbm>>) target(%arg6 : memref<128x256xf32, #tpu.memory_space<vmem>>) offsets(%dma_start3A_59 : memref<128xi32, #tpu.memory_space<vmem>>) semaphore(%arg8 : memref<!tpu.dma_semaphore, #tpu.memory_space<semaphore_mem>>)
    %dma_wait3A_63 = arith.constant 3 : i32
    %dma_wait3A_64 = arith.constant 0 : i32
    %dma_wait3A_65 = tpu.memref_slice %arg5[%dma_wait3A_63, %dma_wait3A_64] : memref<16x128xi32, #tpu.memory_space<vmem>> -> memref<1x128xi32, #tpu.memory_space<vmem>>
    %dma_wait3A_66 = tpu.memref_squeeze %dma_wait3A_65 : memref<1x128xi32, #tpu.memory_space<vmem>> -> memref<128xi32, #tpu.memory_space<vmem>>
    %dma_wait3A_67 = arith.constant 0 : i32
    %dma_wait3A_68 = arith.constant 0 : i32
    %dma_wait3A_69 = tpu.memref_slice %arg2[%dma_wait3A_67, %dma_wait3A_68] : memref<640x256xf32, #tpu.memory_space<hbm>> -> memref<640x256xf32, #tpu.memory_space<hbm>>
    tpu.wait_indirect_dma semaphore(%arg9 : memref<!tpu.dma_semaphore, #tpu.memory_space<semaphore_mem>>) src(%dma_wait3A_69 : memref<640x256xf32, #tpu.memory_space<hbm>>) dst(%arg7 : memref<128x256xf32, #tpu.memory_space<vmem>>)
    %add3A_70 = arith.constant 384 : i32
    %add3A_71 = arith.addi %mul3A_2, %add3A_70 : i32
    "tpu.region"() ({
      %run_scoped3A = tpu.sem_alloc : memref<!tpu.dma_semaphore, #tpu.memory_space<semaphore_mem>>
      %dma_start3A_257 = arith.constant 0 : i32
      %dma_start3A_258 = tpu.memref_slice %arg4[%add3A_71, %dma_start3A_257] : memref<65536x256xf32, #tpu.memory_space<hbm>> -> memref<128x256xf32, #tpu.memory_space<hbm>>
      %dma_start3A_259 = arith.constant 0 : i32
      %dma_start3A_260 = tpu.memref_slice %arg4[%add3A_71, %dma_start3A_259] : memref<65536x256xf32, #tpu.memory_space<hbm>> -> memref<128x256xf32, #tpu.memory_space<hbm>>
      tpu.enqueue_dma source(%arg7 : memref<128x256xf32, #tpu.memory_space<vmem>>) target(%dma_start3A_260 : memref<128x256xf32, #tpu.memory_space<hbm>>) target_semaphore(%run_scoped3A : memref<!tpu.dma_semaphore, #tpu.memory_space<semaphore_mem>>)
      %dma_wait3A_261 = arith.constant 0 : i32
      %dma_wait3A_262 = tpu.memref_slice %arg4[%add3A_71, %dma_wait3A_261] : memref<65536x256xf32, #tpu.memory_space<hbm>> -> memref<128x256xf32, #tpu.memory_space<hbm>>
      %dma_wait3A_263 = arith.constant 0 : i32
      %dma_wait3A_264 = tpu.memref_slice %arg4[%add3A_71, %dma_wait3A_263] : memref<65536x256xf32, #tpu.memory_space<hbm>> -> memref<128x256xf32, #tpu.memory_space<hbm>>
      tpu.wait_dma2 semaphore(%run_scoped3A : memref<!tpu.dma_semaphore, #tpu.memory_space<semaphore_mem>>) src(%arg7 : memref<128x256xf32, #tpu.memory_space<vmem>>) dst(%dma_wait3A_264 : memref<128x256xf32, #tpu.memory_space<hbm>>)
      tpu.yield
    }) : () -> ()
    %dma_start3A_72 = arith.constant 5 : i32
    %dma_start3A_73 = arith.constant 0 : i32
    %dma_start3A_74 = tpu.memref_slice %arg5[%dma_start3A_72, %dma_start3A_73] : memref<16x128xi32, #tpu.memory_space<vmem>> -> memref<1x128xi32, #tpu.memory_space<vmem>>
    %dma_start3A_75 = tpu.memref_squeeze %dma_start3A_74 : memref<1x128xi32, #tpu.memory_space<vmem>> -> memref<128xi32, #tpu.memory_space<vmem>>
    %dma_start3A_76 = arith.constant 0 : i32
    %dma_start3A_77 = arith.constant 0 : i32
    %dma_start3A_78 = tpu.memref_slice %arg2[%dma_start3A_76, %dma_start3A_77] : memref<640x256xf32, #tpu.memory_space<hbm>> -> memref<640x256xf32, #tpu.memory_space<hbm>>
    tpu.enqueue_indirect_dma source(%dma_start3A_78 : memref<640x256xf32, #tpu.memory_space<hbm>>) target(%arg7 : memref<128x256xf32, #tpu.memory_space<vmem>>) offsets(%dma_start3A_75 : memref<128xi32, #tpu.memory_space<vmem>>) semaphore(%arg9 : memref<!tpu.dma_semaphore, #tpu.memory_space<semaphore_mem>>)
    %dma_wait3A_79 = arith.constant 4 : i32
    %dma_wait3A_80 = arith.constant 0 : i32
    %dma_wait3A_81 = tpu.memref_slice %arg5[%dma_wait3A_79, %dma_wait3A_80] : memref<16x128xi32, #tpu.memory_space<vmem>> -> memref<1x128xi32, #tpu.memory_space<vmem>>
    %dma_wait3A_82 = tpu.memref_squeeze %dma_wait3A_81 : memref<1x128xi32, #tpu.memory_space<vmem>> -> memref<128xi32, #tpu.memory_space<vmem>>
    %dma_wait3A_83 = arith.constant 0 : i32
    %dma_wait3A_84 = arith.constant 0 : i32
    %dma_wait3A_85 = tpu.memref_slice %arg2[%dma_wait3A_83, %dma_wait3A_84] : memref<640x256xf32, #tpu.memory_space<hbm>> -> memref<640x256xf32, #tpu.memory_space<hbm>>
    tpu.wait_indirect_dma semaphore(%arg8 : memref<!tpu.dma_semaphore, #tpu.memory_space<semaphore_mem>>) src(%dma_wait3A_85 : memref<640x256xf32, #tpu.memory_space<hbm>>) dst(%arg6 : memref<128x256xf32, #tpu.memory_space<vmem>>)
    %add3A_86 = arith.constant 512 : i32
    %add3A_87 = arith.addi %mul3A_2, %add3A_86 : i32
    "tpu.region"() ({
      %run_scoped3A = tpu.sem_alloc : memref<!tpu.dma_semaphore, #tpu.memory_space<semaphore_mem>>
      %dma_start3A_257 = arith.constant 0 : i32
      %dma_start3A_258 = tpu.memref_slice %arg4[%add3A_87, %dma_start3A_257] : memref<65536x256xf32, #tpu.memory_space<hbm>> -> memref<128x256xf32, #tpu.memory_space<hbm>>
      %dma_start3A_259 = arith.constant 0 : i32
      %dma_start3A_260 = tpu.memref_slice %arg4[%add3A_87, %dma_start3A_259] : memref<65536x256xf32, #tpu.memory_space<hbm>> -> memref<128x256xf32, #tpu.memory_space<hbm>>
      tpu.enqueue_dma source(%arg6 : memref<128x256xf32, #tpu.memory_space<vmem>>) target(%dma_start3A_260 : memref<128x256xf32, #tpu.memory_space<hbm>>) target_semaphore(%run_scoped3A : memref<!tpu.dma_semaphore, #tpu.memory_space<semaphore_mem>>)
      %dma_wait3A_261 = arith.constant 0 : i32
      %dma_wait3A_262 = tpu.memref_slice %arg4[%add3A_87, %dma_wait3A_261] : memref<65536x256xf32, #tpu.memory_space<hbm>> -> memref<128x256xf32, #tpu.memory_space<hbm>>
      %dma_wait3A_263 = arith.constant 0 : i32
      %dma_wait3A_264 = tpu.memref_slice %arg4[%add3A_87, %dma_wait3A_263] : memref<65536x256xf32, #tpu.memory_space<hbm>> -> memref<128x256xf32, #tpu.memory_space<hbm>>
      tpu.wait_dma2 semaphore(%run_scoped3A : memref<!tpu.dma_semaphore, #tpu.memory_space<semaphore_mem>>) src(%arg6 : memref<128x256xf32, #tpu.memory_space<vmem>>) dst(%dma_wait3A_264 : memref<128x256xf32, #tpu.memory_space<hbm>>)
      tpu.yield
    }) : () -> ()
    %dma_start3A_88 = arith.constant 6 : i32
    %dma_start3A_89 = arith.constant 0 : i32
    %dma_start3A_90 = tpu.memref_slice %arg5[%dma_start3A_88, %dma_start3A_89] : memref<16x128xi32, #tpu.memory_space<vmem>> -> memref<1x128xi32, #tpu.memory_space<vmem>>
    %dma_start3A_91 = tpu.memref_squeeze %dma_start3A_90 : memref<1x128xi32, #tpu.memory_space<vmem>> -> memref<128xi32, #tpu.memory_space<vmem>>
    %dma_start3A_92 = arith.constant 0 : i32
    %dma_start3A_93 = arith.constant 0 : i32
    %dma_start3A_94 = tpu.memref_slice %arg2[%dma_start3A_92, %dma_start3A_93] : memref<640x256xf32, #tpu.memory_space<hbm>> -> memref<640x256xf32, #tpu.memory_space<hbm>>
    tpu.enqueue_indirect_dma source(%dma_start3A_94 : memref<640x256xf32, #tpu.memory_space<hbm>>) target(%arg6 : memref<128x256xf32, #tpu.memory_space<vmem>>) offsets(%dma_start3A_91 : memref<128xi32, #tpu.memory_space<vmem>>) semaphore(%arg8 : memref<!tpu.dma_semaphore, #tpu.memory_space<semaphore_mem>>)
    %dma_wait3A_95 = arith.constant 5 : i32
    %dma_wait3A_96 = arith.constant 0 : i32
    %dma_wait3A_97 = tpu.memref_slice %arg5[%dma_wait3A_95, %dma_wait3A_96] : memref<16x128xi32, #tpu.memory_space<vmem>> -> memref<1x128xi32, #tpu.memory_space<vmem>>
    %dma_wait3A_98 = tpu.memref_squeeze %dma_wait3A_97 : memref<1x128xi32, #tpu.memory_space<vmem>> -> memref<128xi32, #tpu.memory_space<vmem>>
    %dma_wait3A_99 = arith.constant 0 : i32
    %dma_wait3A_100 = arith.constant 0 : i32
    %dma_wait3A_101 = tpu.memref_slice %arg2[%dma_wait3A_99, %dma_wait3A_100] : memref<640x256xf32, #tpu.memory_space<hbm>> -> memref<640x256xf32, #tpu.memory_space<hbm>>
    tpu.wait_indirect_dma semaphore(%arg9 : memref<!tpu.dma_semaphore, #tpu.memory_space<semaphore_mem>>) src(%dma_wait3A_101 : memref<640x256xf32, #tpu.memory_space<hbm>>) dst(%arg7 : memref<128x256xf32, #tpu.memory_space<vmem>>)
    %add3A_102 = arith.constant 640 : i32
    %add3A_103 = arith.addi %mul3A_2, %add3A_102 : i32
    "tpu.region"() ({
      %run_scoped3A = tpu.sem_alloc : memref<!tpu.dma_semaphore, #tpu.memory_space<semaphore_mem>>
      %dma_start3A_257 = arith.constant 0 : i32
      %dma_start3A_258 = tpu.memref_slice %arg4[%add3A_103, %dma_start3A_257] : memref<65536x256xf32, #tpu.memory_space<hbm>> -> memref<128x256xf32, #tpu.memory_space<hbm>>
      %dma_start3A_259 = arith.constant 0 : i32
      %dma_start3A_260 = tpu.memref_slice %arg4[%add3A_103, %dma_start3A_259] : memref<65536x256xf32, #tpu.memory_space<hbm>> -> memref<128x256xf32, #tpu.memory_space<hbm>>
      tpu.enqueue_dma source(%arg7 : memref<128x256xf32, #tpu.memory_space<vmem>>) target(%dma_start3A_260 : memref<128x256xf32, #tpu.memory_space<hbm>>) target_semaphore(%run_scoped3A : memref<!tpu.dma_semaphore, #tpu.memory_space<semaphore_mem>>)
      %dma_wait3A_261 = arith.constant 0 : i32
      %dma_wait3A_262 = tpu.memref_slice %arg4[%add3A_103, %dma_wait3A_261] : memref<65536x256xf32, #tpu.memory_space<hbm>> -> memref<128x256xf32, #tpu.memory_space<hbm>>
      %dma_wait3A_263 = arith.constant 0 : i32
      %dma_wait3A_264 = tpu.memref_slice %arg4[%add3A_103, %dma_wait3A_263] : memref<65536x256xf32, #tpu.memory_space<hbm>> -> memref<128x256xf32, #tpu.memory_space<hbm>>
      tpu.wait_dma2 semaphore(%run_scoped3A : memref<!tpu.dma_semaphore, #tpu.memory_space<semaphore_mem>>) src(%arg7 : memref<128x256xf32, #tpu.memory_space<vmem>>) dst(%dma_wait3A_264 : memref<128x256xf32, #tpu.memory_space<hbm>>)
      tpu.yield
    }) : () -> ()
    %dma_start3A_104 = arith.constant 7 : i32
    %dma_start3A_105 = arith.constant 0 : i32
    %dma_start3A_106 = tpu.memref_slice %arg5[%dma_start3A_104, %dma_start3A_105] : memref<16x128xi32, #tpu.memory_space<vmem>> -> memref<1x128xi32, #tpu.memory_space<vmem>>
    %dma_start3A_107 = tpu.memref_squeeze %dma_start3A_106 : memref<1x128xi32, #tpu.memory_space<vmem>> -> memref<128xi32, #tpu.memory_space<vmem>>
    %dma_start3A_108 = arith.constant 0 : i32
    %dma_start3A_109 = arith.constant 0 : i32
    %dma_start3A_110 = tpu.memref_slice %arg2[%dma_start3A_108, %dma_start3A_109] : memref<640x256xf32, #tpu.memory_space<hbm>> -> memref<640x256xf32, #tpu.memory_space<hbm>>
    tpu.enqueue_indirect_dma source(%dma_start3A_110 : memref<640x256xf32, #tpu.memory_space<hbm>>) target(%arg7 : memref<128x256xf32, #tpu.memory_space<vmem>>) offsets(%dma_start3A_107 : memref<128xi32, #tpu.memory_space<vmem>>) semaphore(%arg9 : memref<!tpu.dma_semaphore, #tpu.memory_space<semaphore_mem>>)
    %dma_wait3A_111 = arith.constant 6 : i32
    %dma_wait3A_112 = arith.constant 0 : i32
    %dma_wait3A_113 = tpu.memref_slice %arg5[%dma_wait3A_111, %dma_wait3A_112] : memref<16x128xi32, #tpu.memory_space<vmem>> -> memref<1x128xi32, #tpu.memory_space<vmem>>
    %dma_wait3A_114 = tpu.memref_squeeze %dma_wait3A_113 : memref<1x128xi32, #tpu.memory_space<vmem>> -> memref<128xi32, #tpu.memory_space<vmem>>
    %dma_wait3A_115 = arith.constant 0 : i32
    %dma_wait3A_116 = arith.constant 0 : i32
    %dma_wait3A_117 = tpu.memref_slice %arg2[%dma_wait3A_115, %dma_wait3A_116] : memref<640x256xf32, #tpu.memory_space<hbm>> -> memref<640x256xf32, #tpu.memory_space<hbm>>
    tpu.wait_indirect_dma semaphore(%arg8 : memref<!tpu.dma_semaphore, #tpu.memory_space<semaphore_mem>>) src(%dma_wait3A_117 : memref<640x256xf32, #tpu.memory_space<hbm>>) dst(%arg6 : memref<128x256xf32, #tpu.memory_space<vmem>>)
    %add3A_118 = arith.constant 768 : i32
    %add3A_119 = arith.addi %mul3A_2, %add3A_118 : i32
    "tpu.region"() ({
      %run_scoped3A = tpu.sem_alloc : memref<!tpu.dma_semaphore, #tpu.memory_space<semaphore_mem>>
      %dma_start3A_257 = arith.constant 0 : i32
      %dma_start3A_258 = tpu.memref_slice %arg4[%add3A_119, %dma_start3A_257] : memref<65536x256xf32, #tpu.memory_space<hbm>> -> memref<128x256xf32, #tpu.memory_space<hbm>>
      %dma_start3A_259 = arith.constant 0 : i32
      %dma_start3A_260 = tpu.memref_slice %arg4[%add3A_119, %dma_start3A_259] : memref<65536x256xf32, #tpu.memory_space<hbm>> -> memref<128x256xf32, #tpu.memory_space<hbm>>
      tpu.enqueue_dma source(%arg6 : memref<128x256xf32, #tpu.memory_space<vmem>>) target(%dma_start3A_260 : memref<128x256xf32, #tpu.memory_space<hbm>>) target_semaphore(%run_scoped3A : memref<!tpu.dma_semaphore, #tpu.memory_space<semaphore_mem>>)
      %dma_wait3A_261 = arith.constant 0 : i32
      %dma_wait3A_262 = tpu.memref_slice %arg4[%add3A_119, %dma_wait3A_261] : memref<65536x256xf32, #tpu.memory_space<hbm>> -> memref<128x256xf32, #tpu.memory_space<hbm>>
      %dma_wait3A_263 = arith.constant 0 : i32
      %dma_wait3A_264 = tpu.memref_slice %arg4[%add3A_119, %dma_wait3A_263] : memref<65536x256xf32, #tpu.memory_space<hbm>> -> memref<128x256xf32, #tpu.memory_space<hbm>>
      tpu.wait_dma2 semaphore(%run_scoped3A : memref<!tpu.dma_semaphore, #tpu.memory_space<semaphore_mem>>) src(%arg6 : memref<128x256xf32, #tpu.memory_space<vmem>>) dst(%dma_wait3A_264 : memref<128x256xf32, #tpu.memory_space<hbm>>)
      tpu.yield
    }) : () -> ()
    %dma_start3A_120 = arith.constant 8 : i32
    %dma_start3A_121 = arith.constant 0 : i32
    %dma_start3A_122 = tpu.memref_slice %arg5[%dma_start3A_120, %dma_start3A_121] : memref<16x128xi32, #tpu.memory_space<vmem>> -> memref<1x128xi32, #tpu.memory_space<vmem>>
    %dma_start3A_123 = tpu.memref_squeeze %dma_start3A_122 : memref<1x128xi32, #tpu.memory_space<vmem>> -> memref<128xi32, #tpu.memory_space<vmem>>
    %dma_start3A_124 = arith.constant 0 : i32
    %dma_start3A_125 = arith.constant 0 : i32
    %dma_start3A_126 = tpu.memref_slice %arg2[%dma_start3A_124, %dma_start3A_125] : memref<640x256xf32, #tpu.memory_space<hbm>> -> memref<640x256xf32, #tpu.memory_space<hbm>>
    tpu.enqueue_indirect_dma source(%dma_start3A_126 : memref<640x256xf32, #tpu.memory_space<hbm>>) target(%arg6 : memref<128x256xf32, #tpu.memory_space<vmem>>) offsets(%dma_start3A_123 : memref<128xi32, #tpu.memory_space<vmem>>) semaphore(%arg8 : memref<!tpu.dma_semaphore, #tpu.memory_space<semaphore_mem>>)
    %dma_wait3A_127 = arith.constant 7 : i32
    %dma_wait3A_128 = arith.constant 0 : i32
    %dma_wait3A_129 = tpu.memref_slice %arg5[%dma_wait3A_127, %dma_wait3A_128] : memref<16x128xi32, #tpu.memory_space<vmem>> -> memref<1x128xi32, #tpu.memory_space<vmem>>
    %dma_wait3A_130 = tpu.memref_squeeze %dma_wait3A_129 : memref<1x128xi32, #tpu.memory_space<vmem>> -> memref<128xi32, #tpu.memory_space<vmem>>
    %dma_wait3A_131 = arith.constant 0 : i32
    %dma_wait3A_132 = arith.constant 0 : i32
    %dma_wait3A_133 = tpu.memref_slice %arg2[%dma_wait3A_131, %dma_wait3A_132] : memref<640x256xf32, #tpu.memory_space<hbm>> -> memref<640x256xf32, #tpu.memory_space<hbm>>
    tpu.wait_indirect_dma semaphore(%arg9 : memref<!tpu.dma_semaphore, #tpu.memory_space<semaphore_mem>>) src(%dma_wait3A_133 : memref<640x256xf32, #tpu.memory_space<hbm>>) dst(%arg7 : memref<128x256xf32, #tpu.memory_space<vmem>>)
    %add3A_134 = arith.constant 896 : i32
    %add3A_135 = arith.addi %mul3A_2, %add3A_134 : i32
    "tpu.region"() ({
      %run_scoped3A = tpu.sem_alloc : memref<!tpu.dma_semaphore, #tpu.memory_space<semaphore_mem>>
      %dma_start3A_257 = arith.constant 0 : i32
      %dma_start3A_258 = tpu.memref_slice %arg4[%add3A_135, %dma_start3A_257] : memref<65536x256xf32, #tpu.memory_space<hbm>> -> memref<128x256xf32, #tpu.memory_space<hbm>>
      %dma_start3A_259 = arith.constant 0 : i32
      %dma_start3A_260 = tpu.memref_slice %arg4[%add3A_135, %dma_start3A_259] : memref<65536x256xf32, #tpu.memory_space<hbm>> -> memref<128x256xf32, #tpu.memory_space<hbm>>
      tpu.enqueue_dma source(%arg7 : memref<128x256xf32, #tpu.memory_space<vmem>>) target(%dma_start3A_260 : memref<128x256xf32, #tpu.memory_space<hbm>>) target_semaphore(%run_scoped3A : memref<!tpu.dma_semaphore, #tpu.memory_space<semaphore_mem>>)
      %dma_wait3A_261 = arith.constant 0 : i32
      %dma_wait3A_262 = tpu.memref_slice %arg4[%add3A_135, %dma_wait3A_261] : memref<65536x256xf32, #tpu.memory_space<hbm>> -> memref<128x256xf32, #tpu.memory_space<hbm>>
      %dma_wait3A_263 = arith.constant 0 : i32
      %dma_wait3A_264 = tpu.memref_slice %arg4[%add3A_135, %dma_wait3A_263] : memref<65536x256xf32, #tpu.memory_space<hbm>> -> memref<128x256xf32, #tpu.memory_space<hbm>>
      tpu.wait_dma2 semaphore(%run_scoped3A : memref<!tpu.dma_semaphore, #tpu.memory_space<semaphore_mem>>) src(%arg7 : memref<128x256xf32, #tpu.memory_space<vmem>>) dst(%dma_wait3A_264 : memref<128x256xf32, #tpu.memory_space<hbm>>)
      tpu.yield
    }) : () -> ()
    %dma_start3A_136 = arith.constant 9 : i32
    %dma_start3A_137 = arith.constant 0 : i32
    %dma_start3A_138 = tpu.memref_slice %arg5[%dma_start3A_136, %dma_start3A_137] : memref<16x128xi32, #tpu.memory_space<vmem>> -> memref<1x128xi32, #tpu.memory_space<vmem>>
    %dma_start3A_139 = tpu.memref_squeeze %dma_start3A_138 : memref<1x128xi32, #tpu.memory_space<vmem>> -> memref<128xi32, #tpu.memory_space<vmem>>
    %dma_start3A_140 = arith.constant 0 : i32
    %dma_start3A_141 = arith.constant 0 : i32
    %dma_start3A_142 = tpu.memref_slice %arg2[%dma_start3A_140, %dma_start3A_141] : memref<640x256xf32, #tpu.memory_space<hbm>> -> memref<640x256xf32, #tpu.memory_space<hbm>>
    tpu.enqueue_indirect_dma source(%dma_start3A_142 : memref<640x256xf32, #tpu.memory_space<hbm>>) target(%arg7 : memref<128x256xf32, #tpu.memory_space<vmem>>) offsets(%dma_start3A_139 : memref<128xi32, #tpu.memory_space<vmem>>) semaphore(%arg9 : memref<!tpu.dma_semaphore, #tpu.memory_space<semaphore_mem>>)
    %dma_wait3A_143 = arith.constant 8 : i32
    %dma_wait3A_144 = arith.constant 0 : i32
    %dma_wait3A_145 = tpu.memref_slice %arg5[%dma_wait3A_143, %dma_wait3A_144] : memref<16x128xi32, #tpu.memory_space<vmem>> -> memref<1x128xi32, #tpu.memory_space<vmem>>
    %dma_wait3A_146 = tpu.memref_squeeze %dma_wait3A_145 : memref<1x128xi32, #tpu.memory_space<vmem>> -> memref<128xi32, #tpu.memory_space<vmem>>
    %dma_wait3A_147 = arith.constant 0 : i32
    %dma_wait3A_148 = arith.constant 0 : i32
    %dma_wait3A_149 = tpu.memref_slice %arg2[%dma_wait3A_147, %dma_wait3A_148] : memref<640x256xf32, #tpu.memory_space<hbm>> -> memref<640x256xf32, #tpu.memory_space<hbm>>
    tpu.wait_indirect_dma semaphore(%arg8 : memref<!tpu.dma_semaphore, #tpu.memory_space<semaphore_mem>>) src(%dma_wait3A_149 : memref<640x256xf32, #tpu.memory_space<hbm>>) dst(%arg6 : memref<128x256xf32, #tpu.memory_space<vmem>>)
    %add3A_150 = arith.constant 1024 : i32
    %add3A_151 = arith.addi %mul3A_2, %add3A_150 : i32
    "tpu.region"() ({
      %run_scoped3A = tpu.sem_alloc : memref<!tpu.dma_semaphore, #tpu.memory_space<semaphore_mem>>
      %dma_start3A_257 = arith.constant 0 : i32
      %dma_start3A_258 = tpu.memref_slice %arg4[%add3A_151, %dma_start3A_257] : memref<65536x256xf32, #tpu.memory_space<hbm>> -> memref<128x256xf32, #tpu.memory_space<hbm>>
      %dma_start3A_259 = arith.constant 0 : i32
      %dma_start3A_260 = tpu.memref_slice %arg4[%add3A_151, %dma_start3A_259] : memref<65536x256xf32, #tpu.memory_space<hbm>> -> memref<128x256xf32, #tpu.memory_space<hbm>>
      tpu.enqueue_dma source(%arg6 : memref<128x256xf32, #tpu.memory_space<vmem>>) target(%dma_start3A_260 : memref<128x256xf32, #tpu.memory_space<hbm>>) target_semaphore(%run_scoped3A : memref<!tpu.dma_semaphore, #tpu.memory_space<semaphore_mem>>)
      %dma_wait3A_261 = arith.constant 0 : i32
      %dma_wait3A_262 = tpu.memref_slice %arg4[%add3A_151, %dma_wait3A_261] : memref<65536x256xf32, #tpu.memory_space<hbm>> -> memref<128x256xf32, #tpu.memory_space<hbm>>
      %dma_wait3A_263 = arith.constant 0 : i32
      %dma_wait3A_264 = tpu.memref_slice %arg4[%add3A_151, %dma_wait3A_263] : memref<65536x256xf32, #tpu.memory_space<hbm>> -> memref<128x256xf32, #tpu.memory_space<hbm>>
      tpu.wait_dma2 semaphore(%run_scoped3A : memref<!tpu.dma_semaphore, #tpu.memory_space<semaphore_mem>>) src(%arg6 : memref<128x256xf32, #tpu.memory_space<vmem>>) dst(%dma_wait3A_264 : memref<128x256xf32, #tpu.memory_space<hbm>>)
      tpu.yield
    }) : () -> ()
    %dma_start3A_152 = arith.constant 10 : i32
    %dma_start3A_153 = arith.constant 0 : i32
    %dma_start3A_154 = tpu.memref_slice %arg5[%dma_start3A_152, %dma_start3A_153] : memref<16x128xi32, #tpu.memory_space<vmem>> -> memref<1x128xi32, #tpu.memory_space<vmem>>
    %dma_start3A_155 = tpu.memref_squeeze %dma_start3A_154 : memref<1x128xi32, #tpu.memory_space<vmem>> -> memref<128xi32, #tpu.memory_space<vmem>>
    %dma_start3A_156 = arith.constant 0 : i32
    %dma_start3A_157 = arith.constant 0 : i32
    %dma_start3A_158 = tpu.memref_slice %arg2[%dma_start3A_156, %dma_start3A_157] : memref<640x256xf32, #tpu.memory_space<hbm>> -> memref<640x256xf32, #tpu.memory_space<hbm>>
    tpu.enqueue_indirect_dma source(%dma_start3A_158 : memref<640x256xf32, #tpu.memory_space<hbm>>) target(%arg6 : memref<128x256xf32, #tpu.memory_space<vmem>>) offsets(%dma_start3A_155 : memref<128xi32, #tpu.memory_space<vmem>>) semaphore(%arg8 : memref<!tpu.dma_semaphore, #tpu.memory_space<semaphore_mem>>)
    %dma_wait3A_159 = arith.constant 9 : i32
    %dma_wait3A_160 = arith.constant 0 : i32
    %dma_wait3A_161 = tpu.memref_slice %arg5[%dma_wait3A_159, %dma_wait3A_160] : memref<16x128xi32, #tpu.memory_space<vmem>> -> memref<1x128xi32, #tpu.memory_space<vmem>>
    %dma_wait3A_162 = tpu.memref_squeeze %dma_wait3A_161 : memref<1x128xi32, #tpu.memory_space<vmem>> -> memref<128xi32, #tpu.memory_space<vmem>>
    %dma_wait3A_163 = arith.constant 0 : i32
    %dma_wait3A_164 = arith.constant 0 : i32
    %dma_wait3A_165 = tpu.memref_slice %arg2[%dma_wait3A_163, %dma_wait3A_164] : memref<640x256xf32, #tpu.memory_space<hbm>> -> memref<640x256xf32, #tpu.memory_space<hbm>>
    tpu.wait_indirect_dma semaphore(%arg9 : memref<!tpu.dma_semaphore, #tpu.memory_space<semaphore_mem>>) src(%dma_wait3A_165 : memref<640x256xf32, #tpu.memory_space<hbm>>) dst(%arg7 : memref<128x256xf32, #tpu.memory_space<vmem>>)
    %add3A_166 = arith.constant 1152 : i32
    %add3A_167 = arith.addi %mul3A_2, %add3A_166 : i32
    "tpu.region"() ({
      %run_scoped3A = tpu.sem_alloc : memref<!tpu.dma_semaphore, #tpu.memory_space<semaphore_mem>>
      %dma_start3A_257 = arith.constant 0 : i32
      %dma_start3A_258 = tpu.memref_slice %arg4[%add3A_167, %dma_start3A_257] : memref<65536x256xf32, #tpu.memory_space<hbm>> -> memref<128x256xf32, #tpu.memory_space<hbm>>
      %dma_start3A_259 = arith.constant 0 : i32
      %dma_start3A_260 = tpu.memref_slice %arg4[%add3A_167, %dma_start3A_259] : memref<65536x256xf32, #tpu.memory_space<hbm>> -> memref<128x256xf32, #tpu.memory_space<hbm>>
      tpu.enqueue_dma source(%arg7 : memref<128x256xf32, #tpu.memory_space<vmem>>) target(%dma_start3A_260 : memref<128x256xf32, #tpu.memory_space<hbm>>) target_semaphore(%run_scoped3A : memref<!tpu.dma_semaphore, #tpu.memory_space<semaphore_mem>>)
      %dma_wait3A_261 = arith.constant 0 : i32
      %dma_wait3A_262 = tpu.memref_slice %arg4[%add3A_167, %dma_wait3A_261] : memref<65536x256xf32, #tpu.memory_space<hbm>> -> memref<128x256xf32, #tpu.memory_space<hbm>>
      %dma_wait3A_263 = arith.constant 0 : i32
      %dma_wait3A_264 = tpu.memref_slice %arg4[%add3A_167, %dma_wait3A_263] : memref<65536x256xf32, #tpu.memory_space<hbm>> -> memref<128x256xf32, #tpu.memory_space<hbm>>
      tpu.wait_dma2 semaphore(%run_scoped3A : memref<!tpu.dma_semaphore, #tpu.memory_space<semaphore_mem>>) src(%arg7 : memref<128x256xf32, #tpu.memory_space<vmem>>) dst(%dma_wait3A_264 : memref<128x256xf32, #tpu.memory_space<hbm>>)
      tpu.yield
    }) : () -> ()
    %dma_start3A_168 = arith.constant 11 : i32
    %dma_start3A_169 = arith.constant 0 : i32
    %dma_start3A_170 = tpu.memref_slice %arg5[%dma_start3A_168, %dma_start3A_169] : memref<16x128xi32, #tpu.memory_space<vmem>> -> memref<1x128xi32, #tpu.memory_space<vmem>>
    %dma_start3A_171 = tpu.memref_squeeze %dma_start3A_170 : memref<1x128xi32, #tpu.memory_space<vmem>> -> memref<128xi32, #tpu.memory_space<vmem>>
    %dma_start3A_172 = arith.constant 0 : i32
    %dma_start3A_173 = arith.constant 0 : i32
    %dma_start3A_174 = tpu.memref_slice %arg2[%dma_start3A_172, %dma_start3A_173] : memref<640x256xf32, #tpu.memory_space<hbm>> -> memref<640x256xf32, #tpu.memory_space<hbm>>
    tpu.enqueue_indirect_dma source(%dma_start3A_174 : memref<640x256xf32, #tpu.memory_space<hbm>>) target(%arg7 : memref<128x256xf32, #tpu.memory_space<vmem>>) offsets(%dma_start3A_171 : memref<128xi32, #tpu.memory_space<vmem>>) semaphore(%arg9 : memref<!tpu.dma_semaphore, #tpu.memory_space<semaphore_mem>>)
    %dma_wait3A_175 = arith.constant 10 : i32
    %dma_wait3A_176 = arith.constant 0 : i32
    %dma_wait3A_177 = tpu.memref_slice %arg5[%dma_wait3A_175, %dma_wait3A_176] : memref<16x128xi32, #tpu.memory_space<vmem>> -> memref<1x128xi32, #tpu.memory_space<vmem>>
    %dma_wait3A_178 = tpu.memref_squeeze %dma_wait3A_177 : memref<1x128xi32, #tpu.memory_space<vmem>> -> memref<128xi32, #tpu.memory_space<vmem>>
    %dma_wait3A_179 = arith.constant 0 : i32
    %dma_wait3A_180 = arith.constant 0 : i32
    %dma_wait3A_181 = tpu.memref_slice %arg2[%dma_wait3A_179, %dma_wait3A_180] : memref<640x256xf32, #tpu.memory_space<hbm>> -> memref<640x256xf32, #tpu.memory_space<hbm>>
    tpu.wait_indirect_dma semaphore(%arg8 : memref<!tpu.dma_semaphore, #tpu.memory_space<semaphore_mem>>) src(%dma_wait3A_181 : memref<640x256xf32, #tpu.memory_space<hbm>>) dst(%arg6 : memref<128x256xf32, #tpu.memory_space<vmem>>)
    %add3A_182 = arith.constant 1280 : i32
    %add3A_183 = arith.addi %mul3A_2, %add3A_182 : i32
    "tpu.region"() ({
      %run_scoped3A = tpu.sem_alloc : memref<!tpu.dma_semaphore, #tpu.memory_space<semaphore_mem>>
      %dma_start3A_257 = arith.constant 0 : i32
      %dma_start3A_258 = tpu.memref_slice %arg4[%add3A_183, %dma_start3A_257] : memref<65536x256xf32, #tpu.memory_space<hbm>> -> memref<128x256xf32, #tpu.memory_space<hbm>>
      %dma_start3A_259 = arith.constant 0 : i32
      %dma_start3A_260 = tpu.memref_slice %arg4[%add3A_183, %dma_start3A_259] : memref<65536x256xf32, #tpu.memory_space<hbm>> -> memref<128x256xf32, #tpu.memory_space<hbm>>
      tpu.enqueue_dma source(%arg6 : memref<128x256xf32, #tpu.memory_space<vmem>>) target(%dma_start3A_260 : memref<128x256xf32, #tpu.memory_space<hbm>>) target_semaphore(%run_scoped3A : memref<!tpu.dma_semaphore, #tpu.memory_space<semaphore_mem>>)
      %dma_wait3A_261 = arith.constant 0 : i32
      %dma_wait3A_262 = tpu.memref_slice %arg4[%add3A_183, %dma_wait3A_261] : memref<65536x256xf32, #tpu.memory_space<hbm>> -> memref<128x256xf32, #tpu.memory_space<hbm>>
      %dma_wait3A_263 = arith.constant 0 : i32
      %dma_wait3A_264 = tpu.memref_slice %arg4[%add3A_183, %dma_wait3A_263] : memref<65536x256xf32, #tpu.memory_space<hbm>> -> memref<128x256xf32, #tpu.memory_space<hbm>>
      tpu.wait_dma2 semaphore(%run_scoped3A : memref<!tpu.dma_semaphore, #tpu.memory_space<semaphore_mem>>) src(%arg6 : memref<128x256xf32, #tpu.memory_space<vmem>>) dst(%dma_wait3A_264 : memref<128x256xf32, #tpu.memory_space<hbm>>)
      tpu.yield
    }) : () -> ()
    %dma_start3A_184 = arith.constant 12 : i32
    %dma_start3A_185 = arith.constant 0 : i32
    %dma_start3A_186 = tpu.memref_slice %arg5[%dma_start3A_184, %dma_start3A_185] : memref<16x128xi32, #tpu.memory_space<vmem>> -> memref<1x128xi32, #tpu.memory_space<vmem>>
    %dma_start3A_187 = tpu.memref_squeeze %dma_start3A_186 : memref<1x128xi32, #tpu.memory_space<vmem>> -> memref<128xi32, #tpu.memory_space<vmem>>
    %dma_start3A_188 = arith.constant 0 : i32
    %dma_start3A_189 = arith.constant 0 : i32
    %dma_start3A_190 = tpu.memref_slice %arg2[%dma_start3A_188, %dma_start3A_189] : memref<640x256xf32, #tpu.memory_space<hbm>> -> memref<640x256xf32, #tpu.memory_space<hbm>>
    tpu.enqueue_indirect_dma source(%dma_start3A_190 : memref<640x256xf32, #tpu.memory_space<hbm>>) target(%arg6 : memref<128x256xf32, #tpu.memory_space<vmem>>) offsets(%dma_start3A_187 : memref<128xi32, #tpu.memory_space<vmem>>) semaphore(%arg8 : memref<!tpu.dma_semaphore, #tpu.memory_space<semaphore_mem>>)
    %dma_wait3A_191 = arith.constant 11 : i32
    %dma_wait3A_192 = arith.constant 0 : i32
    %dma_wait3A_193 = tpu.memref_slice %arg5[%dma_wait3A_191, %dma_wait3A_192] : memref<16x128xi32, #tpu.memory_space<vmem>> -> memref<1x128xi32, #tpu.memory_space<vmem>>
    %dma_wait3A_194 = tpu.memref_squeeze %dma_wait3A_193 : memref<1x128xi32, #tpu.memory_space<vmem>> -> memref<128xi32, #tpu.memory_space<vmem>>
    %dma_wait3A_195 = arith.constant 0 : i32
    %dma_wait3A_196 = arith.constant 0 : i32
    %dma_wait3A_197 = tpu.memref_slice %arg2[%dma_wait3A_195, %dma_wait3A_196] : memref<640x256xf32, #tpu.memory_space<hbm>> -> memref<640x256xf32, #tpu.memory_space<hbm>>
    tpu.wait_indirect_dma semaphore(%arg9 : memref<!tpu.dma_semaphore, #tpu.memory_space<semaphore_mem>>) src(%dma_wait3A_197 : memref<640x256xf32, #tpu.memory_space<hbm>>) dst(%arg7 : memref<128x256xf32, #tpu.memory_space<vmem>>)
    %add3A_198 = arith.constant 1408 : i32
    %add3A_199 = arith.addi %mul3A_2, %add3A_198 : i32
    "tpu.region"() ({
      %run_scoped3A = tpu.sem_alloc : memref<!tpu.dma_semaphore, #tpu.memory_space<semaphore_mem>>
      %dma_start3A_257 = arith.constant 0 : i32
      %dma_start3A_258 = tpu.memref_slice %arg4[%add3A_199, %dma_start3A_257] : memref<65536x256xf32, #tpu.memory_space<hbm>> -> memref<128x256xf32, #tpu.memory_space<hbm>>
      %dma_start3A_259 = arith.constant 0 : i32
      %dma_start3A_260 = tpu.memref_slice %arg4[%add3A_199, %dma_start3A_259] : memref<65536x256xf32, #tpu.memory_space<hbm>> -> memref<128x256xf32, #tpu.memory_space<hbm>>
      tpu.enqueue_dma source(%arg7 : memref<128x256xf32, #tpu.memory_space<vmem>>) target(%dma_start3A_260 : memref<128x256xf32, #tpu.memory_space<hbm>>) target_semaphore(%run_scoped3A : memref<!tpu.dma_semaphore, #tpu.memory_space<semaphore_mem>>)
      %dma_wait3A_261 = arith.constant 0 : i32
      %dma_wait3A_262 = tpu.memref_slice %arg4[%add3A_199, %dma_wait3A_261] : memref<65536x256xf32, #tpu.memory_space<hbm>> -> memref<128x256xf32, #tpu.memory_space<hbm>>
      %dma_wait3A_263 = arith.constant 0 : i32
      %dma_wait3A_264 = tpu.memref_slice %arg4[%add3A_199, %dma_wait3A_263] : memref<65536x256xf32, #tpu.memory_space<hbm>> -> memref<128x256xf32, #tpu.memory_space<hbm>>
      tpu.wait_dma2 semaphore(%run_scoped3A : memref<!tpu.dma_semaphore, #tpu.memory_space<semaphore_mem>>) src(%arg7 : memref<128x256xf32, #tpu.memory_space<vmem>>) dst(%dma_wait3A_264 : memref<128x256xf32, #tpu.memory_space<hbm>>)
      tpu.yield
    }) : () -> ()
    %dma_start3A_200 = arith.constant 13 : i32
    %dma_start3A_201 = arith.constant 0 : i32
    %dma_start3A_202 = tpu.memref_slice %arg5[%dma_start3A_200, %dma_start3A_201] : memref<16x128xi32, #tpu.memory_space<vmem>> -> memref<1x128xi32, #tpu.memory_space<vmem>>
    %dma_start3A_203 = tpu.memref_squeeze %dma_start3A_202 : memref<1x128xi32, #tpu.memory_space<vmem>> -> memref<128xi32, #tpu.memory_space<vmem>>
    %dma_start3A_204 = arith.constant 0 : i32
    %dma_start3A_205 = arith.constant 0 : i32
    %dma_start3A_206 = tpu.memref_slice %arg2[%dma_start3A_204, %dma_start3A_205] : memref<640x256xf32, #tpu.memory_space<hbm>> -> memref<640x256xf32, #tpu.memory_space<hbm>>
    tpu.enqueue_indirect_dma source(%dma_start3A_206 : memref<640x256xf32, #tpu.memory_space<hbm>>) target(%arg7 : memref<128x256xf32, #tpu.memory_space<vmem>>) offsets(%dma_start3A_203 : memref<128xi32, #tpu.memory_space<vmem>>) semaphore(%arg9 : memref<!tpu.dma_semaphore, #tpu.memory_space<semaphore_mem>>)
    %dma_wait3A_207 = arith.constant 12 : i32
    %dma_wait3A_208 = arith.constant 0 : i32
    %dma_wait3A_209 = tpu.memref_slice %arg5[%dma_wait3A_207, %dma_wait3A_208] : memref<16x128xi32, #tpu.memory_space<vmem>> -> memref<1x128xi32, #tpu.memory_space<vmem>>
    %dma_wait3A_210 = tpu.memref_squeeze %dma_wait3A_209 : memref<1x128xi32, #tpu.memory_space<vmem>> -> memref<128xi32, #tpu.memory_space<vmem>>
    %dma_wait3A_211 = arith.constant 0 : i32
    %dma_wait3A_212 = arith.constant 0 : i32
    %dma_wait3A_213 = tpu.memref_slice %arg2[%dma_wait3A_211, %dma_wait3A_212] : memref<640x256xf32, #tpu.memory_space<hbm>> -> memref<640x256xf32, #tpu.memory_space<hbm>>
    tpu.wait_indirect_dma semaphore(%arg8 : memref<!tpu.dma_semaphore, #tpu.memory_space<semaphore_mem>>) src(%dma_wait3A_213 : memref<640x256xf32, #tpu.memory_space<hbm>>) dst(%arg6 : memref<128x256xf32, #tpu.memory_space<vmem>>)
    %add3A_214 = arith.constant 1536 : i32
    %add3A_215 = arith.addi %mul3A_2, %add3A_214 : i32
    "tpu.region"() ({
      %run_scoped3A = tpu.sem_alloc : memref<!tpu.dma_semaphore, #tpu.memory_space<semaphore_mem>>
      %dma_start3A_257 = arith.constant 0 : i32
      %dma_start3A_258 = tpu.memref_slice %arg4[%add3A_215, %dma_start3A_257] : memref<65536x256xf32, #tpu.memory_space<hbm>> -> memref<128x256xf32, #tpu.memory_space<hbm>>
      %dma_start3A_259 = arith.constant 0 : i32
      %dma_start3A_260 = tpu.memref_slice %arg4[%add3A_215, %dma_start3A_259] : memref<65536x256xf32, #tpu.memory_space<hbm>> -> memref<128x256xf32, #tpu.memory_space<hbm>>
      tpu.enqueue_dma source(%arg6 : memref<128x256xf32, #tpu.memory_space<vmem>>) target(%dma_start3A_260 : memref<128x256xf32, #tpu.memory_space<hbm>>) target_semaphore(%run_scoped3A : memref<!tpu.dma_semaphore, #tpu.memory_space<semaphore_mem>>)
      %dma_wait3A_261 = arith.constant 0 : i32
      %dma_wait3A_262 = tpu.memref_slice %arg4[%add3A_215, %dma_wait3A_261] : memref<65536x256xf32, #tpu.memory_space<hbm>> -> memref<128x256xf32, #tpu.memory_space<hbm>>
      %dma_wait3A_263 = arith.constant 0 : i32
      %dma_wait3A_264 = tpu.memref_slice %arg4[%add3A_215, %dma_wait3A_263] : memref<65536x256xf32, #tpu.memory_space<hbm>> -> memref<128x256xf32, #tpu.memory_space<hbm>>
      tpu.wait_dma2 semaphore(%run_scoped3A : memref<!tpu.dma_semaphore, #tpu.memory_space<semaphore_mem>>) src(%arg6 : memref<128x256xf32, #tpu.memory_space<vmem>>) dst(%dma_wait3A_264 : memref<128x256xf32, #tpu.memory_space<hbm>>)
      tpu.yield
    }) : () -> ()
    %dma_start3A_216 = arith.constant 14 : i32
    %dma_start3A_217 = arith.constant 0 : i32
    %dma_start3A_218 = tpu.memref_slice %arg5[%dma_start3A_216, %dma_start3A_217] : memref<16x128xi32, #tpu.memory_space<vmem>> -> memref<1x128xi32, #tpu.memory_space<vmem>>
    %dma_start3A_219 = tpu.memref_squeeze %dma_start3A_218 : memref<1x128xi32, #tpu.memory_space<vmem>> -> memref<128xi32, #tpu.memory_space<vmem>>
    %dma_start3A_220 = arith.constant 0 : i32
    %dma_start3A_221 = arith.constant 0 : i32
    %dma_start3A_222 = tpu.memref_slice %arg2[%dma_start3A_220, %dma_start3A_221] : memref<640x256xf32, #tpu.memory_space<hbm>> -> memref<640x256xf32, #tpu.memory_space<hbm>>
    tpu.enqueue_indirect_dma source(%dma_start3A_222 : memref<640x256xf32, #tpu.memory_space<hbm>>) target(%arg6 : memref<128x256xf32, #tpu.memory_space<vmem>>) offsets(%dma_start3A_219 : memref<128xi32, #tpu.memory_space<vmem>>) semaphore(%arg8 : memref<!tpu.dma_semaphore, #tpu.memory_space<semaphore_mem>>)
    %dma_wait3A_223 = arith.constant 13 : i32
    %dma_wait3A_224 = arith.constant 0 : i32
    %dma_wait3A_225 = tpu.memref_slice %arg5[%dma_wait3A_223, %dma_wait3A_224] : memref<16x128xi32, #tpu.memory_space<vmem>> -> memref<1x128xi32, #tpu.memory_space<vmem>>
    %dma_wait3A_226 = tpu.memref_squeeze %dma_wait3A_225 : memref<1x128xi32, #tpu.memory_space<vmem>> -> memref<128xi32, #tpu.memory_space<vmem>>
    %dma_wait3A_227 = arith.constant 0 : i32
    %dma_wait3A_228 = arith.constant 0 : i32
    %dma_wait3A_229 = tpu.memref_slice %arg2[%dma_wait3A_227, %dma_wait3A_228] : memref<640x256xf32, #tpu.memory_space<hbm>> -> memref<640x256xf32, #tpu.memory_space<hbm>>
    tpu.wait_indirect_dma semaphore(%arg9 : memref<!tpu.dma_semaphore, #tpu.memory_space<semaphore_mem>>) src(%dma_wait3A_229 : memref<640x256xf32, #tpu.memory_space<hbm>>) dst(%arg7 : memref<128x256xf32, #tpu.memory_space<vmem>>)
    %add3A_230 = arith.constant 1664 : i32
    %add3A_231 = arith.addi %mul3A_2, %add3A_230 : i32
    "tpu.region"() ({
      %run_scoped3A = tpu.sem_alloc : memref<!tpu.dma_semaphore, #tpu.memory_space<semaphore_mem>>
      %dma_start3A_257 = arith.constant 0 : i32
      %dma_start3A_258 = tpu.memref_slice %arg4[%add3A_231, %dma_start3A_257] : memref<65536x256xf32, #tpu.memory_space<hbm>> -> memref<128x256xf32, #tpu.memory_space<hbm>>
      %dma_start3A_259 = arith.constant 0 : i32
      %dma_start3A_260 = tpu.memref_slice %arg4[%add3A_231, %dma_start3A_259] : memref<65536x256xf32, #tpu.memory_space<hbm>> -> memref<128x256xf32, #tpu.memory_space<hbm>>
      tpu.enqueue_dma source(%arg7 : memref<128x256xf32, #tpu.memory_space<vmem>>) target(%dma_start3A_260 : memref<128x256xf32, #tpu.memory_space<hbm>>) target_semaphore(%run_scoped3A : memref<!tpu.dma_semaphore, #tpu.memory_space<semaphore_mem>>)
      %dma_wait3A_261 = arith.constant 0 : i32
      %dma_wait3A_262 = tpu.memref_slice %arg4[%add3A_231, %dma_wait3A_261] : memref<65536x256xf32, #tpu.memory_space<hbm>> -> memref<128x256xf32, #tpu.memory_space<hbm>>
      %dma_wait3A_263 = arith.constant 0 : i32
      %dma_wait3A_264 = tpu.memref_slice %arg4[%add3A_231, %dma_wait3A_263] : memref<65536x256xf32, #tpu.memory_space<hbm>> -> memref<128x256xf32, #tpu.memory_space<hbm>>
      tpu.wait_dma2 semaphore(%run_scoped3A : memref<!tpu.dma_semaphore, #tpu.memory_space<semaphore_mem>>) src(%arg7 : memref<128x256xf32, #tpu.memory_space<vmem>>) dst(%dma_wait3A_264 : memref<128x256xf32, #tpu.memory_space<hbm>>)
      tpu.yield
    }) : () -> ()
    %dma_start3A_232 = arith.constant 15 : i32
    %dma_start3A_233 = arith.constant 0 : i32
    %dma_start3A_234 = tpu.memref_slice %arg5[%dma_start3A_232, %dma_start3A_233] : memref<16x128xi32, #tpu.memory_space<vmem>> -> memref<1x128xi32, #tpu.memory_space<vmem>>
    %dma_start3A_235 = tpu.memref_squeeze %dma_start3A_234 : memref<1x128xi32, #tpu.memory_space<vmem>> -> memref<128xi32, #tpu.memory_space<vmem>>
    %dma_start3A_236 = arith.constant 0 : i32
    %dma_start3A_237 = arith.constant 0 : i32
    %dma_start3A_238 = tpu.memref_slice %arg2[%dma_start3A_236, %dma_start3A_237] : memref<640x256xf32, #tpu.memory_space<hbm>> -> memref<640x256xf32, #tpu.memory_space<hbm>>
    tpu.enqueue_indirect_dma source(%dma_start3A_238 : memref<640x256xf32, #tpu.memory_space<hbm>>) target(%arg7 : memref<128x256xf32, #tpu.memory_space<vmem>>) offsets(%dma_start3A_235 : memref<128xi32, #tpu.memory_space<vmem>>) semaphore(%arg9 : memref<!tpu.dma_semaphore, #tpu.memory_space<semaphore_mem>>)
    %dma_wait3A_239 = arith.constant 14 : i32
    %dma_wait3A_240 = arith.constant 0 : i32
    %dma_wait3A_241 = tpu.memref_slice %arg5[%dma_wait3A_239, %dma_wait3A_240] : memref<16x128xi32, #tpu.memory_space<vmem>> -> memref<1x128xi32, #tpu.memory_space<vmem>>
    %dma_wait3A_242 = tpu.memref_squeeze %dma_wait3A_241 : memref<1x128xi32, #tpu.memory_space<vmem>> -> memref<128xi32, #tpu.memory_space<vmem>>
    %dma_wait3A_243 = arith.constant 0 : i32
    %dma_wait3A_244 = arith.constant 0 : i32
    %dma_wait3A_245 = tpu.memref_slice %arg2[%dma_wait3A_243, %dma_wait3A_244] : memref<640x256xf32, #tpu.memory_space<hbm>> -> memref<640x256xf32, #tpu.memory_space<hbm>>
    tpu.wait_indirect_dma semaphore(%arg8 : memref<!tpu.dma_semaphore, #tpu.memory_space<semaphore_mem>>) src(%dma_wait3A_245 : memref<640x256xf32, #tpu.memory_space<hbm>>) dst(%arg6 : memref<128x256xf32, #tpu.memory_space<vmem>>)
    %add3A_246 = arith.constant 1792 : i32
    %add3A_247 = arith.addi %mul3A_2, %add3A_246 : i32
    "tpu.region"() ({
      %run_scoped3A = tpu.sem_alloc : memref<!tpu.dma_semaphore, #tpu.memory_space<semaphore_mem>>
      %dma_start3A_257 = arith.constant 0 : i32
      %dma_start3A_258 = tpu.memref_slice %arg4[%add3A_247, %dma_start3A_257] : memref<65536x256xf32, #tpu.memory_space<hbm>> -> memref<128x256xf32, #tpu.memory_space<hbm>>
      %dma_start3A_259 = arith.constant 0 : i32
      %dma_start3A_260 = tpu.memref_slice %arg4[%add3A_247, %dma_start3A_259] : memref<65536x256xf32, #tpu.memory_space<hbm>> -> memref<128x256xf32, #tpu.memory_space<hbm>>
      tpu.enqueue_dma source(%arg6 : memref<128x256xf32, #tpu.memory_space<vmem>>) target(%dma_start3A_260 : memref<128x256xf32, #tpu.memory_space<hbm>>) target_semaphore(%run_scoped3A : memref<!tpu.dma_semaphore, #tpu.memory_space<semaphore_mem>>)
      %dma_wait3A_261 = arith.constant 0 : i32
      %dma_wait3A_262 = tpu.memref_slice %arg4[%add3A_247, %dma_wait3A_261] : memref<65536x256xf32, #tpu.memory_space<hbm>> -> memref<128x256xf32, #tpu.memory_space<hbm>>
      %dma_wait3A_263 = arith.constant 0 : i32
      %dma_wait3A_264 = tpu.memref_slice %arg4[%add3A_247, %dma_wait3A_263] : memref<65536x256xf32, #tpu.memory_space<hbm>> -> memref<128x256xf32, #tpu.memory_space<hbm>>
      tpu.wait_dma2 semaphore(%run_scoped3A : memref<!tpu.dma_semaphore, #tpu.memory_space<semaphore_mem>>) src(%arg6 : memref<128x256xf32, #tpu.memory_space<vmem>>) dst(%dma_wait3A_264 : memref<128x256xf32, #tpu.memory_space<hbm>>)
      tpu.yield
    }) : () -> ()
    %dma_wait3A_248 = arith.constant 15 : i32
    %dma_wait3A_249 = arith.constant 0 : i32
    %dma_wait3A_250 = tpu.memref_slice %arg5[%dma_wait3A_248, %dma_wait3A_249] : memref<16x128xi32, #tpu.memory_space<vmem>> -> memref<1x128xi32, #tpu.memory_space<vmem>>
    %dma_wait3A_251 = tpu.memref_squeeze %dma_wait3A_250 : memref<1x128xi32, #tpu.memory_space<vmem>> -> memref<128xi32, #tpu.memory_space<vmem>>
    %dma_wait3A_252 = arith.constant 0 : i32
    %dma_wait3A_253 = arith.constant 0 : i32
    %dma_wait3A_254 = tpu.memref_slice %arg2[%dma_wait3A_252, %dma_wait3A_253] : memref<640x256xf32, #tpu.memory_space<hbm>> -> memref<640x256xf32, #tpu.memory_space<hbm>>
    tpu.wait_indirect_dma semaphore(%arg9 : memref<!tpu.dma_semaphore, #tpu.memory_space<semaphore_mem>>) src(%dma_wait3A_254 : memref<640x256xf32, #tpu.memory_space<hbm>>) dst(%arg7 : memref<128x256xf32, #tpu.memory_space<vmem>>)
    %add3A_255 = arith.constant 1920 : i32
    %add3A_256 = arith.addi %mul3A_2, %add3A_255 : i32
    "tpu.region"() ({
      %run_scoped3A = tpu.sem_alloc : memref<!tpu.dma_semaphore, #tpu.memory_space<semaphore_mem>>
      %dma_start3A_257 = arith.constant 0 : i32
      %dma_start3A_258 = tpu.memref_slice %arg4[%add3A_256, %dma_start3A_257] : memref<65536x256xf32, #tpu.memory_space<hbm>> -> memref<128x256xf32, #tpu.memory_space<hbm>>
      %dma_start3A_259 = arith.constant 0 : i32
      %dma_start3A_260 = tpu.memref_slice %arg4[%add3A_256, %dma_start3A_259] : memref<65536x256xf32, #tpu.memory_space<hbm>> -> memref<128x256xf32, #tpu.memory_space<hbm>>
      tpu.enqueue_dma source(%arg7 : memref<128x256xf32, #tpu.memory_space<vmem>>) target(%dma_start3A_260 : memref<128x256xf32, #tpu.memory_space<hbm>>) target_semaphore(%run_scoped3A : memref<!tpu.dma_semaphore, #tpu.memory_space<semaphore_mem>>)
      %dma_wait3A_261 = arith.constant 0 : i32
      %dma_wait3A_262 = tpu.memref_slice %arg4[%add3A_256, %dma_wait3A_261] : memref<65536x256xf32, #tpu.memory_space<hbm>> -> memref<128x256xf32, #tpu.memory_space<hbm>>
      %dma_wait3A_263 = arith.constant 0 : i32
      %dma_wait3A_264 = tpu.memref_slice %arg4[%add3A_256, %dma_wait3A_263] : memref<65536x256xf32, #tpu.memory_space<hbm>> -> memref<128x256xf32, #tpu.memory_space<hbm>>
      tpu.wait_dma2 semaphore(%run_scoped3A : memref<!tpu.dma_semaphore, #tpu.memory_space<semaphore_mem>>) src(%arg7 : memref<128x256xf32, #tpu.memory_space<vmem>>) dst(%dma_wait3A_264 : memref<128x256xf32, #tpu.memory_space<hbm>>)
      tpu.yield
    }) : () -> ()
    return
  }
}

module attributes {stable_mosaic.version = 14 : i64} {
  func.func @_tc_body(%arg0: i32, %arg1: memref<2048x512xf32, #tpu.memory_space<vmem>>, %arg2: memref<2048x640xf32, #tpu.memory_space<vmem>>, %arg3: memref<512x640xf32, #tpu.memory_space<vmem>>, %arg4: memref<1x640xf32, #tpu.memory_space<vmem>>, %arg5: memref<2048x2xi32, #tpu.memory_space<vmem>>) attributes {dimension_semantics = [#tpu.dimension_semantics<arbitrary>], iteration_bounds = array<i64: 16>, scalar_prefetch = 0 : i64, scratch_operands = 0 : i64, tpu.core_type = #tpu.core_type<tc>, window_params = [{transform_indices = @transform_0, window_bounds = array<i64: 2048, 512>}, {transform_indices = @transform_1, window_bounds = array<i64: 2048, 640>}, {pipeline_mode = #tpu.pipeline_mode<synchronous>, transform_indices = @transform_2, window_bounds = array<i64: 512, 640>}, {pipeline_mode = #tpu.pipeline_mode<synchronous>, transform_indices = @transform_3, window_bounds = array<i64: 1, 640>}, {transform_indices = @transform_4, window_bounds = array<i64: 2048, 2>}]} {
    %get3A = arith.constant 0 : index
    %get3A_0 = arith.constant 0 : index
    %get3A_1 = vector.load %arg1[%get3A, %get3A_0] : memref<2048x512xf32, #tpu.memory_space<vmem>>, vector<2048x512xf32>
    %get3A_2 = arith.constant 0 : index
    %get3A_3 = arith.constant 0 : index
    %get3A_4 = vector.load %arg3[%get3A_2, %get3A_3] : memref<512x640xf32, #tpu.memory_space<vmem>>, vector<512x640xf32>
    %dot_general3A = arith.constant dense<0.000000e+00> : vector<2048x640xf32>
    %dot_general3A_5 = tpu.matmul %get3A_1, %get3A_4, %dot_general3A {dimension_numbers = #tpu.dot_dimension_numbers<[1], [0], [0], [1], [0, 0, 1, 1], [], []>, transpose_lhs_hint = false} : vector<2048x512xf32>, vector<512x640xf32>, vector<2048x640xf32> -> vector<2048x640xf32>
    %get3A_6 = arith.constant 0 : index
    %get3A_7 = arith.constant 0 : index
    %get3A_8 = vector.load %arg4[%get3A_6, %get3A_7] : memref<1x640xf32, #tpu.memory_space<vmem>>, vector<1x640xf32>
    %add3A = vector.broadcast %get3A_8 : vector<1x640xf32> to vector<2048x640xf32>
    %add3A_9 = arith.addf %dot_general3A_5, %add3A : vector<2048x640xf32>
    %get3A_10 = arith.constant 0 : index
    %get3A_11 = arith.constant 0 : index
    %get3A_12 = vector.load %arg2[%get3A_10, %get3A_11] : memref<2048x640xf32, #tpu.memory_space<vmem>>, vector<2048x640xf32>
    %mul3A = arith.constant 1.000000e+00 : f32
    %mul3A_13 = vector.broadcast %mul3A : f32 to vector<2048x640xf32>
    %mul3A_14 = arith.mulf %get3A_12, %mul3A_13 : vector<2048x640xf32>
    %add3A_15 = arith.constant 1.000000e-10 : f32
    %add3A_16 = vector.broadcast %add3A_15 : f32 to vector<2048x640xf32>
    %add3A_17 = arith.addf %mul3A_14, %add3A_16 : vector<2048x640xf32>
    %log3A = math.log %add3A_17 : vector<2048x640xf32>
    %neg3A = arith.constant 0.000000e+00 : f32
    %neg3A_18 = vector.broadcast %neg3A : f32 to vector<2048x640xf32>
    %neg3A_19 = arith.subf %neg3A_18, %log3A : vector<2048x640xf32>
    %log3A_20 = math.log %neg3A_19 : vector<2048x640xf32>
    %sub3A = arith.subf %add3A_9, %log3A_20 : vector<2048x640xf32>
    %slice3A = vector.extract_strided_slice %sub3A {offsets = [0, 0], sizes = [2048, 320], strides = [1, 1]} : vector<2048x640xf32> to vector<2048x320xf32>
    %reduce_max3A = arith.constant dense<0xFF800000> : vector<2048xf32>
    %reduce_max3A_21 = vector.multi_reduction <maximumf>, %slice3A, %reduce_max3A [1] : vector<2048x320xf32> to vector<2048xf32>
    %broadcast_in_dim3A = vector.shape_cast %reduce_max3A_21 : vector<2048xf32> to vector<2048x1xf32>
    %iota3A = tpu.iota {dimensions = array<i32: 1>} : vector<2048x320xi32>
    %eq3A = vector.broadcast %broadcast_in_dim3A : vector<2048x1xf32> to vector<2048x320xf32>
    %eq3A_22 = arith.cmpf oeq, %slice3A, %eq3A : vector<2048x320xf32>
    %jit3A = arith.constant 320 : i32
    %broadcast_in_dim3A_23 = vector.broadcast %jit3A : i32 to vector<2048x320xi32>
    %select_n3A = arith.select %eq3A_22, %iota3A, %broadcast_in_dim3A_23 : vector<2048x320xi1>, vector<2048x320xi32>
    %reduce_min3A = arith.constant dense<2147483647> : vector<2048xi32>
    %reduce_min3A_24 = vector.multi_reduction <minsi>, %select_n3A, %reduce_min3A [1] : vector<2048x320xi32> to vector<2048xi32>
    %broadcast_in_dim3A_25 = vector.shape_cast %reduce_min3A_24 : vector<2048xi32> to vector<2048x1xi32>
    %add3A_26 = arith.constant 0 : i32
    %add3A_27 = vector.broadcast %add3A_26 : i32 to vector<2048x1xi32>
    %add3A_28 = arith.addi %broadcast_in_dim3A_25, %add3A_27 : vector<2048x1xi32>
    %swap3A = arith.constant 0 : index
    %swap3A_29 = arith.constant 0 : index
    %swap3A_30 = vector.load %arg5[%swap3A, %swap3A_29] : memref<2048x2xi32, #tpu.memory_space<vmem>>, vector<2048x1xi32>
    tpu.vector_store %arg5[%swap3A, %swap3A_29], %add3A_28 {strides = array<i32>} : memref<2048x2xi32, #tpu.memory_space<vmem>>, vector<2048x1xi32>,
    %slice3A_31 = vector.extract_strided_slice %sub3A {offsets = [0, 320], sizes = [2048, 320], strides = [1, 1]} : vector<2048x640xf32> to vector<2048x320xf32>
    %reduce_max3A_32 = arith.constant dense<0xFF800000> : vector<2048xf32>
    %reduce_max3A_33 = vector.multi_reduction <maximumf>, %slice3A_31, %reduce_max3A_32 [1] : vector<2048x320xf32> to vector<2048xf32>
    %broadcast_in_dim3A_34 = vector.shape_cast %reduce_max3A_33 : vector<2048xf32> to vector<2048x1xf32>
    %iota3A_35 = tpu.iota {dimensions = array<i32: 1>} : vector<2048x320xi32>
    %eq3A_36 = vector.broadcast %broadcast_in_dim3A_34 : vector<2048x1xf32> to vector<2048x320xf32>
    %eq3A_37 = arith.cmpf oeq, %slice3A_31, %eq3A_36 : vector<2048x320xf32>
    %jit3A_38 = arith.constant 320 : i32
    %broadcast_in_dim3A_39 = vector.broadcast %jit3A_38 : i32 to vector<2048x320xi32>
    %select_n3A_40 = arith.select %eq3A_37, %iota3A_35, %broadcast_in_dim3A_39 : vector<2048x320xi1>, vector<2048x320xi32>
    %reduce_min3A_41 = arith.constant dense<2147483647> : vector<2048xi32>
    %reduce_min3A_42 = vector.multi_reduction <minsi>, %select_n3A_40, %reduce_min3A_41 [1] : vector<2048x320xi32> to vector<2048xi32>
    %broadcast_in_dim3A_43 = vector.shape_cast %reduce_min3A_42 : vector<2048xi32> to vector<2048x1xi32>
    %add3A_44 = arith.constant 320 : i32
    %add3A_45 = vector.broadcast %add3A_44 : i32 to vector<2048x1xi32>
    %add3A_46 = arith.addi %broadcast_in_dim3A_43, %add3A_45 : vector<2048x1xi32>
    %swap3A_47 = arith.constant 0 : index
    %swap3A_48 = arith.constant 1 : index
    %swap3A_49 = vector.load %arg5[%swap3A_47, %swap3A_48] : memref<2048x2xi32, #tpu.memory_space<vmem>>, vector<2048x1xi32>
    tpu.vector_store %arg5[%swap3A_47, %swap3A_48], %add3A_46 {strides = array<i32>} : memref<2048x2xi32, #tpu.memory_space<vmem>>, vector<2048x1xi32>,
    return
  }
  func.func @transform_0(%arg0: i32) -> (i32, i32) {
    %c0_i32 = arith.constant 0 : i32
    %c0_i32_0 = arith.constant 0 : i32
    return %arg0, %c0_i32 : i32, i32
  }
  func.func @transform_1(%arg0: i32) -> (i32, i32) {
    %c0_i32 = arith.constant 0 : i32
    %c0_i32_0 = arith.constant 0 : i32
    return %arg0, %c0_i32 : i32, i32
  }
  func.func @transform_2(%arg0: i32) -> (i32, i32) {
    %c0_i32 = arith.constant 0 : i32
    %c0_i32_0 = arith.constant 0 : i32
    %c0_i32_1 = arith.constant 0 : i32
    return %c0_i32, %c0_i32_0 : i32, i32
  }
  func.func @transform_3(%arg0: i32) -> (i32, i32) {
    %c0_i32 = arith.constant 0 : i32
    %c0_i32_0 = arith.constant 0 : i32
    %c0_i32_1 = arith.constant 0 : i32
    return %c0_i32, %c0_i32_0 : i32, i32
  }
  func.func @transform_4(%arg0: i32) -> (i32, i32) {
    %c0_i32 = arith.constant 0 : i32
    %c0_i32_0 = arith.constant 0 : i32
    return %arg0, %c0_i32 : i32, i32
  }
}

</mosaic_0001>

<sc_bundles>
// kernel: kernel.4.cloned.1.call-start
scs
__scs_entry_jumppad:
0x0: {  	(pc) =	sbr.rel $0x88, $3  }
0x1: {  	(tag) =	ssettag $0x0;
	lr =	simm.s32 $0x1  }
0x2: {  	[smem:$0x3F9C] =	sst lr;
	_ =	strace $0xD0000000  }
0x3: {  	_ = 	snop  }
0x4: {  	_ = 	snop  }
0x5: {  	_ = 	snop  }
0x6: {  	_ = 	snop  }
0x7: {  	_ = 	snop  }
__scs_overlays_trampoline_lowered:
0x8: {  	[smem:$0x3FAB] =	sst s0  }
0x9: {  	[smem:$0x3FAC] =	sst s1  }
0xa: {  	[smem:$0x3FAD] =	sst s2  }
0xb: {  	[smem:$0x3FAE] =	sst s3  }
0xc: {  	[smem:$0x3FAF] =	sst s4  }
0xd: {  	[smem:$0x3FB0] =	sst s5  }
0xe: {  	[smem:$0x3FB1] =	sst s6  }
0xf: {  	[smem:$0x3FB2] =	sst s7  }
0x10: {  	[smem:$0x3FB3] =	sst s8  }
0x11: {  	[smem:$0x3FB4] =	sst s9;
	s0 =	simm.s32 @!p0 $0x0  }
0x12: {  	s1 =	sld [smem:$0x3F9A];
	s0 =	simm.s32 @p0 $0x1  }
0x13: {  	[smem:$0x3FB5] =	sst s0;
	s0 =	simm.s32 @!p1 $0x0  }
0x14: {  	s2 =	sld [smem:$0x3F99];
	s0 =	simm.s32 @p1 $0x1  }
0x15: {  	[smem:$0x3FB6] =	sst s0;
	s0 =	simm.s32 @!p2 $0x0  }
0x16: {  	s3 =	sld [smem:$0x3FDB];
	s0 =	simm.s32 @p2 $0x1  }
0x17: {  	s4 =	simm.s32 $0x1BF5;
	[smem:$0x3FB8] =	sst s0  }
0x18: {  	s0 =	sld [smem:$0x3F9B];
	_ =	swait.ge [sflag:s4], $0x0  }
0x19: {  	s7 =	sld [smem:$0x3F9C]  }
0x1a: {  	s8 =	sadd.s32 $0xFFFFE003, lr  }
0x1b: {  	s9 =	sadd.s32 $0xFFFFFEF7, lr;
	s5 =	simm.s32 $0xFFFFFFFF;
	p2 =	slt.u32 s8, $0xFFFFF086  }
0x1c: {  	p1 =	slt.u32 s9, $0xF7A;
	s5 =	simm.s32 @!p2 $0x0  }
0x1d: {  	s5 =	simm.s32 @p1 $0x1;
	p0 =	seq.s32 s7, s2  }
0x1e: {  	s7 =	smul.u32 @!p0 $0xF7A, s2;
	p2 =	seq.s32 @!p0 s5, $0x0  }
0x1f: {  	s9 =	smul.u32 $0xF7A, s1;
	s8 =	simm.s32 @!p0 $0x1BF5;
	p2 =	por !p2, p0  }
0x20: {  	[sflag:s8] =	ssyncset.s32 @!p0 $0xFFFFF086;
	s6 =	sadd.s32 @!p0 s3, s7;
	s7 =	simm.s32 @!p0 $0x108  }
0x21: {  	s3 =	sadd.s32 s3, s9;
	s6 =	sadd.s32 @!p0 $0x88, s6;
	s7 =	simm.s32 @p2 $0x1082  }
0x22: {  	[simem:s7], [sflag:s8] =	dma.local @!p0 [hbm:s6], $0xF7A  }
0x23: {  	s9 =	sor.u32 $0xD0000000, s2;
	s6 =	simm.s32 $0x108;
	_ =	swait.ge @!p0 [sflag:s8], $0x0  }
0x24: {  	s3 =	sadd.s32 $0x88, s3;
	s6 =	simm.s32 @!p1 $0x1082;
	[sflag:s4] =	ssyncset.s32 $0xFFFFF086  }
0x25: {  	[simem:s6], [sflag:s4] =	dma.local [hbm:s3], $0xF7A  }
0x26: {  	[smem:$0x3F9C] =	sst s1;
	(tag) =	ssettag s2;
	_ =	strace s9  }
0x27: {  	s1 =	sld [smem:$0x3FAC]  }
0x28: {  	s2 =	sld [smem:$0x3FAD]  }
0x29: {  	s4 =	sld [smem:$0x3FAF]  }
0x2a: {  	p0 =	seq.s32 s5, $0x0;
	s5 =	sld [smem:$0x3FB0]  }
0x2b: {  	s6 =	sld [smem:$0x3FB1]  }
0x2c: {  	s7 =	sld [smem:$0x3FB2]  }
0x2d: {  	s3 =	simm.s32 $0x108;
	s8 =	sld [smem:$0x3FB3]  }
0x2e: {  	s3 =	simm.s32 @!p0 $0x1082;
	s9 =	sld [smem:$0x3FB4]  }
0x2f: {  	lr =	sadd.s32 s0, s3;
	s0 =	sld [smem:$0x3FAB]  }
0x30: {  	s3 =	sld [smem:$0x3FAE]  }
0x31: {  	[smem:$0x3FB7] =	sst s10  }
0x32: {  	s10 =	sld [smem:$0x3FB5];
	_ =	sdelay $0x3  }
0x33: {  	p0 =	seq.s32 s10, $0x1;
	s10 =	sld [smem:$0x3FB7];
	_ =	sdelay $0x3  }
0x34: {  	[smem:$0x3FB7] =	sst s10  }
0x35: {  	s10 =	sld [smem:$0x3FB6];
	_ =	sdelay $0x3  }
0x36: {  	p1 =	seq.s32 s10, $0x1;
	s10 =	sld [smem:$0x3FB7];
	_ =	sdelay $0x3  }
0x37: {  	[smem:$0x3FB7] =	sst s10  }
0x38: {  	s10 =	sld [smem:$0x3FB8]  }
0x39: {  	_ = 	snop;
	(pc) =	sbr.ind lr, $3  }
0x3a: {  	_ = 	snop  }
0x3b: {  	_ = 	snop  }
0x3c: {  	p2 =	seq.s32 s10, $0x1;
	s10 =	sld [smem:$0x3FB7]  }
0x3d: {  	_ =	shalt  }
0x3e: {  	_ =	shalt  }
0x3f: {  	_ =	shalt  }
0x40: {  	_ =	shalt  }
0x41: {  	_ =	shalt  }
0x42: {  	_ =	shalt  }
0x43: {  	_ =	shalt  }
0x44: {  	_ =	shalt  }
0x45: {  	_ =	shalt  }
0x46: {  	_ =	shalt  }
0x47: {  	_ =	shalt  }
0x48: {  	_ =	shalt  }
0x49: {  	_ =	shalt  }
0x4a: {  	_ =	shalt  }
0x4b: {  	_ =	shalt  }
0x4c: {  	_ =	shalt  }
0x4d: {  	_ =	shalt  }
0x4e: {  	_ =	shalt  }
0x4f: {  	_ =	shalt  }
0x50: {  	_ =	shalt  }
0x51: {  	_ =	shalt  }
0x52: {  	_ =	shalt  }
0x53: {  	_ =	shalt  }
0x54: {  	_ =	shalt  }
0x55: {  	_ =	shalt  }
0x56: {  	_ =	shalt  }
0x57: {  	_ =	shalt  }
0x58: {  	_ =	shalt  }
0x59: {  	_ =	shalt  }
0x5a: {  	_ =	shalt  }
0x5b: {  	_ =	shalt  }
0x5c: {  	_ =	shalt  }
0x5d: {  	_ =	shalt  }
0x5e: {  	_ =	shalt  }
0x5f: {  	_ =	shalt  }
0x60: {  	_ =	shalt  }
0x61: {  	_ =	shalt  }
0x62: {  	_ =	shalt  }
0x63: {  	_ =	shalt  }
0x64: {  	_ =	shalt  }
0x65: {  	_ =	shalt  }
0x66: {  	_ =	shalt  }
0x67: {  	_ =	shalt  }
0x68: {  	_ =	shalt  }
0x69: {  	_ =	shalt  }
0x6a: {  	_ =	shalt  }
0x6b: {  	_ =	shalt  }
0x6c: {  	_ =	shalt  }
0x6d: {  	_ =	shalt  }
0x6e: {  	_ =	shalt  }
0x6f: {  	_ =	shalt  }
0x70: {  	_ =	shalt  }
0x71: {  	_ =	shalt  }
0x72: {  	_ =	shalt  }
0x73: {  	_ =	shalt  }
0x74: {  	_ =	shalt  }
0x75: {  	_ =	shalt  }
0x76: {  	_ =	shalt  }
0x77: {  	_ =	shalt  }
0x78: {  	_ =	shalt  }
0x79: {  	_ =	shalt  }
0x7a: {  	_ =	shalt  }
0x7b: {  	_ =	shalt  }
0x7c: {  	_ =	shalt  }
0x7d: {  	_ =	shalt  }
0x7e: {  	_ =	shalt  }
0x7f: {  	_ =	shalt  }
0x80: {  	_ =	shalt  }
0x81: {  	_ =	shalt  }
0x82: {  	_ =	shalt  }
0x83: {  	_ =	shalt  }
0x84: {  	_ =	shalt  }
0x85: {  	_ =	shalt  }
0x86: {  	_ =	shalt  }
0x87: {  	_ =	shalt  }
.Lfunc_end0:
.L_simem_size_0:
called_computation_lowered:
.L_overlay_start_0:
0x88: {  	s2 =	sld [smem:$0x3FD9]  }
0x89: {  	s3 =	sld [smem:$0x3FFE];
	_ =	sdelay $0x1  }
0x8a: {  	s1 =	srdreg.scid  }
0x8b: {  	s0 =	sand.u32 $0x1, s1  }
0x8c: {  	s17 =	sshll.u32 s0, $0xA;
	s2 =	sadd.s32 s3, s2  }
0x8d: {  	s2 =	sadd.s32 s2, s17  }
0x8e: {  	[smem:$0x3FC3] =	sst s2  }
0x8f: {  	_ = 	snop  }
0x90: {  	s2 =	sld [smem:$0x3FC5]  }
0x91: {  	s18 =	sld [smem:$0x3FD0];
	(tm) =	ssettm $0x1  }
0x92: {  	s4 =	sld [smem:$0x3FFB];
	_ =	sdelay $0x3  }
0x93: {  	_ =	strace s4  }
0x94: {  	s4 =	sld [smem:$0x3FFC];
	_ =	sdelay $0x3  }
0x95: {  	_ =	strace s4  }
0x96: {  	s4 =	sld [smem:$0x3FFD];
	_ =	sdelay $0x3  }
0x97: {  	_ =	strace s4  }
0x98: {  	_ =	strace $0x8FFFFFFF  }
0x99: {  	s19 =	sld [smem:$0x3FDB];
	_ =	sdelay $0x1  }
0x9a: {  	s5 =	simm.s32 $_scs_section_size  }
0x9b: {  	s6 =	simm.s32 $_size__tile_overlayer_lowered;
	s7 =	simm.s32 $_tile_overlayer_lowered  }
0x9c: {  	s22 =	simm.s32 $0x1BFF;
	s21 =	sshll.u32 s7, $0x1;
	s4 =	sadd.s32 s5, s19  }
0x9d: {  	s8 =	simm.s32 $0x0;
	s20 =	sshll.u32 s6, $0x1;
	s6 =	sadd.s32 s21, s4  }
0x9e: {  	[timem:s8], [sflag:s22] =	dma.local [hbm:s6], s20  }
0x9f: {  	_ =	swait.ge [sflag:s22], s20  }
0xa0: {  	s5 =	ssub.s32 $0x0, s20;
	[sflag:s22] =	ssyncset.done $0x0  }
0xa1: {  	[sflag:s22] =	ssyncadd.s32 s5;
	_ =	sdelay $0x1  }
0xa2: {  	s23 =	simm.s32 $0x1B8B  }
0xa3: {  	_ =	swait.ge [sflag:s23], $0x1  }
0xa4: {  	[sflag:s23] =	ssyncset.done $0x0  }
0xa5: {  	s25 =	simm.s32 $0x1B8E;
	s24 =	sld [smem:$0x3FFE];
	[sflag:s23] =	ssyncadd.s32 $0xFFFFFFFF  }
0xa6: {  	s26 =	simm.s32 $execute0_lowered;
	[smem:$0x3FD2] =	sst s25  }
0xa7: {  	s6 =	sshll.u32 s26, $0x1;
	_ =	strace $0x80000046;
	[dreg:$0x1] =	wrdreg $0xFFFFFFFF  }
0xa8: {  	s28 =	simm.s32 $_size_execute0_lowered;
	s4 =	sadd.s32 s4, s6;
	[dreg:$0x0] =	wrdreg $0x0  }
0xa9: {  	s6 =	sshll.u32 s28, $0x1;
	[dreg:$0x2] =	wrdreg s4  }
0xaa: {  	[dreg:$0x3] =	wrdreg s6  }
0xab: {  	[dreg:$0x4] =	wrdreg $0xC0  }
0xac: {  	_ =	task [dreg:s8], $0x5FFFF  }
0xad: {  	[dreg:$0x1] =	wrdreg $0xFFFFFFFF  }
0xae: {  	[dreg:$0x0] =	wrdreg $0x60  }
0xaf: {  	[dreg:$0x2] =	wrdreg s2  }
0xb0: {  	[dreg:$0x3] =	wrdreg s18  }
0xb1: {  	[dreg:$0x4] =	wrdreg s24  }
0xb2: {  	[dreg:$0x5] =	wrdreg $0x9  }
0xb3: {  	_ =	task.clear_ibuf [dreg:s8], $0x6FFFF;
	_ =	strace $0x90000046  }
0xb4: {  	s29 =	simm.s32 $0x9;
	_ =	strace $0x80000048  }
0xb5: {  	_ =	swait.ge [sflag:s29], $0x1  }
0xb6: {  	[sflag:s29] =	ssyncadd.s32 $0xFFFFFFFF  }
0xb7: {  	_ =	strace $0x90000048  }
0xb8: {  	_ =	sfence  }
0xb9: {  	s30 =	sld [smem:$0x0];
	_ =	sdelay $0x2  }
0xba: {  	s31 =	sshll.u32 s1, $0xD;
	s1 =	sshrl.u32 s1, $0x2  }
0xbb: {  	s3 =	sand.u32 $0x4000, s31;
	s1 =	sadd.s32 s1, s30  }
0xbc: {  	s0 =	sor.u32 s3, s0;
	s1 =	sshll.u32 s1, $0x11  }
0xbd: {  	s0 =	sor.u32 s1, s0  }
0xbe: {  	s0 =	sadd.s32 $0x8F2B, s0  }
0xbf: {  	[sflag:s0] =	ssyncadd.remote.s32 $0x1  }
0xc0: {  	_ =	sfence.sel $0xFFFF  }
0xc1: {  	[dreg:$0x0] =	wrdreg $0xFFFFFFFF;
	(pc) =	sbr.abs _section_cstart, $3  }
0xc2: {  	[dreg:$0x1] =	wrdreg $0xFFFFFFFF  }
0xc3: {  	_ =	task.clear_ibuf [dreg:s8], $0x2FFFF;
	_ =	strace $0x9FFFFFFF  }
0xc4: {  	(tm) =	ssettm $0x7FFFFFFF  }
0xc5: {  	_ =	shalt  }
tec
execute0_lowered:
.L_overlay_start_1:
0x0: {  	(tag) =	ssettag $0x1  }
0x1: {  	s0 =	srdreg.scid  }
0x2: {  	s1 =	rddreg [dreg:$0x0];
	s3 =	stileid.u32;
	s0 =	sand.u32 $0x1, s0  }
0x3: {  	s2 =	rddreg [dreg:$0x1];
	s5 =	sshll.u32 s3, $0xC;
	s6 =	sshll.u32 s0, $0xB  }
0x4: {  	s4 =	rddreg [dreg:$0x2];
	s5 =	sor.u32 s6, s5  }
0x5: {  	s3 =	simm.s32 $0x0;
	s6 =	sshll.u32 s5, $0x5;
	s5 =	sshrl.u32 s5, $0x3  }
0x6: {  	[smem:$0x7FF] =	sst s3;
	s4 =	sadd.s32 s6, s4;
	s2 =	sadd.s32 s2, s5  }
0x7: {  	_ =	strace $0x80000047;
	[dreg:$0x4] =	wrdreg s2;
	s14 =	sadd.s32 $0x600, s4  }
0x8: {  	s15 =	sadd.s32 $0x1600, s4;
	[dreg:$0x5] =	wrdreg s14  }
0x9: {  	s16 =	sadd.s32 $0x2600, s4;
	[dreg:$0x6] =	wrdreg s15  }
0xa: {  	s17 =	sadd.s32 $0x3600, s4;
	[dreg:$0x7] =	wrdreg s16  }
0xb: {  	s18 =	sadd.s32 $0x4600, s4;
	[dreg:$0x8] =	wrdreg s17  }
0xc: {  	s19 =	sadd.s32 $0x5600, s4;
	[dreg:$0x9] =	wrdreg s18  }
0xd: {  	s20 =	sadd.s32 $0x6600, s4;
	[dreg:$0xa] =	wrdreg s19  }
0xe: {  	s21 =	sadd.s32 $0x7600, s4;
	[dreg:$0xb] =	wrdreg s20  }
0xf: {  	s22 =	sadd.s32 $0x8600, s4;
	[dreg:$0xc] =	wrdreg s21  }
0x10: {  	s12 =	simm.s32 $0x1;
	s23 =	sadd.s32 $0x9600, s4;
	[dreg:$0xd] =	wrdreg s22  }
0x11: {  	s13 =	simm.s32 $0x2;
	s24 =	sadd.s32 $0xA600, s4;
	[dreg:$0xe] =	wrdreg s23  }
0x12: {  	s0 =	ssub.s32 $0x2, s0;
	s25 =	sadd.s32 $0xB600, s4;
	[dreg:$0xf] =	wrdreg s24  }
0x13: {  	s30 =	sshrl.u32 s0, $0x1;
	s26 =	sadd.s32 $0xC600, s4;
	[dreg:$0x10] =	wrdreg s25  }
0x14: {  	s0 =	ssub.s32 s0, s30;
	s28 =	sadd.s32 $0xD600, s4;
	[dreg:$0x11] =	wrdreg s26  }
0x15: {  	v2 =	vlaneseq.u32;
	s0 =	smax.u32 s0, $0x1;
	s29 =	sadd.s32 $0xE600, s4;
	[dreg:$0x12] =	wrdreg s28  }
0x16: {  	vm0 =	vmmov $0xffff;
	v1 =	vshrl.u32 v2, $0x3;
	s5 =	simm.s32 $0x3;
	s31 =	sadd.s32 $0xF600, s4;
	[dreg:$0x13] =	wrdreg s29  }
0x17: {  	v0 =	vand.u32 $0x7, v2;
	v2 =	vor.u32 $0x8, v2;
	v1 =	vmul.u32 $0x8, v1;
	s6 =	simm.s32 $0x800;
	[dreg:$0x14] =	wrdreg s31;
	s22 =	simm.s32 $0x8800  }
.LBB2_1:
0x18: {  	[dreg:$0x15] =	wrdreg s0  }
0x19: {  	s14 =	rddreg [dreg:$0x4]  }
0x1a: {  	[tilespmem:s3], [sflag:$0x3] =	stream.linear.gather [hbm4b:s14+s3], $0x800, $0x38;
	[tilespmem:$0x10800] =	vst v63  }
0x1b: {  	_ =	swait.ge [sflag:s5], $0x800  }
0x1c: {  	[sflag:s5] =	ssyncset.done $0x0  }
0x1d: {  	[sflag:s5] =	ssyncadd.s32 $0xFFFFF800  }
0x1e: {  	v3 =	vld [tilespmem:$0x0];
	_ =	sdelay $0x4  }
0x1f: {  	v4 =	vshll.u32 v3, $0x1  }
0x20: {  	v3 =	vand.u32 $0x7, v3;
	v4 =	vand.u32 $0xFFFFFFF0, v4  }
0x21: {  	v3 =	vor.u32 v3, v4  }
0x22: {  	v4 =	vperm.xlane v3, v0;
	_ =	sdelay $0x1  }
0x23: {  	v3 =	vperm.xlane v3, v2;
	v4 =	vadd.s32 v1, v4;
	_ =	sdelay $0x1  }
0x24: {  	v3 =	vadd.s32 v1, v3;
	_ =	sdelay $0x2  }
0x25: {  	[tilespmem:s6], [sflag:$0x1] =	stream.indirect_vreg.gather [hbm4b:s1+s3], $0x80, v4, vm0, $0xb8;
	[tilespmem:$0x10800] =	vst v63  }
0x26: {  	s7 =	simm.s32 $0x1000  }
0x27: {  	[tilespmem:s7], [sflag:$0x1] =	stream.indirect_vreg.gather [hbm4b:s1+s3], $0x80, v3, vm0, $0xb8;
	[tilespmem:$0x10800] =	vst v63  }
0x28: {  	v3 =	vld [tilespmem:$0x10];
	_ =	sdelay $0x4  }
0x29: {  	v49 =	vshll.u32 v3, $0x1  }
0x2a: {  	v3 =	vand.u32 $0x7, v3;
	v4 =	vand.u32 $0xFFFFFFF0, v49  }
0x2b: {  	v3 =	vor.u32 v3, v4  }
0x2c: {  	v4 =	vperm.xlane v3, v0;
	_ =	sdelay $0x1  }
0x2d: {  	v3 =	vperm.xlane v3, v2;
	v4 =	vadd.s32 v1, v4;
	_ =	sdelay $0x1  }
0x2e: {  	v3 =	vadd.s32 v1, v3;
	_ =	sdelay $0x1  }
0x2f: {  	s8 =	simm.s32 $0x1800  }
0x30: {  	[tilespmem:s8], [sflag:$0x1] =	stream.indirect_vreg.gather [hbm4b:s1+s3], $0x80, v4, vm0, $0xb8;
	[tilespmem:$0x10800] =	vst v63  }
0x31: {  	s9 =	simm.s32 $0x2000  }
0x32: {  	[tilespmem:s9], [sflag:$0x1] =	stream.indirect_vreg.gather [hbm4b:s1+s3], $0x80, v3, vm0, $0xb8;
	[tilespmem:$0x10800] =	vst v63  }
0x33: {  	v3 =	vld [tilespmem:$0x20];
	_ =	sdelay $0x4  }
0x34: {  	v50 =	vshll.u32 v3, $0x1  }
0x35: {  	v3 =	vand.u32 $0x7, v3;
	v4 =	vand.u32 $0xFFFFFFF0, v50  }
0x36: {  	v3 =	vor.u32 v3, v4  }
0x37: {  	v4 =	vperm.xlane v3, v0;
	_ =	sdelay $0x1  }
0x38: {  	v3 =	vperm.xlane v3, v2;
	v4 =	vadd.s32 v1, v4;
	_ =	sdelay $0x1  }
0x39: {  	v3 =	vadd.s32 v1, v3;
	_ =	sdelay $0x1  }
0x3a: {  	s10 =	simm.s32 $0x2800  }
0x3b: {  	[tilespmem:s10], [sflag:$0x1] =	stream.indirect_vreg.gather [hbm4b:s1+s3], $0x80, v4, vm0, $0xb8;
	[tilespmem:$0x10800] =	vst v63  }
0x3c: {  	s11 =	simm.s32 $0x3000  }
0x3d: {  	[tilespmem:s11], [sflag:$0x1] =	stream.indirect_vreg.gather [hbm4b:s1+s3], $0x80, v3, vm0, $0xb8;
	[tilespmem:$0x10800] =	vst v63  }
0x3e: {  	v3 =	vld [tilespmem:$0x30];
	_ =	sdelay $0x4  }
0x3f: {  	v51 =	vshll.u32 v3, $0x1  }
0x40: {  	v3 =	vand.u32 $0x7, v3;
	v4 =	vand.u32 $0xFFFFFFF0, v51  }
0x41: {  	v3 =	vor.u32 v3, v4  }
0x42: {  	v4 =	vperm.xlane v3, v0;
	_ =	sdelay $0x1  }
0x43: {  	v3 =	vperm.xlane v3, v2;
	v4 =	vadd.s32 v1, v4;
	_ =	sdelay $0x1  }
0x44: {  	v3 =	vadd.s32 v1, v3;
	_ =	sdelay $0x1  }
0x45: {  	s14 =	simm.s32 $0x3800  }
0x46: {  	[tilespmem:s14], [sflag:$0x1] =	stream.indirect_vreg.gather [hbm4b:s1+s3], $0x80, v4, vm0, $0xb8;
	[tilespmem:$0x10800] =	vst v63  }
0x47: {  	s15 =	simm.s32 $0x4000  }
0x48: {  	[tilespmem:s15], [sflag:$0x1] =	stream.indirect_vreg.gather [hbm4b:s1+s3], $0x80, v3, vm0, $0xb8;
	[tilespmem:$0x10800] =	vst v63  }
0x49: {  	v3 =	vld [tilespmem:$0x40];
	_ =	sdelay $0x4  }
0x4a: {  	v52 =	vshll.u32 v3, $0x1  }
0x4b: {  	v3 =	vand.u32 $0x7, v3;
	v4 =	vand.u32 $0xFFFFFFF0, v52  }
0x4c: {  	v3 =	vor.u32 v3, v4  }
0x4d: {  	v4 =	vperm.xlane v3, v0;
	_ =	sdelay $0x1  }
0x4e: {  	v3 =	vperm.xlane v3, v2;
	v4 =	vadd.s32 v1, v4;
	_ =	sdelay $0x1  }
0x4f: {  	v3 =	vadd.s32 v1, v3;
	_ =	sdelay $0x1  }
0x50: {  	s16 =	simm.s32 $0x4800  }
0x51: {  	[tilespmem:s16], [sflag:$0x1] =	stream.indirect_vreg.gather [hbm4b:s1+s3], $0x80, v4, vm0, $0xb8;
	[tilespmem:$0x10800] =	vst v63  }
0x52: {  	s17 =	simm.s32 $0x5000  }
0x53: {  	[tilespmem:s17], [sflag:$0x1] =	stream.indirect_vreg.gather [hbm4b:s1+s3], $0x80, v3, vm0, $0xb8;
	[tilespmem:$0x10800] =	vst v63  }
0x54: {  	v3 =	vld [tilespmem:$0x50];
	_ =	sdelay $0x4  }
0x55: {  	v53 =	vshll.u32 v3, $0x1  }
0x56: {  	v3 =	vand.u32 $0x7, v3;
	v4 =	vand.u32 $0xFFFFFFF0, v53  }
0x57: {  	v3 =	vor.u32 v3, v4  }
0x58: {  	v4 =	vperm.xlane v3, v0;
	_ =	sdelay $0x1  }
0x59: {  	v3 =	vperm.xlane v3, v2;
	v4 =	vadd.s32 v1, v4;
	_ =	sdelay $0x1  }
0x5a: {  	v3 =	vadd.s32 v1, v3;
	_ =	sdelay $0x1  }
0x5b: {  	s19 =	simm.s32 $0x5800  }
0x5c: {  	[tilespmem:s19], [sflag:$0x1] =	stream.indirect_vreg.gather [hbm4b:s1+s3], $0x80, v4, vm0, $0xb8;
	[tilespmem:$0x10800] =	vst v63  }
0x5d: {  	s24 =	simm.s32 $0x6000  }
0x5e: {  	[tilespmem:s24], [sflag:$0x1] =	stream.indirect_vreg.gather [hbm4b:s1+s3], $0x80, v3, vm0, $0xb8;
	[tilespmem:$0x10800] =	vst v63  }
0x5f: {  	v3 =	vld [tilespmem:$0x60];
	_ =	sdelay $0x4  }
0x60: {  	v54 =	vshll.u32 v3, $0x1  }
0x61: {  	v3 =	vand.u32 $0x7, v3;
	v4 =	vand.u32 $0xFFFFFFF0, v54  }
0x62: {  	v3 =	vor.u32 v3, v4  }
0x63: {  	v4 =	vperm.xlane v3, v0;
	_ =	sdelay $0x1  }
0x64: {  	v3 =	vperm.xlane v3, v2;
	v4 =	vadd.s32 v1, v4;
	_ =	sdelay $0x1  }
0x65: {  	v3 =	vadd.s32 v1, v3;
	_ =	sdelay $0x1  }
0x66: {  	s26 =	simm.s32 $0x6800  }
0x67: {  	[tilespmem:s26], [sflag:$0x1] =	stream.indirect_vreg.gather [hbm4b:s1+s3], $0x80, v4, vm0, $0xb8;
	[tilespmem:$0x10800] =	vst v63  }
0x68: {  	s28 =	simm.s32 $0x7000  }
0x69: {  	[tilespmem:s28], [sflag:$0x1] =	stream.indirect_vreg.gather [hbm4b:s1+s3], $0x80, v3, vm0, $0xb8;
	[tilespmem:$0x10800] =	vst v63  }
0x6a: {  	v3 =	vld [tilespmem:$0x70];
	_ =	sdelay $0x4  }
0x6b: {  	v55 =	vshll.u32 v3, $0x1  }
0x6c: {  	v3 =	vand.u32 $0x7, v3;
	v4 =	vand.u32 $0xFFFFFFF0, v55  }
0x6d: {  	v3 =	vor.u32 v3, v4  }
0x6e: {  	v4 =	vperm.xlane v3, v0;
	_ =	sdelay $0x1  }
0x6f: {  	v3 =	vperm.xlane v3, v2;
	v4 =	vadd.s32 v1, v4;
	_ =	sdelay $0x1  }
0x70: {  	v3 =	vadd.s32 v1, v3;
	_ =	sdelay $0x1  }
0x71: {  	s29 =	simm.s32 $0x7800  }
0x72: {  	[tilespmem:s29], [sflag:$0x1] =	stream.indirect_vreg.gather [hbm4b:s1+s3], $0x80, v4, vm0, $0xb8;
	[tilespmem:$0x10800] =	vst v63  }
0x73: {  	s30 =	simm.s32 $0x8000  }
0x74: {  	[tilespmem:s30], [sflag:$0x1] =	stream.indirect_vreg.gather [hbm4b:s1+s3], $0x80, v3, vm0, $0xb8;
	[tilespmem:$0x10800] =	vst v63  }
0x75: {  	v3 =	vld [tilespmem:$0x80];
	_ =	sdelay $0x4  }
0x76: {  	v56 =	vshll.u32 v3, $0x1  }
0x77: {  	v3 =	vand.u32 $0x7, v3;
	v4 =	vand.u32 $0xFFFFFFF0, v56  }
0x78: {  	v3 =	vor.u32 v3, v4  }
0x79: {  	v4 =	vperm.xlane v3, v0;
	_ =	sdelay $0x1  }
0x7a: {  	v3 =	vperm.xlane v3, v2;
	v4 =	vadd.s32 v1, v4;
	_ =	sdelay $0x1  }
0x7b: {  	v3 =	vadd.s32 v1, v3;
	_ =	sdelay $0x2  }
0x7c: {  	[tilespmem:s22], [sflag:$0x2] =	stream.indirect_vreg.gather [hbm4b:s1+s3], $0x80, v4, vm0, $0xb8;
	[tilespmem:$0x10800] =	vst v63  }
0x7d: {  	s31 =	simm.s32 $0x9000  }
0x7e: {  	[tilespmem:s31], [sflag:$0x2] =	stream.indirect_vreg.gather [hbm4b:s1+s3], $0x80, v3, vm0, $0xb8;
	[tilespmem:$0x10800] =	vst v63  }
0x7f: {  	v3 =	vld [tilespmem:$0x90];
	_ =	sdelay $0x4  }
0x80: {  	v57 =	vshll.u32 v3, $0x1  }
0x81: {  	v3 =	vand.u32 $0x7, v3;
	v4 =	vand.u32 $0xFFFFFFF0, v57  }
0x82: {  	v3 =	vor.u32 v3, v4  }
0x83: {  	v4 =	vperm.xlane v3, v0;
	_ =	sdelay $0x1  }
0x84: {  	v3 =	vperm.xlane v3, v2;
	v4 =	vadd.s32 v1, v4;
	_ =	sdelay $0x1  }
0x85: {  	v3 =	vadd.s32 v1, v3;
	_ =	sdelay $0x1  }
0x86: {  	s2 =	simm.s32 $0x9800  }
0x87: {  	[tilespmem:s2], [sflag:$0x2] =	stream.indirect_vreg.gather [hbm4b:s1+s3], $0x80, v4, vm0, $0xb8;
	[tilespmem:$0x10800] =	vst v63  }
0x88: {  	s4 =	simm.s32 $0xA000  }
0x89: {  	[tilespmem:s4], [sflag:$0x2] =	stream.indirect_vreg.gather [hbm4b:s1+s3], $0x80, v3, vm0, $0xb8;
	[tilespmem:$0x10800] =	vst v63  }
0x8a: {  	v3 =	vld [tilespmem:$0xA0];
	_ =	sdelay $0x4  }
0x8b: {  	v58 =	vshll.u32 v3, $0x1  }
0x8c: {  	v3 =	vand.u32 $0x7, v3;
	v4 =	vand.u32 $0xFFFFFFF0, v58  }
0x8d: {  	v3 =	vor.u32 v3, v4  }
0x8e: {  	v4 =	vperm.xlane v3, v0;
	_ =	sdelay $0x1  }
0x8f: {  	v3 =	vperm.xlane v3, v2;
	v4 =	vadd.s32 v1, v4;
	_ =	sdelay $0x1  }
0x90: {  	v3 =	vadd.s32 v1, v3;
	_ =	sdelay $0x1  }
0x91: {  	s7 =	simm.s32 $0xA800  }
0x92: {  	[tilespmem:s7], [sflag:$0x2] =	stream.indirect_vreg.gather [hbm4b:s1+s3], $0x80, v4, vm0, $0xb8;
	[tilespmem:$0x10800] =	vst v63  }
0x93: {  	s10 =	simm.s32 $0xB000  }
0x94: {  	[tilespmem:s10], [sflag:$0x2] =	stream.indirect_vreg.gather [hbm4b:s1+s3], $0x80, v3, vm0, $0xb8;
	[tilespmem:$0x10800] =	vst v63  }
0x95: {  	v3 =	vld [tilespmem:$0xB0];
	_ =	sdelay $0x4  }
0x96: {  	v59 =	vshll.u32 v3, $0x1  }
0x97: {  	v3 =	vand.u32 $0x7, v3;
	v4 =	vand.u32 $0xFFFFFFF0, v59  }
0x98: {  	v3 =	vor.u32 v3, v4  }
0x99: {  	v4 =	vperm.xlane v3, v0;
	_ =	sdelay $0x1  }
0x9a: {  	v3 =	vperm.xlane v3, v2;
	v4 =	vadd.s32 v1, v4;
	_ =	sdelay $0x1  }
0x9b: {  	v3 =	vadd.s32 v1, v3;
	_ =	sdelay $0x1  }
0x9c: {  	s11 =	simm.s32 $0xB800  }
0x9d: {  	[tilespmem:s11], [sflag:$0x2] =	stream.indirect_vreg.gather [hbm4b:s1+s3], $0x80, v4, vm0, $0xb8;
	[tilespmem:$0x10800] =	vst v63  }
0x9e: {  	s14 =	simm.s32 $0xC000  }
0x9f: {  	[tilespmem:s14], [sflag:$0x2] =	stream.indirect_vreg.gather [hbm4b:s1+s3], $0x80, v3, vm0, $0xb8;
	[tilespmem:$0x10800] =	vst v63  }
0xa0: {  	v3 =	vld [tilespmem:$0xC0];
	_ =	sdelay $0x4  }
0xa1: {  	v60 =	vshll.u32 v3, $0x1  }
0xa2: {  	v3 =	vand.u32 $0x7, v3;
	v4 =	vand.u32 $0xFFFFFFF0, v60  }
0xa3: {  	v3 =	vor.u32 v3, v4  }
0xa4: {  	v4 =	vperm.xlane v3, v0;
	_ =	sdelay $0x1  }
0xa5: {  	v3 =	vperm.xlane v3, v2;
	v4 =	vadd.s32 v1, v4;
	_ =	sdelay $0x1  }
0xa6: {  	v3 =	vadd.s32 v1, v3;
	_ =	sdelay $0x1  }
0xa7: {  	s15 =	simm.s32 $0xC800  }
0xa8: {  	[tilespmem:s15], [sflag:$0x2] =	stream.indirect_vreg.gather [hbm4b:s1+s3], $0x80, v4, vm0, $0xb8;
	[tilespmem:$0x10800] =	vst v63  }
0xa9: {  	s16 =	simm.s32 $0xD000  }
0xaa: {  	[tilespmem:s16], [sflag:$0x2] =	stream.indirect_vreg.gather [hbm4b:s1+s3], $0x80, v3, vm0, $0xb8;
	[tilespmem:$0x10800] =	vst v63  }
0xab: {  	v3 =	vld [tilespmem:$0xD0];
	_ =	sdelay $0x4  }
0xac: {  	v61 =	vshll.u32 v3, $0x1  }
0xad: {  	v3 =	vand.u32 $0x7, v3;
	v4 =	vand.u32 $0xFFFFFFF0, v61  }
0xae: {  	v3 =	vor.u32 v3, v4  }
0xaf: {  	v4 =	vperm.xlane v3, v0;
	_ =	sdelay $0x1  }
0xb0: {  	v3 =	vperm.xlane v3, v2;
	v4 =	vadd.s32 v1, v4;
	_ =	sdelay $0x1  }
0xb1: {  	v3 =	vadd.s32 v1, v3;
	_ =	sdelay $0x1  }
0xb2: {  	s17 =	simm.s32 $0xD800  }
0xb3: {  	[tilespmem:s17], [sflag:$0x2] =	stream.indirect_vreg.gather [hbm4b:s1+s3], $0x80, v4, vm0, $0xb8;
	[tilespmem:$0x10800] =	vst v63  }
0xb4: {  	s24 =	simm.s32 $0xE000  }
0xb5: {  	[tilespmem:s24], [sflag:$0x2] =	stream.indirect_vreg.gather [hbm4b:s1+s3], $0x80, v3, vm0, $0xb8;
	[tilespmem:$0x10800] =	vst v63  }
0xb6: {  	v3 =	vld [tilespmem:$0xE0];
	_ =	sdelay $0x4  }
0xb7: {  	v62 =	vshll.u32 v3, $0x1  }
0xb8: {  	v3 =	vand.u32 $0x7, v3;
	v4 =	vand.u32 $0xFFFFFFF0, v62  }
0xb9: {  	v3 =	vor.u32 v3, v4  }
0xba: {  	v4 =	vperm.xlane v3, v0;
	_ =	sdelay $0x1  }
0xbb: {  	v3 =	vperm.xlane v3, v2;
	v4 =	vadd.s32 v1, v4;
	_ =	sdelay $0x1  }
0xbc: {  	v3 =	vadd.s32 v1, v3;
	_ =	sdelay $0x1  }
0xbd: {  	s26 =	simm.s32 $0xE800  }
0xbe: {  	[tilespmem:s26], [sflag:$0x2] =	stream.indirect_vreg.gather [hbm4b:s1+s3], $0x80, v4, vm0, $0xb8;
	[tilespmem:$0x10800] =	vst v63  }
0xbf: {  	s28 =	simm.s32 $0xF000  }
0xc0: {  	[tilespmem:s28], [sflag:$0x2] =	stream.indirect_vreg.gather [hbm4b:s1+s3], $0x80, v3, vm0, $0xb8;
	[tilespmem:$0x10800] =	vst v63  }
0xc1: {  	v3 =	vld [tilespmem:$0xF0];
	_ =	sdelay $0x4  }
0xc2: {  	v63 =	vshll.u32 v3, $0x1  }
0xc3: {  	v3 =	vand.u32 $0x7, v3;
	v4 =	vand.u32 $0xFFFFFFF0, v63  }
0xc4: {  	v3 =	vor.u32 v3, v4  }
0xc5: {  	v4 =	vperm.xlane v3, v0;
	_ =	sdelay $0x1  }
0xc6: {  	v3 =	vperm.xlane v3, v2;
	v4 =	vadd.s32 v1, v4;
	_ =	sdelay $0x1  }
0xc7: {  	v3 =	vadd.s32 v1, v3;
	_ =	sdelay $0x1  }
0xc8: {  	s29 =	simm.s32 $0xF800  }
0xc9: {  	[tilespmem:s29], [sflag:$0x2] =	stream.indirect_vreg.gather [hbm4b:s1+s3], $0x80, v4, vm0, $0xb8;
	[tilespmem:$0x10800] =	vst v63  }
0xca: {  	s30 =	simm.s32 $0x10000  }
0xcb: {  	[tilespmem:s30], [sflag:$0x2] =	stream.indirect_vreg.gather [hbm4b:s1+s3], $0x80, v3, vm0, $0xb8;
	[tilespmem:$0x10800] =	vst v63  }
0xcc: {  	_ =	swait.ge [sflag:s12], $0x8000  }
0xcd: {  	[sflag:s12] =	ssyncset.done $0x0  }
0xce: {  	s31 =	rddreg [dreg:$0x5];
	[sflag:s12] =	ssyncadd.s32 $0xFFFF8000  }
0xcf: {  	[hbm4b:s31+s3] =	stream.linear.scatter [tilespmem:s6], [sflag:$0x3], $0x8000, $0x38;
	[tilespmem:$0x10800] =	vst v63  }
0xd0: {  	_ =	swait.ge [sflag:s5], $0x8000  }
0xd1: {  	[sflag:s5] =	ssyncset.done $0x0  }
0xd2: {  	[sflag:s5] =	ssyncadd.s32 $0xFFFF8000  }
0xd3: {  	v3 =	vld [tilespmem:$0x100];
	_ =	sdelay $0x4  }
0xd4: {  	v8 =	vshll.u32 v3, $0x1  }
0xd5: {  	v3 =	vand.u32 $0x7, v3;
	v4 =	vand.u32 $0xFFFFFFF0, v8  }
0xd6: {  	v3 =	vor.u32 v3, v4  }
0xd7: {  	v4 =	vperm.xlane v3, v0;
	_ =	sdelay $0x1  }
0xd8: {  	v3 =	vperm.xlane v3, v2;
	v4 =	vadd.s32 v1, v4;
	_ =	sdelay $0x1  }
0xd9: {  	v3 =	vadd.s32 v1, v3;
	_ =	sdelay $0x2  }
0xda: {  	[tilespmem:s6], [sflag:$0x1] =	stream.indirect_vreg.gather [hbm4b:s1+s3], $0x80, v4, vm0, $0xb8;
	[tilespmem:$0x10800] =	vst v63  }
0xdb: {  	s20 =	simm.s32 $0x1000  }
0xdc: {  	[tilespmem:s20], [sflag:$0x1] =	stream.indirect_vreg.gather [hbm4b:s1+s3], $0x80, v3, vm0, $0xb8;
	[tilespmem:$0x10800] =	vst v63  }
0xdd: {  	v3 =	vld [tilespmem:$0x110];
	_ =	sdelay $0x4  }
0xde: {  	v9 =	vshll.u32 v3, $0x1  }
0xdf: {  	v3 =	vand.u32 $0x7, v3;
	v4 =	vand.u32 $0xFFFFFFF0, v9  }
0xe0: {  	v3 =	vor.u32 v3, v4  }
0xe1: {  	v4 =	vperm.xlane v3, v0;
	_ =	sdelay $0x1  }
0xe2: {  	v3 =	vperm.xlane v3, v2;
	v4 =	vadd.s32 v1, v4;
	_ =	sdelay $0x1  }
0xe3: {  	v3 =	vadd.s32 v1, v3;
	_ =	sdelay $0x1  }
0xe4: {  	s18 =	simm.s32 $0x1800  }
0xe5: {  	[tilespmem:s18], [sflag:$0x1] =	stream.indirect_vreg.gather [hbm4b:s1+s3], $0x80, v4, vm0, $0xb8;
	[tilespmem:$0x10800] =	vst v63  }
0xe6: {  	s21 =	simm.s32 $0x2000  }
0xe7: {  	[tilespmem:s21], [sflag:$0x1] =	stream.indirect_vreg.gather [hbm4b:s1+s3], $0x80, v3, vm0, $0xb8;
	[tilespmem:$0x10800] =	vst v63  }
0xe8: {  	v3 =	vld [tilespmem:$0x120];
	_ =	sdelay $0x4  }
0xe9: {  	v10 =	vshll.u32 v3, $0x1  }
0xea: {  	v3 =	vand.u32 $0x7, v3;
	v4 =	vand.u32 $0xFFFFFFF0, v10  }
0xeb: {  	v3 =	vor.u32 v3, v4  }
0xec: {  	v4 =	vperm.xlane v3, v0;
	_ =	sdelay $0x1  }
0xed: {  	v3 =	vperm.xlane v3, v2;
	v4 =	vadd.s32 v1, v4;
	_ =	sdelay $0x1  }
0xee: {  	v3 =	vadd.s32 v1, v3;
	_ =	sdelay $0x1  }
0xef: {  	s20 =	simm.s32 $0x2800  }
0xf0: {  	[tilespmem:s20], [sflag:$0x1] =	stream.indirect_vreg.gather [hbm4b:s1+s3], $0x80, v4, vm0, $0xb8;
	[tilespmem:$0x10800] =	vst v63  }
0xf1: {  	s23 =	simm.s32 $0x3000  }
0xf2: {  	[tilespmem:s23], [sflag:$0x1] =	stream.indirect_vreg.gather [hbm4b:s1+s3], $0x80, v3, vm0, $0xb8;
	[tilespmem:$0x10800] =	vst v63  }
0xf3: {  	v3 =	vld [tilespmem:$0x130];
	_ =	sdelay $0x4  }
0xf4: {  	v11 =	vshll.u32 v3, $0x1  }
0xf5: {  	v3 =	vand.u32 $0x7, v3;
	v4 =	vand.u32 $0xFFFFFFF0, v11  }
0xf6: {  	v3 =	vor.u32 v3, v4  }
0xf7: {  	v4 =	vperm.xlane v3, v0;
	_ =	sdelay $0x1  }
0xf8: {  	v3 =	vperm.xlane v3, v2;
	v4 =	vadd.s32 v1, v4;
	_ =	sdelay $0x1  }
0xf9: {  	v3 =	vadd.s32 v1, v3;
	_ =	sdelay $0x1  }
0xfa: {  	s21 =	simm.s32 $0x3800  }
0xfb: {  	[tilespmem:s21], [sflag:$0x1] =	stream.indirect_vreg.gather [hbm4b:s1+s3], $0x80, v4, vm0, $0xb8;
	[tilespmem:$0x10800] =	vst v63  }
0xfc: {  	s24 =	simm.s32 $0x4000  }
0xfd: {  	[tilespmem:s24], [sflag:$0x1] =	stream.indirect_vreg.gather [hbm4b:s1+s3], $0x80, v3, vm0, $0xb8;
	[tilespmem:$0x10800] =	vst v63  }
0xfe: {  	v3 =	vld [tilespmem:$0x140];
	_ =	sdelay $0x4  }
0xff: {  	v12 =	vshll.u32 v3, $0x1  }
0x100: {  	v3 =	vand.u32 $0x7, v3;
	v4 =	vand.u32 $0xFFFFFFF0, v12  }
0x101: {  	v3 =	vor.u32 v3, v4  }
0x102: {  	v4 =	vperm.xlane v3, v0;
	_ =	sdelay $0x1  }
0x103: {  	v3 =	vperm.xlane v3, v2;
	v4 =	vadd.s32 v1, v4;
	_ =	sdelay $0x1  }
0x104: {  	v3 =	vadd.s32 v1, v3;
	_ =	sdelay $0x1  }
0x105: {  	s23 =	simm.s32 $0x4800  }
0x106: {  	[tilespmem:s23], [sflag:$0x1] =	stream.indirect_vreg.gather [hbm4b:s1+s3], $0x80, v4, vm0, $0xb8;
	[tilespmem:$0x10800] =	vst v63  }
0x107: {  	s25 =	simm.s32 $0x5000  }
0x108: {  	[tilespmem:s25], [sflag:$0x1] =	stream.indirect_vreg.gather [hbm4b:s1+s3], $0x80, v3, vm0, $0xb8;
	[tilespmem:$0x10800] =	vst v63  }
0x109: {  	v3 =	vld [tilespmem:$0x150];
	_ =	sdelay $0x4  }
0x10a: {  	v13 =	vshll.u32 v3, $0x1  }
0x10b: {  	v3 =	vand.u32 $0x7, v3;
	v4 =	vand.u32 $0xFFFFFFF0, v13  }
0x10c: {  	v3 =	vor.u32 v3, v4  }
0x10d: {  	v4 =	vperm.xlane v3, v0;
	_ =	sdelay $0x1  }
0x10e: {  	v3 =	vperm.xlane v3, v2;
	v4 =	vadd.s32 v1, v4;
	_ =	sdelay $0x1  }
0x10f: {  	v3 =	vadd.s32 v1, v3;
	_ =	sdelay $0x1  }
0x110: {  	s25 =	simm.s32 $0x5800  }
0x111: {  	[tilespmem:s25], [sflag:$0x1] =	stream.indirect_vreg.gather [hbm4b:s1+s3], $0x80, v4, vm0, $0xb8;
	[tilespmem:$0x10800] =	vst v63  }
0x112: {  	s26 =	simm.s32 $0x6000  }
0x113: {  	[tilespmem:s26], [sflag:$0x1] =	stream.indirect_vreg.gather [hbm4b:s1+s3], $0x80, v3, vm0, $0xb8;
	[tilespmem:$0x10800] =	vst v63  }
0x114: {  	v3 =	vld [tilespmem:$0x160];
	_ =	sdelay $0x4  }
0x115: {  	v14 =	vshll.u32 v3, $0x1  }
0x116: {  	v3 =	vand.u32 $0x7, v3;
	v4 =	vand.u32 $0xFFFFFFF0, v14  }
0x117: {  	v3 =	vor.u32 v3, v4  }
0x118: {  	v4 =	vperm.xlane v3, v0;
	_ =	sdelay $0x1  }
0x119: {  	v3 =	vperm.xlane v3, v2;
	v4 =	vadd.s32 v1, v4;
	_ =	sdelay $0x1  }
0x11a: {  	v3 =	vadd.s32 v1, v3;
	_ =	sdelay $0x1  }
0x11b: {  	s28 =	simm.s32 $0x6800  }
0x11c: {  	[tilespmem:s28], [sflag:$0x1] =	stream.indirect_vreg.gather [hbm4b:s1+s3], $0x80, v4, vm0, $0xb8;
	[tilespmem:$0x10800] =	vst v63  }
0x11d: {  	s29 =	simm.s32 $0x7000  }
0x11e: {  	[tilespmem:s29], [sflag:$0x1] =	stream.indirect_vreg.gather [hbm4b:s1+s3], $0x80, v3, vm0, $0xb8;
	[tilespmem:$0x10800] =	vst v63  }
0x11f: {  	v3 =	vld [tilespmem:$0x170];
	_ =	sdelay $0x4  }
0x120: {  	v15 =	vshll.u32 v3, $0x1  }
0x121: {  	v3 =	vand.u32 $0x7, v3;
	v4 =	vand.u32 $0xFFFFFFF0, v15  }
0x122: {  	v3 =	vor.u32 v3, v4  }
0x123: {  	v4 =	vperm.xlane v3, v0;
	_ =	sdelay $0x1  }
0x124: {  	v3 =	vperm.xlane v3, v2;
	v4 =	vadd.s32 v1, v4;
	_ =	sdelay $0x1  }
0x125: {  	v3 =	vadd.s32 v1, v3;
	_ =	sdelay $0x1  }
0x126: {  	s30 =	simm.s32 $0x7800  }
0x127: {  	[tilespmem:s30], [sflag:$0x1] =	stream.indirect_vreg.gather [hbm4b:s1+s3], $0x80, v4, vm0, $0xb8;
	[tilespmem:$0x10800] =	vst v63  }
0x128: {  	s31 =	simm.s32 $0x8000  }
0x129: {  	[tilespmem:s31], [sflag:$0x1] =	stream.indirect_vreg.gather [hbm4b:s1+s3], $0x80, v3, vm0, $0xb8;
	[tilespmem:$0x10800] =	vst v63  }
0x12a: {  	_ =	swait.ge [sflag:s13], $0x8000  }
0x12b: {  	[sflag:s13] =	ssyncset.done $0x0  }
0x12c: {  	s18 =	rddreg [dreg:$0x6];
	[sflag:s13] =	ssyncadd.s32 $0xFFFF8000  }
0x12d: {  	[hbm4b:s18+s3] =	stream.linear.scatter [tilespmem:s22], [sflag:$0x3], $0x8000, $0x38;
	[tilespmem:$0x10800] =	vst v63  }
0x12e: {  	_ =	swait.ge [sflag:s5], $0x8000  }
0x12f: {  	[sflag:s5] =	ssyncset.done $0x0  }
0x130: {  	[sflag:s5] =	ssyncadd.s32 $0xFFFF8000  }
0x131: {  	v3 =	vld [tilespmem:$0x180];
	_ =	sdelay $0x4  }
0x132: {  	v16 =	vshll.u32 v3, $0x1  }
0x133: {  	v3 =	vand.u32 $0x7, v3;
	v4 =	vand.u32 $0xFFFFFFF0, v16  }
0x134: {  	v3 =	vor.u32 v3, v4  }
0x135: {  	v4 =	vperm.xlane v3, v0;
	_ =	sdelay $0x1  }
0x136: {  	v3 =	vperm.xlane v3, v2;
	v4 =	vadd.s32 v1, v4;
	_ =	sdelay $0x1  }
0x137: {  	v3 =	vadd.s32 v1, v3;
	_ =	sdelay $0x2  }
0x138: {  	[tilespmem:s22], [sflag:$0x2] =	stream.indirect_vreg.gather [hbm4b:s1+s3], $0x80, v4, vm0, $0xb8;
	[tilespmem:$0x10800] =	vst v63  }
0x139: {  	s8 =	simm.s32 $0x9000  }
0x13a: {  	[tilespmem:s8], [sflag:$0x2] =	stream.indirect_vreg.gather [hbm4b:s1+s3], $0x80, v3, vm0, $0xb8;
	[tilespmem:$0x10800] =	vst v63  }
0x13b: {  	v3 =	vld [tilespmem:$0x190];
	_ =	sdelay $0x4  }
0x13c: {  	v17 =	vshll.u32 v3, $0x1  }
0x13d: {  	v3 =	vand.u32 $0x7, v3;
	v4 =	vand.u32 $0xFFFFFFF0, v17  }
0x13e: {  	v3 =	vor.u32 v3, v4  }
0x13f: {  	v4 =	vperm.xlane v3, v0;
	_ =	sdelay $0x1  }
0x140: {  	v3 =	vperm.xlane v3, v2;
	v4 =	vadd.s32 v1, v4;
	_ =	sdelay $0x1  }
0x141: {  	v3 =	vadd.s32 v1, v3;
	_ =	sdelay $0x1  }
0x142: {  	s8 =	simm.s32 $0x9800  }
0x143: {  	[tilespmem:s8], [sflag:$0x2] =	stream.indirect_vreg.gather [hbm4b:s1+s3], $0x80, v4, vm0, $0xb8;
	[tilespmem:$0x10800] =	vst v63  }
0x144: {  	s9 =	simm.s32 $0xA000  }
0x145: {  	[tilespmem:s9], [sflag:$0x2] =	stream.indirect_vreg.gather [hbm4b:s1+s3], $0x80, v3, vm0, $0xb8;
	[tilespmem:$0x10800] =	vst v63  }
0x146: {  	v3 =	vld [tilespmem:$0x1A0];
	_ =	sdelay $0x4  }
0x147: {  	v18 =	vshll.u32 v3, $0x1  }
0x148: {  	v3 =	vand.u32 $0x7, v3;
	v4 =	vand.u32 $0xFFFFFFF0, v18  }
0x149: {  	v3 =	vor.u32 v3, v4  }
0x14a: {  	v4 =	vperm.xlane v3, v0;
	_ =	sdelay $0x1  }
0x14b: {  	v3 =	vperm.xlane v3, v2;
	v4 =	vadd.s32 v1, v4;
	_ =	sdelay $0x1  }
0x14c: {  	v3 =	vadd.s32 v1, v3;
	_ =	sdelay $0x1  }
0x14d: {  	s9 =	simm.s32 $0xA800  }
0x14e: {  	[tilespmem:s9], [sflag:$0x2] =	stream.indirect_vreg.gather [hbm4b:s1+s3], $0x80, v4, vm0, $0xb8;
	[tilespmem:$0x10800] =	vst v63  }
0x14f: {  	s18 =	simm.s32 $0xB000  }
0x150: {  	[tilespmem:s18], [sflag:$0x2] =	stream.indirect_vreg.gather [hbm4b:s1+s3], $0x80, v3, vm0, $0xb8;
	[tilespmem:$0x10800] =	vst v63  }
0x151: {  	v3 =	vld [tilespmem:$0x1B0];
	_ =	sdelay $0x4  }
0x152: {  	v19 =	vshll.u32 v3, $0x1  }
0x153: {  	v3 =	vand.u32 $0x7, v3;
	v4 =	vand.u32 $0xFFFFFFF0, v19  }
0x154: {  	v3 =	vor.u32 v3, v4  }
0x155: {  	v4 =	vperm.xlane v3, v0;
	_ =	sdelay $0x1  }
0x156: {  	v3 =	vperm.xlane v3, v2;
	v4 =	vadd.s32 v1, v4;
	_ =	sdelay $0x1  }
0x157: {  	v3 =	vadd.s32 v1, v3;
	_ =	sdelay $0x1  }
0x158: {  	s10 =	simm.s32 $0xB800  }
0x159: {  	[tilespmem:s10], [sflag:$0x2] =	stream.indirect_vreg.gather [hbm4b:s1+s3], $0x80, v4, vm0, $0xb8;
	[tilespmem:$0x10800] =	vst v63  }
0x15a: {  	s19 =	simm.s32 $0xC000  }
0x15b: {  	[tilespmem:s19], [sflag:$0x2] =	stream.indirect_vreg.gather [hbm4b:s1+s3], $0x80, v3, vm0, $0xb8;
	[tilespmem:$0x10800] =	vst v63  }
0x15c: {  	v3 =	vld [tilespmem:$0x1C0];
	_ =	sdelay $0x4  }
0x15d: {  	v20 =	vshll.u32 v3, $0x1  }
0x15e: {  	v3 =	vand.u32 $0x7, v3;
	v4 =	vand.u32 $0xFFFFFFF0, v20  }
0x15f: {  	v3 =	vor.u32 v3, v4  }
0x160: {  	v4 =	vperm.xlane v3, v0;
	_ =	sdelay $0x1  }
0x161: {  	v3 =	vperm.xlane v3, v2;
	v4 =	vadd.s32 v1, v4;
	_ =	sdelay $0x1  }
0x162: {  	v3 =	vadd.s32 v1, v3;
	_ =	sdelay $0x1  }
0x163: {  	s0 =	simm.s32 $0xC800  }
0x164: {  	[tilespmem:s0], [sflag:$0x2] =	stream.indirect_vreg.gather [hbm4b:s1+s3], $0x80, v4, vm0, $0xb8;
	[tilespmem:$0x10800] =	vst v63  }
0x165: {  	s11 =	simm.s32 $0xD000  }
0x166: {  	[tilespmem:s11], [sflag:$0x2] =	stream.indirect_vreg.gather [hbm4b:s1+s3], $0x80, v3, vm0, $0xb8;
	[tilespmem:$0x10800] =	vst v63  }
0x167: {  	v3 =	vld [tilespmem:$0x1D0];
	_ =	sdelay $0x4  }
0x168: {  	v21 =	vshll.u32 v3, $0x1  }
0x169: {  	v3 =	vand.u32 $0x7, v3;
	v4 =	vand.u32 $0xFFFFFFF0, v21  }
0x16a: {  	v3 =	vor.u32 v3, v4  }
0x16b: {  	v4 =	vperm.xlane v3, v0;
	_ =	sdelay $0x1  }
0x16c: {  	v3 =	vperm.xlane v3, v2;
	v4 =	vadd.s32 v1, v4;
	_ =	sdelay $0x1  }
0x16d: {  	v3 =	vadd.s32 v1, v3;
	_ =	sdelay $0x1  }
0x16e: {  	s2 =	simm.s32 $0xD800  }
0x16f: {  	[tilespmem:s2], [sflag:$0x2] =	stream.indirect_vreg.gather [hbm4b:s1+s3], $0x80, v4, vm0, $0xb8;
	[tilespmem:$0x10800] =	vst v63  }
0x170: {  	s15 =	simm.s32 $0xE000  }
0x171: {  	[tilespmem:s15], [sflag:$0x2] =	stream.indirect_vreg.gather [hbm4b:s1+s3], $0x80, v3, vm0, $0xb8;
	[tilespmem:$0x10800] =	vst v63  }
0x172: {  	v3 =	vld [tilespmem:$0x1E0];
	_ =	sdelay $0x4  }
0x173: {  	v22 =	vshll.u32 v3, $0x1  }
0x174: {  	v3 =	vand.u32 $0x7, v3;
	v4 =	vand.u32 $0xFFFFFFF0, v22  }
0x175: {  	v3 =	vor.u32 v3, v4  }
0x176: {  	v4 =	vperm.xlane v3, v0;
	_ =	sdelay $0x1  }
0x177: {  	v3 =	vperm.xlane v3, v2;
	v4 =	vadd.s32 v1, v4;
	_ =	sdelay $0x1  }
0x178: {  	v3 =	vadd.s32 v1, v3;
	_ =	sdelay $0x1  }
0x179: {  	s4 =	simm.s32 $0xE800  }
0x17a: {  	[tilespmem:s4], [sflag:$0x2] =	stream.indirect_vreg.gather [hbm4b:s1+s3], $0x80, v4, vm0, $0xb8;
	[tilespmem:$0x10800] =	vst v63  }
0x17b: {  	s16 =	simm.s32 $0xF000  }
0x17c: {  	[tilespmem:s16], [sflag:$0x2] =	stream.indirect_vreg.gather [hbm4b:s1+s3], $0x80, v3, vm0, $0xb8;
	[tilespmem:$0x10800] =	vst v63  }
0x17d: {  	v3 =	vld [tilespmem:$0x1F0];
	_ =	sdelay $0x4  }
0x17e: {  	v23 =	vshll.u32 v3, $0x1  }
0x17f: {  	v3 =	vand.u32 $0x7, v3;
	v4 =	vand.u32 $0xFFFFFFF0, v23  }
0x180: {  	v3 =	vor.u32 v3, v4  }
0x181: {  	v4 =	vperm.xlane v3, v0;
	_ =	sdelay $0x1  }
0x182: {  	v3 =	vperm.xlane v3, v2;
	v4 =	vadd.s32 v1, v4;
	_ =	sdelay $0x1  }
0x183: {  	v3 =	vadd.s32 v1, v3;
	_ =	sdelay $0x1  }
0x184: {  	s7 =	simm.s32 $0xF800  }
0x185: {  	[tilespmem:s7], [sflag:$0x2] =	stream.indirect_vreg.gather [hbm4b:s1+s3], $0x80, v4, vm0, $0xb8;
	[tilespmem:$0x10800] =	vst v63  }
0x186: {  	s17 =	simm.s32 $0x10000  }
0x187: {  	[tilespmem:s17], [sflag:$0x2] =	stream.indirect_vreg.gather [hbm4b:s1+s3], $0x80, v3, vm0, $0xb8;
	[tilespmem:$0x10800] =	vst v63  }
0x188: {  	_ =	swait.ge [sflag:s12], $0x8000  }
0x189: {  	[sflag:s12] =	ssyncset.done $0x0  }
0x18a: {  	s14 =	rddreg [dreg:$0x7];
	[sflag:s12] =	ssyncadd.s32 $0xFFFF8000  }
0x18b: {  	[hbm4b:s14+s3] =	stream.linear.scatter [tilespmem:s6], [sflag:$0x3], $0x8000, $0x38;
	[tilespmem:$0x10800] =	vst v63  }
0x18c: {  	_ =	swait.ge [sflag:s5], $0x8000  }
0x18d: {  	[sflag:s5] =	ssyncset.done $0x0  }
0x18e: {  	[sflag:s5] =	ssyncadd.s32 $0xFFFF8000  }
0x18f: {  	v3 =	vld [tilespmem:$0x200];
	_ =	sdelay $0x4  }
0x190: {  	v24 =	vshll.u32 v3, $0x1  }
0x191: {  	v3 =	vand.u32 $0x7, v3;
	v4 =	vand.u32 $0xFFFFFFF0, v24  }
0x192: {  	v3 =	vor.u32 v3, v4  }
0x193: {  	v4 =	vperm.xlane v3, v0;
	_ =	sdelay $0x1  }
0x194: {  	v3 =	vperm.xlane v3, v2;
	v4 =	vadd.s32 v1, v4;
	_ =	sdelay $0x1  }
0x195: {  	v3 =	vadd.s32 v1, v3;
	_ =	sdelay $0x2  }
0x196: {  	[tilespmem:s6], [sflag:$0x1] =	stream.indirect_vreg.gather [hbm4b:s1+s3], $0x80, v4, vm0, $0xb8;
	[tilespmem:$0x10800] =	vst v63  }
0x197: {  	s14 =	simm.s32 $0x1000  }
0x198: {  	[tilespmem:s14], [sflag:$0x1] =	stream.indirect_vreg.gather [hbm4b:s1+s3], $0x80, v3, vm0, $0xb8;
	[tilespmem:$0x10800] =	vst v63  }
0x199: {  	v3 =	vld [tilespmem:$0x210];
	_ =	sdelay $0x4  }
0x19a: {  	v25 =	vshll.u32 v3, $0x1  }
0x19b: {  	v3 =	vand.u32 $0x7, v3;
	v4 =	vand.u32 $0xFFFFFFF0, v25  }
0x19c: {  	v3 =	vor.u32 v3, v4  }
0x19d: {  	v4 =	vperm.xlane v3, v0;
	_ =	sdelay $0x1  }
0x19e: {  	v3 =	vperm.xlane v3, v2;
	v4 =	vadd.s32 v1, v4;
	_ =	sdelay $0x1  }
0x19f: {  	v3 =	vadd.s32 v1, v3;
	_ =	sdelay $0x1  }
0x1a0: {  	s14 =	simm.s32 $0x1800  }
0x1a1: {  	[tilespmem:s14], [sflag:$0x1] =	stream.indirect_vreg.gather [hbm4b:s1+s3], $0x80, v4, vm0, $0xb8;
	[tilespmem:$0x10800] =	vst v63  }
0x1a2: {  	s14 =	simm.s32 $0x2000  }
0x1a3: {  	[tilespmem:s14], [sflag:$0x1] =	stream.indirect_vreg.gather [hbm4b:s1+s3], $0x80, v3, vm0, $0xb8;
	[tilespmem:$0x10800] =	vst v63  }
0x1a4: {  	v3 =	vld [tilespmem:$0x220];
	_ =	sdelay $0x4  }
0x1a5: {  	v26 =	vshll.u32 v3, $0x1  }
0x1a6: {  	v3 =	vand.u32 $0x7, v3;
	v4 =	vand.u32 $0xFFFFFFF0, v26  }
0x1a7: {  	v3 =	vor.u32 v3, v4  }
0x1a8: {  	v4 =	vperm.xlane v3, v0;
	_ =	sdelay $0x1  }
0x1a9: {  	v3 =	vperm.xlane v3, v2;
	v4 =	vadd.s32 v1, v4;
	_ =	sdelay $0x1  }
0x1aa: {  	v3 =	vadd.s32 v1, v3;
	_ =	sdelay $0x2  }
0x1ab: {  	[tilespmem:s20], [sflag:$0x1] =	stream.indirect_vreg.gather [hbm4b:s1+s3], $0x80, v4, vm0, $0xb8;
	[tilespmem:$0x10800] =	vst v63  }
0x1ac: {  	s14 =	simm.s32 $0x3000  }
0x1ad: {  	[tilespmem:s14], [sflag:$0x1] =	stream.indirect_vreg.gather [hbm4b:s1+s3], $0x80, v3, vm0, $0xb8;
	[tilespmem:$0x10800] =	vst v63  }
0x1ae: {  	v3 =	vld [tilespmem:$0x230];
	_ =	sdelay $0x4  }
0x1af: {  	v27 =	vshll.u32 v3, $0x1  }
0x1b0: {  	v3 =	vand.u32 $0x7, v3;
	v4 =	vand.u32 $0xFFFFFFF0, v27  }
0x1b1: {  	v3 =	vor.u32 v3, v4  }
0x1b2: {  	v4 =	vperm.xlane v3, v0;
	_ =	sdelay $0x1  }
0x1b3: {  	v3 =	vperm.xlane v3, v2;
	v4 =	vadd.s32 v1, v4;
	_ =	sdelay $0x1  }
0x1b4: {  	v3 =	vadd.s32 v1, v3;
	_ =	sdelay $0x2  }
0x1b5: {  	[tilespmem:s21], [sflag:$0x1] =	stream.indirect_vreg.gather [hbm4b:s1+s3], $0x80, v4, vm0, $0xb8;
	[tilespmem:$0x10800] =	vst v63  }
0x1b6: {  	_ = 	snop  }
0x1b7: {  	[tilespmem:s24], [sflag:$0x1] =	stream.indirect_vreg.gather [hbm4b:s1+s3], $0x80, v3, vm0, $0xb8;
	[tilespmem:$0x10800] =	vst v63  }
0x1b8: {  	v3 =	vld [tilespmem:$0x240];
	_ =	sdelay $0x4  }
0x1b9: {  	v28 =	vshll.u32 v3, $0x1  }
0x1ba: {  	v3 =	vand.u32 $0x7, v3;
	v4 =	vand.u32 $0xFFFFFFF0, v28  }
0x1bb: {  	v3 =	vor.u32 v3, v4  }
0x1bc: {  	v4 =	vperm.xlane v3, v0;
	_ =	sdelay $0x1  }
0x1bd: {  	v3 =	vperm.xlane v3, v2;
	v4 =	vadd.s32 v1, v4;
	_ =	sdelay $0x1  }
0x1be: {  	v3 =	vadd.s32 v1, v3;
	_ =	sdelay $0x2  }
0x1bf: {  	[tilespmem:s23], [sflag:$0x1] =	stream.indirect_vreg.gather [hbm4b:s1+s3], $0x80, v4, vm0, $0xb8;
	[tilespmem:$0x10800] =	vst v63  }
0x1c0: {  	s14 =	simm.s32 $0x5000  }
0x1c1: {  	[tilespmem:s14], [sflag:$0x1] =	stream.indirect_vreg.gather [hbm4b:s1+s3], $0x80, v3, vm0, $0xb8;
	[tilespmem:$0x10800] =	vst v63  }
0x1c2: {  	v3 =	vld [tilespmem:$0x250];
	_ =	sdelay $0x4  }
0x1c3: {  	v29 =	vshll.u32 v3, $0x1  }
0x1c4: {  	v3 =	vand.u32 $0x7, v3;
	v4 =	vand.u32 $0xFFFFFFF0, v29  }
0x1c5: {  	v3 =	vor.u32 v3, v4  }
0x1c6: {  	v4 =	vperm.xlane v3, v0;
	_ =	sdelay $0x1  }
0x1c7: {  	v3 =	vperm.xlane v3, v2;
	v4 =	vadd.s32 v1, v4;
	_ =	sdelay $0x1  }
0x1c8: {  	v3 =	vadd.s32 v1, v3;
	_ =	sdelay $0x2  }
0x1c9: {  	[tilespmem:s25], [sflag:$0x1] =	stream.indirect_vreg.gather [hbm4b:s1+s3], $0x80, v4, vm0, $0xb8;
	[tilespmem:$0x10800] =	vst v63  }
0x1ca: {  	_ = 	snop  }
0x1cb: {  	[tilespmem:s26], [sflag:$0x1] =	stream.indirect_vreg.gather [hbm4b:s1+s3], $0x80, v3, vm0, $0xb8;
	[tilespmem:$0x10800] =	vst v63  }
0x1cc: {  	v3 =	vld [tilespmem:$0x260];
	_ =	sdelay $0x4  }
0x1cd: {  	v30 =	vshll.u32 v3, $0x1  }
0x1ce: {  	v3 =	vand.u32 $0x7, v3;
	v4 =	vand.u32 $0xFFFFFFF0, v30  }
0x1cf: {  	v3 =	vor.u32 v3, v4  }
0x1d0: {  	v4 =	vperm.xlane v3, v0;
	_ =	sdelay $0x1  }
0x1d1: {  	v3 =	vperm.xlane v3, v2;
	v4 =	vadd.s32 v1, v4;
	_ =	sdelay $0x1  }
0x1d2: {  	v3 =	vadd.s32 v1, v3;
	_ =	sdelay $0x2  }
0x1d3: {  	[tilespmem:s28], [sflag:$0x1] =	stream.indirect_vreg.gather [hbm4b:s1+s3], $0x80, v4, vm0, $0xb8;
	[tilespmem:$0x10800] =	vst v63  }
0x1d4: {  	_ = 	snop  }
0x1d5: {  	[tilespmem:s29], [sflag:$0x1] =	stream.indirect_vreg.gather [hbm4b:s1+s3], $0x80, v3, vm0, $0xb8;
	[tilespmem:$0x10800] =	vst v63  }
0x1d6: {  	v3 =	vld [tilespmem:$0x270];
	_ =	sdelay $0x4  }
0x1d7: {  	v31 =	vshll.u32 v3, $0x1  }
0x1d8: {  	v3 =	vand.u32 $0x7, v3;
	v4 =	vand.u32 $0xFFFFFFF0, v31  }
0x1d9: {  	v3 =	vor.u32 v3, v4  }
0x1da: {  	v4 =	vperm.xlane v3, v0;
	_ =	sdelay $0x1  }
0x1db: {  	v3 =	vperm.xlane v3, v2;
	v4 =	vadd.s32 v1, v4;
	_ =	sdelay $0x1  }
0x1dc: {  	v3 =	vadd.s32 v1, v3;
	_ =	sdelay $0x2  }
0x1dd: {  	[tilespmem:s30], [sflag:$0x1] =	stream.indirect_vreg.gather [hbm4b:s1+s3], $0x80, v4, vm0, $0xb8;
	[tilespmem:$0x10800] =	vst v63  }
0x1de: {  	_ = 	snop  }
0x1df: {  	[tilespmem:s31], [sflag:$0x1] =	stream.indirect_vreg.gather [hbm4b:s1+s3], $0x80, v3, vm0, $0xb8;
	[tilespmem:$0x10800] =	vst v63  }
0x1e0: {  	_ =	swait.ge [sflag:s13], $0x8000  }
0x1e1: {  	[sflag:s13] =	ssyncset.done $0x0  }
0x1e2: {  	s14 =	rddreg [dreg:$0x8];
	[sflag:s13] =	ssyncadd.s32 $0xFFFF8000  }
0x1e3: {  	[hbm4b:s14+s3] =	stream.linear.scatter [tilespmem:s22], [sflag:$0x3], $0x8000, $0x38;
	[tilespmem:$0x10800] =	vst v63  }
0x1e4: {  	_ =	swait.ge [sflag:s5], $0x8000  }
0x1e5: {  	[sflag:s5] =	ssyncset.done $0x0  }
0x1e6: {  	[sflag:s5] =	ssyncadd.s32 $0xFFFF8000  }
0x1e7: {  	v3 =	vld [tilespmem:$0x280];
	_ =	sdelay $0x4  }
0x1e8: {  	v32 =	vshll.u32 v3, $0x1  }
0x1e9: {  	v3 =	vand.u32 $0x7, v3;
	v4 =	vand.u32 $0xFFFFFFF0, v32  }
0x1ea: {  	v3 =	vor.u32 v3, v4  }
0x1eb: {  	v4 =	vperm.xlane v3, v0;
	_ =	sdelay $0x1  }
0x1ec: {  	v3 =	vperm.xlane v3, v2;
	v4 =	vadd.s32 v1, v4;
	_ =	sdelay $0x1  }
0x1ed: {  	v3 =	vadd.s32 v1, v3;
	_ =	sdelay $0x2  }
0x1ee: {  	[tilespmem:s22], [sflag:$0x2] =	stream.indirect_vreg.gather [hbm4b:s1+s3], $0x80, v4, vm0, $0xb8;
	[tilespmem:$0x10800] =	vst v63  }
0x1ef: {  	s14 =	simm.s32 $0x9000  }
0x1f0: {  	[tilespmem:s14], [sflag:$0x2] =	stream.indirect_vreg.gather [hbm4b:s1+s3], $0x80, v3, vm0, $0xb8;
	[tilespmem:$0x10800] =	vst v63  }
0x1f1: {  	v3 =	vld [tilespmem:$0x290];
	_ =	sdelay $0x4  }
0x1f2: {  	v33 =	vshll.u32 v3, $0x1  }
0x1f3: {  	v3 =	vand.u32 $0x7, v3;
	v4 =	vand.u32 $0xFFFFFFF0, v33  }
0x1f4: {  	v3 =	vor.u32 v3, v4  }
0x1f5: {  	v4 =	vperm.xlane v3, v0;
	_ =	sdelay $0x1  }
0x1f6: {  	v3 =	vperm.xlane v3, v2;
	v4 =	vadd.s32 v1, v4;
	_ =	sdelay $0x1  }
0x1f7: {  	v3 =	vadd.s32 v1, v3;
	_ =	sdelay $0x2  }
0x1f8: {  	[tilespmem:s8], [sflag:$0x2] =	stream.indirect_vreg.gather [hbm4b:s1+s3], $0x80, v4, vm0, $0xb8;
	[tilespmem:$0x10800] =	vst v63  }
0x1f9: {  	s14 =	simm.s32 $0xA000  }
0x1fa: {  	[tilespmem:s14], [sflag:$0x2] =	stream.indirect_vreg.gather [hbm4b:s1+s3], $0x80, v3, vm0, $0xb8;
	[tilespmem:$0x10800] =	vst v63  }
0x1fb: {  	v3 =	vld [tilespmem:$0x2A0];
	_ =	sdelay $0x4  }
0x1fc: {  	v34 =	vshll.u32 v3, $0x1  }
0x1fd: {  	v3 =	vand.u32 $0x7, v3;
	v4 =	vand.u32 $0xFFFFFFF0, v34  }
0x1fe: {  	v3 =	vor.u32 v3, v4  }
0x1ff: {  	v4 =	vperm.xlane v3, v0;
	_ =	sdelay $0x1  }
0x200: {  	v3 =	vperm.xlane v3, v2;
	v4 =	vadd.s32 v1, v4;
	_ =	sdelay $0x1  }
0x201: {  	v3 =	vadd.s32 v1, v3;
	_ =	sdelay $0x2  }
0x202: {  	[tilespmem:s9], [sflag:$0x2] =	stream.indirect_vreg.gather [hbm4b:s1+s3], $0x80, v4, vm0, $0xb8;
	[tilespmem:$0x10800] =	vst v63  }
0x203: {  	_ = 	snop  }
0x204: {  	[tilespmem:s18], [sflag:$0x2] =	stream.indirect_vreg.gather [hbm4b:s1+s3], $0x80, v3, vm0, $0xb8;
	[tilespmem:$0x10800] =	vst v63  }
0x205: {  	v3 =	vld [tilespmem:$0x2B0];
	_ =	sdelay $0x4  }
0x206: {  	v35 =	vshll.u32 v3, $0x1  }
0x207: {  	v3 =	vand.u32 $0x7, v3;
	v4 =	vand.u32 $0xFFFFFFF0, v35  }
0x208: {  	v3 =	vor.u32 v3, v4  }
0x209: {  	v4 =	vperm.xlane v3, v0;
	_ =	sdelay $0x1  }
0x20a: {  	v3 =	vperm.xlane v3, v2;
	v4 =	vadd.s32 v1, v4;
	_ =	sdelay $0x1  }
0x20b: {  	v3 =	vadd.s32 v1, v3;
	_ =	sdelay $0x1  }
0x20c: {  	s10 =	simm.s32 $0xB800  }
0x20d: {  	[tilespmem:s10], [sflag:$0x2] =	stream.indirect_vreg.gather [hbm4b:s1+s3], $0x80, v4, vm0, $0xb8;
	[tilespmem:$0x10800] =	vst v63  }
0x20e: {  	s19 =	simm.s32 $0xC000  }
0x20f: {  	[tilespmem:s19], [sflag:$0x2] =	stream.indirect_vreg.gather [hbm4b:s1+s3], $0x80, v3, vm0, $0xb8;
	[tilespmem:$0x10800] =	vst v63  }
0x210: {  	v3 =	vld [tilespmem:$0x2C0];
	_ =	sdelay $0x4  }
0x211: {  	v36 =	vshll.u32 v3, $0x1  }
0x212: {  	v3 =	vand.u32 $0x7, v3;
	v4 =	vand.u32 $0xFFFFFFF0, v36  }
0x213: {  	v3 =	vor.u32 v3, v4  }
0x214: {  	v4 =	vperm.xlane v3, v0;
	_ =	sdelay $0x1  }
0x215: {  	v3 =	vperm.xlane v3, v2;
	v4 =	vadd.s32 v1, v4;
	_ =	sdelay $0x1  }
0x216: {  	v3 =	vadd.s32 v1, v3;
	_ =	sdelay $0x1  }
0x217: {  	s0 =	simm.s32 $0xC800  }
0x218: {  	[tilespmem:s0], [sflag:$0x2] =	stream.indirect_vreg.gather [hbm4b:s1+s3], $0x80, v4, vm0, $0xb8;
	[tilespmem:$0x10800] =	vst v63  }
0x219: {  	s11 =	simm.s32 $0xD000  }
0x21a: {  	[tilespmem:s11], [sflag:$0x2] =	stream.indirect_vreg.gather [hbm4b:s1+s3], $0x80, v3, vm0, $0xb8;
	[tilespmem:$0x10800] =	vst v63  }
0x21b: {  	v3 =	vld [tilespmem:$0x2D0];
	_ =	sdelay $0x4  }
0x21c: {  	v37 =	vshll.u32 v3, $0x1  }
0x21d: {  	v3 =	vand.u32 $0x7, v3;
	v4 =	vand.u32 $0xFFFFFFF0, v37  }
0x21e: {  	v3 =	vor.u32 v3, v4  }
0x21f: {  	v4 =	vperm.xlane v3, v0;
	_ =	sdelay $0x1  }
0x220: {  	v3 =	vperm.xlane v3, v2;
	v4 =	vadd.s32 v1, v4;
	_ =	sdelay $0x1  }
0x221: {  	v3 =	vadd.s32 v1, v3;
	_ =	sdelay $0x1  }
0x222: {  	s2 =	simm.s32 $0xD800  }
0x223: {  	[tilespmem:s2], [sflag:$0x2] =	stream.indirect_vreg.gather [hbm4b:s1+s3], $0x80, v4, vm0, $0xb8;
	[tilespmem:$0x10800] =	vst v63  }
0x224: {  	s15 =	simm.s32 $0xE000  }
0x225: {  	[tilespmem:s15], [sflag:$0x2] =	stream.indirect_vreg.gather [hbm4b:s1+s3], $0x80, v3, vm0, $0xb8;
	[tilespmem:$0x10800] =	vst v63  }
0x226: {  	v3 =	vld [tilespmem:$0x2E0];
	_ =	sdelay $0x4  }
0x227: {  	v38 =	vshll.u32 v3, $0x1  }
0x228: {  	v3 =	vand.u32 $0x7, v3;
	v4 =	vand.u32 $0xFFFFFFF0, v38  }
0x229: {  	v3 =	vor.u32 v3, v4  }
0x22a: {  	v4 =	vperm.xlane v3, v0;
	_ =	sdelay $0x1  }
0x22b: {  	v3 =	vperm.xlane v3, v2;
	v4 =	vadd.s32 v1, v4;
	_ =	sdelay $0x1  }
0x22c: {  	v3 =	vadd.s32 v1, v3;
	_ =	sdelay $0x1  }
0x22d: {  	s4 =	simm.s32 $0xE800  }
0x22e: {  	[tilespmem:s4], [sflag:$0x2] =	stream.indirect_vreg.gather [hbm4b:s1+s3], $0x80, v4, vm0, $0xb8;
	[tilespmem:$0x10800] =	vst v63  }
0x22f: {  	s16 =	simm.s32 $0xF000  }
0x230: {  	[tilespmem:s16], [sflag:$0x2] =	stream.indirect_vreg.gather [hbm4b:s1+s3], $0x80, v3, vm0, $0xb8;
	[tilespmem:$0x10800] =	vst v63  }
0x231: {  	v3 =	vld [tilespmem:$0x2F0];
	_ =	sdelay $0x4  }
0x232: {  	v39 =	vshll.u32 v3, $0x1  }
0x233: {  	v3 =	vand.u32 $0x7, v3;
	v4 =	vand.u32 $0xFFFFFFF0, v39  }
0x234: {  	v3 =	vor.u32 v3, v4  }
0x235: {  	v4 =	vperm.xlane v3, v0;
	_ =	sdelay $0x1  }
0x236: {  	v3 =	vperm.xlane v3, v2;
	v4 =	vadd.s32 v1, v4;
	_ =	sdelay $0x1  }
0x237: {  	v3 =	vadd.s32 v1, v3;
	_ =	sdelay $0x1  }
0x238: {  	s7 =	simm.s32 $0xF800  }
0x239: {  	[tilespmem:s7], [sflag:$0x2] =	stream.indirect_vreg.gather [hbm4b:s1+s3], $0x80, v4, vm0, $0xb8;
	[tilespmem:$0x10800] =	vst v63  }
0x23a: {  	s17 =	simm.s32 $0x10000  }
0x23b: {  	[tilespmem:s17], [sflag:$0x2] =	stream.indirect_vreg.gather [hbm4b:s1+s3], $0x80, v3, vm0, $0xb8;
	[tilespmem:$0x10800] =	vst v63  }
0x23c: {  	_ =	swait.ge [sflag:s12], $0x8000  }
0x23d: {  	[sflag:s12] =	ssyncset.done $0x0  }
0x23e: {  	s14 =	rddreg [dreg:$0x9];
	[sflag:s12] =	ssyncadd.s32 $0xFFFF8000  }
0x23f: {  	[hbm4b:s14+s3] =	stream.linear.scatter [tilespmem:s6], [sflag:$0x3], $0x8000, $0x38;
	[tilespmem:$0x10800] =	vst v63  }
0x240: {  	_ =	swait.ge [sflag:s5], $0x8000  }
0x241: {  	[sflag:s5] =	ssyncset.done $0x0  }
0x242: {  	[sflag:s5] =	ssyncadd.s32 $0xFFFF8000  }
0x243: {  	v3 =	vld [tilespmem:$0x300];
	_ =	sdelay $0x4  }
0x244: {  	v40 =	vshll.u32 v3, $0x1  }
0x245: {  	v3 =	vand.u32 $0x7, v3;
	v4 =	vand.u32 $0xFFFFFFF0, v40  }
0x246: {  	v3 =	vor.u32 v3, v4  }
0x247: {  	v4 =	vperm.xlane v3, v0;
	_ =	sdelay $0x1  }
0x248: {  	v3 =	vperm.xlane v3, v2;
	v4 =	vadd.s32 v1, v4;
	_ =	sdelay $0x1  }
0x249: {  	v3 =	vadd.s32 v1, v3;
	_ =	sdelay $0x2  }
0x24a: {  	[tilespmem:s6], [sflag:$0x1] =	stream.indirect_vreg.gather [hbm4b:s1+s3], $0x80, v4, vm0, $0xb8;
	[tilespmem:$0x10800] =	vst v63  }
0x24b: {  	s14 =	simm.s32 $0x1000  }
0x24c: {  	[tilespmem:s14], [sflag:$0x1] =	stream.indirect_vreg.gather [hbm4b:s1+s3], $0x80, v3, vm0, $0xb8;
	[tilespmem:$0x10800] =	vst v63  }
0x24d: {  	v3 =	vld [tilespmem:$0x310];
	_ =	sdelay $0x4  }
0x24e: {  	v41 =	vshll.u32 v3, $0x1  }
0x24f: {  	v3 =	vand.u32 $0x7, v3;
	v4 =	vand.u32 $0xFFFFFFF0, v41  }
0x250: {  	v3 =	vor.u32 v3, v4  }
0x251: {  	v4 =	vperm.xlane v3, v0;
	_ =	sdelay $0x1  }
0x252: {  	v3 =	vperm.xlane v3, v2;
	v4 =	vadd.s32 v1, v4;
	_ =	sdelay $0x1  }
0x253: {  	v3 =	vadd.s32 v1, v3;
	_ =	sdelay $0x1  }
0x254: {  	s14 =	simm.s32 $0x1800  }
0x255: {  	[tilespmem:s14], [sflag:$0x1] =	stream.indirect_vreg.gather [hbm4b:s1+s3], $0x80, v4, vm0, $0xb8;
	[tilespmem:$0x10800] =	vst v63  }
0x256: {  	s14 =	simm.s32 $0x2000  }
0x257: {  	[tilespmem:s14], [sflag:$0x1] =	stream.indirect_vreg.gather [hbm4b:s1+s3], $0x80, v3, vm0, $0xb8;
	[tilespmem:$0x10800] =	vst v63  }
0x258: {  	v3 =	vld [tilespmem:$0x320];
	_ =	sdelay $0x4  }
0x259: {  	v42 =	vshll.u32 v3, $0x1  }
0x25a: {  	v3 =	vand.u32 $0x7, v3;
	v4 =	vand.u32 $0xFFFFFFF0, v42  }
0x25b: {  	v3 =	vor.u32 v3, v4  }
0x25c: {  	v4 =	vperm.xlane v3, v0;
	_ =	sdelay $0x1  }
0x25d: {  	v3 =	vperm.xlane v3, v2;
	v4 =	vadd.s32 v1, v4;
	_ =	sdelay $0x1  }
0x25e: {  	v3 =	vadd.s32 v1, v3;
	_ =	sdelay $0x1  }
0x25f: {  	s20 =	simm.s32 $0x2800  }
0x260: {  	[tilespmem:s20], [sflag:$0x1] =	stream.indirect_vreg.gather [hbm4b:s1+s3], $0x80, v4, vm0, $0xb8;
	[tilespmem:$0x10800] =	vst v63  }
0x261: {  	s14 =	simm.s32 $0x3000  }
0x262: {  	[tilespmem:s14], [sflag:$0x1] =	stream.indirect_vreg.gather [hbm4b:s1+s3], $0x80, v3, vm0, $0xb8;
	[tilespmem:$0x10800] =	vst v63  }
0x263: {  	v3 =	vld [tilespmem:$0x330];
	_ =	sdelay $0x4  }
0x264: {  	v43 =	vshll.u32 v3, $0x1  }
0x265: {  	v3 =	vand.u32 $0x7, v3;
	v4 =	vand.u32 $0xFFFFFFF0, v43  }
0x266: {  	v3 =	vor.u32 v3, v4  }
0x267: {  	v4 =	vperm.xlane v3, v0;
	_ =	sdelay $0x1  }
0x268: {  	v3 =	vperm.xlane v3, v2;
	v4 =	vadd.s32 v1, v4;
	_ =	sdelay $0x1  }
0x269: {  	v3 =	vadd.s32 v1, v3;
	_ =	sdelay $0x1  }
0x26a: {  	s21 =	simm.s32 $0x3800  }
0x26b: {  	[tilespmem:s21], [sflag:$0x1] =	stream.indirect_vreg.gather [hbm4b:s1+s3], $0x80, v4, vm0, $0xb8;
	[tilespmem:$0x10800] =	vst v63  }
0x26c: {  	s24 =	simm.s32 $0x4000  }
0x26d: {  	[tilespmem:s24], [sflag:$0x1] =	stream.indirect_vreg.gather [hbm4b:s1+s3], $0x80, v3, vm0, $0xb8;
	[tilespmem:$0x10800] =	vst v63  }
0x26e: {  	v3 =	vld [tilespmem:$0x340];
	_ =	sdelay $0x4  }
0x26f: {  	v44 =	vshll.u32 v3, $0x1  }
0x270: {  	v3 =	vand.u32 $0x7, v3;
	v4 =	vand.u32 $0xFFFFFFF0, v44  }
0x271: {  	v3 =	vor.u32 v3, v4  }
0x272: {  	v4 =	vperm.xlane v3, v0;
	_ =	sdelay $0x1  }
0x273: {  	v3 =	vperm.xlane v3, v2;
	v4 =	vadd.s32 v1, v4;
	_ =	sdelay $0x1  }
0x274: {  	v3 =	vadd.s32 v1, v3;
	_ =	sdelay $0x1  }
0x275: {  	s23 =	simm.s32 $0x4800  }
0x276: {  	[tilespmem:s23], [sflag:$0x1] =	stream.indirect_vreg.gather [hbm4b:s1+s3], $0x80, v4, vm0, $0xb8;
	[tilespmem:$0x10800] =	vst v63  }
0x277: {  	s14 =	simm.s32 $0x5000  }
0x278: {  	[tilespmem:s14], [sflag:$0x1] =	stream.indirect_vreg.gather [hbm4b:s1+s3], $0x80, v3, vm0, $0xb8;
	[tilespmem:$0x10800] =	vst v63  }
0x279: {  	v3 =	vld [tilespmem:$0x350];
	_ =	sdelay $0x4  }
0x27a: {  	v45 =	vshll.u32 v3, $0x1  }
0x27b: {  	v3 =	vand.u32 $0x7, v3;
	v4 =	vand.u32 $0xFFFFFFF0, v45  }
0x27c: {  	v3 =	vor.u32 v3, v4  }
0x27d: {  	v4 =	vperm.xlane v3, v0;
	_ =	sdelay $0x1  }
0x27e: {  	v3 =	vperm.xlane v3, v2;
	v4 =	vadd.s32 v1, v4;
	_ =	sdelay $0x1  }
0x27f: {  	v3 =	vadd.s32 v1, v3;
	_ =	sdelay $0x1  }
0x280: {  	s25 =	simm.s32 $0x5800  }
0x281: {  	[tilespmem:s25], [sflag:$0x1] =	stream.indirect_vreg.gather [hbm4b:s1+s3], $0x80, v4, vm0, $0xb8;
	[tilespmem:$0x10800] =	vst v63  }
0x282: {  	s26 =	simm.s32 $0x6000  }
0x283: {  	[tilespmem:s26], [sflag:$0x1] =	stream.indirect_vreg.gather [hbm4b:s1+s3], $0x80, v3, vm0, $0xb8;
	[tilespmem:$0x10800] =	vst v63  }
0x284: {  	v3 =	vld [tilespmem:$0x360];
	_ =	sdelay $0x4  }
0x285: {  	v46 =	vshll.u32 v3, $0x1  }
0x286: {  	v3 =	vand.u32 $0x7, v3;
	v4 =	vand.u32 $0xFFFFFFF0, v46  }
0x287: {  	v3 =	vor.u32 v3, v4  }
0x288: {  	v4 =	vperm.xlane v3, v0;
	_ =	sdelay $0x1  }
0x289: {  	v3 =	vperm.xlane v3, v2;
	v4 =	vadd.s32 v1, v4;
	_ =	sdelay $0x1  }
0x28a: {  	v3 =	vadd.s32 v1, v3;
	_ =	sdelay $0x1  }
0x28b: {  	s28 =	simm.s32 $0x6800  }
0x28c: {  	[tilespmem:s28], [sflag:$0x1] =	stream.indirect_vreg.gather [hbm4b:s1+s3], $0x80, v4, vm0, $0xb8;
	[tilespmem:$0x10800] =	vst v63  }
0x28d: {  	s29 =	simm.s32 $0x7000  }
0x28e: {  	[tilespmem:s29], [sflag:$0x1] =	stream.indirect_vreg.gather [hbm4b:s1+s3], $0x80, v3, vm0, $0xb8;
	[tilespmem:$0x10800] =	vst v63  }
0x28f: {  	v3 =	vld [tilespmem:$0x370];
	_ =	sdelay $0x4  }
0x290: {  	v47 =	vshll.u32 v3, $0x1  }
0x291: {  	v3 =	vand.u32 $0x7, v3;
	v4 =	vand.u32 $0xFFFFFFF0, v47  }
0x292: {  	v3 =	vor.u32 v3, v4  }
0x293: {  	v4 =	vperm.xlane v3, v0;
	_ =	sdelay $0x1  }
0x294: {  	v3 =	vperm.xlane v3, v2;
	v4 =	vadd.s32 v1, v4;
	_ =	sdelay $0x1  }
0x295: {  	v3 =	vadd.s32 v1, v3;
	_ =	sdelay $0x1  }
0x296: {  	s30 =	simm.s32 $0x7800  }
0x297: {  	[tilespmem:s30], [sflag:$0x1] =	stream.indirect_vreg.gather [hbm4b:s1+s3], $0x80, v4, vm0, $0xb8;
	[tilespmem:$0x10800] =	vst v63  }
0x298: {  	s31 =	simm.s32 $0x8000  }
0x299: {  	[tilespmem:s31], [sflag:$0x1] =	stream.indirect_vreg.gather [hbm4b:s1+s3], $0x80, v3, vm0, $0xb8;
	[tilespmem:$0x10800] =	vst v63  }
0x29a: {  	_ =	swait.ge [sflag:s13], $0x8000  }
0x29b: {  	[sflag:s13] =	ssyncset.done $0x0  }
0x29c: {  	s14 =	rddreg [dreg:$0xa];
	[sflag:s13] =	ssyncadd.s32 $0xFFFF8000  }
0x29d: {  	[hbm4b:s14+s3] =	stream.linear.scatter [tilespmem:s22], [sflag:$0x3], $0x8000, $0x38;
	[tilespmem:$0x10800] =	vst v63  }
0x29e: {  	_ =	swait.ge [sflag:s5], $0x8000  }
0x29f: {  	[sflag:s5] =	ssyncset.done $0x0  }
0x2a0: {  	[sflag:s5] =	ssyncadd.s32 $0xFFFF8000  }
0x2a1: {  	v3 =	vld [tilespmem:$0x380];
	_ =	sdelay $0x4  }
0x2a2: {  	v48 =	vshll.u32 v3, $0x1  }
0x2a3: {  	v3 =	vand.u32 $0x7, v3;
	v4 =	vand.u32 $0xFFFFFFF0, v48  }
0x2a4: {  	v3 =	vor.u32 v3, v4  }
0x2a5: {  	v4 =	vperm.xlane v3, v0;
	_ =	sdelay $0x1  }
0x2a6: {  	v3 =	vperm.xlane v3, v2;
	v4 =	vadd.s32 v1, v4;
	_ =	sdelay $0x1  }
0x2a7: {  	v3 =	vadd.s32 v1, v3;
	_ =	sdelay $0x2  }
0x2a8: {  	[tilespmem:s22], [sflag:$0x2] =	stream.indirect_vreg.gather [hbm4b:s1+s3], $0x80, v4, vm0, $0xb8;
	[tilespmem:$0x10800] =	vst v63  }
0x2a9: {  	s14 =	simm.s32 $0x9000  }
0x2aa: {  	[tilespmem:s14], [sflag:$0x2] =	stream.indirect_vreg.gather [hbm4b:s1+s3], $0x80, v3, vm0, $0xb8;
	[tilespmem:$0x10800] =	vst v63  }
0x2ab: {  	v3 =	vld [tilespmem:$0x390];
	_ =	sdelay $0x4  }
0x2ac: {  	v49 =	vshll.u32 v3, $0x1  }
0x2ad: {  	v3 =	vand.u32 $0x7, v3;
	v4 =	vand.u32 $0xFFFFFFF0, v49  }
0x2ae: {  	v3 =	vor.u32 v3, v4  }
0x2af: {  	v4 =	vperm.xlane v3, v0;
	_ =	sdelay $0x1  }
0x2b0: {  	v3 =	vperm.xlane v3, v2;
	v4 =	vadd.s32 v1, v4;
	_ =	sdelay $0x1  }
0x2b1: {  	v3 =	vadd.s32 v1, v3;
	_ =	sdelay $0x1  }
0x2b2: {  	s8 =	simm.s32 $0x9800  }
0x2b3: {  	[tilespmem:s8], [sflag:$0x2] =	stream.indirect_vreg.gather [hbm4b:s1+s3], $0x80, v4, vm0, $0xb8;
	[tilespmem:$0x10800] =	vst v63  }
0x2b4: {  	s14 =	simm.s32 $0xA000  }
0x2b5: {  	[tilespmem:s14], [sflag:$0x2] =	stream.indirect_vreg.gather [hbm4b:s1+s3], $0x80, v3, vm0, $0xb8;
	[tilespmem:$0x10800] =	vst v63  }
0x2b6: {  	v3 =	vld [tilespmem:$0x3A0];
	_ =	sdelay $0x4  }
0x2b7: {  	v50 =	vshll.u32 v3, $0x1  }
0x2b8: {  	v3 =	vand.u32 $0x7, v3;
	v4 =	vand.u32 $0xFFFFFFF0, v50  }
0x2b9: {  	v3 =	vor.u32 v3, v4  }
0x2ba: {  	v4 =	vperm.xlane v3, v0;
	_ =	sdelay $0x1  }
0x2bb: {  	v3 =	vperm.xlane v3, v2;
	v4 =	vadd.s32 v1, v4;
	_ =	sdelay $0x1  }
0x2bc: {  	v3 =	vadd.s32 v1, v3;
	_ =	sdelay $0x1  }
0x2bd: {  	s9 =	simm.s32 $0xA800  }
0x2be: {  	[tilespmem:s9], [sflag:$0x2] =	stream.indirect_vreg.gather [hbm4b:s1+s3], $0x80, v4, vm0, $0xb8;
	[tilespmem:$0x10800] =	vst v63  }
0x2bf: {  	s18 =	simm.s32 $0xB000  }
0x2c0: {  	[tilespmem:s18], [sflag:$0x2] =	stream.indirect_vreg.gather [hbm4b:s1+s3], $0x80, v3, vm0, $0xb8;
	[tilespmem:$0x10800] =	vst v63  }
0x2c1: {  	v3 =	vld [tilespmem:$0x3B0];
	_ =	sdelay $0x4  }
0x2c2: {  	v51 =	vshll.u32 v3, $0x1  }
0x2c3: {  	v3 =	vand.u32 $0x7, v3;
	v4 =	vand.u32 $0xFFFFFFF0, v51  }
0x2c4: {  	v3 =	vor.u32 v3, v4  }
0x2c5: {  	v4 =	vperm.xlane v3, v0;
	_ =	sdelay $0x1  }
0x2c6: {  	v3 =	vperm.xlane v3, v2;
	v4 =	vadd.s32 v1, v4;
	_ =	sdelay $0x1  }
0x2c7: {  	v3 =	vadd.s32 v1, v3;
	_ =	sdelay $0x1  }
0x2c8: {  	s10 =	simm.s32 $0xB800  }
0x2c9: {  	[tilespmem:s10], [sflag:$0x2] =	stream.indirect_vreg.gather [hbm4b:s1+s3], $0x80, v4, vm0, $0xb8;
	[tilespmem:$0x10800] =	vst v63  }
0x2ca: {  	s19 =	simm.s32 $0xC000  }
0x2cb: {  	[tilespmem:s19], [sflag:$0x2] =	stream.indirect_vreg.gather [hbm4b:s1+s3], $0x80, v3, vm0, $0xb8;
	[tilespmem:$0x10800] =	vst v63  }
0x2cc: {  	v3 =	vld [tilespmem:$0x3C0];
	_ =	sdelay $0x4  }
0x2cd: {  	v52 =	vshll.u32 v3, $0x1  }
0x2ce: {  	v3 =	vand.u32 $0x7, v3;
	v4 =	vand.u32 $0xFFFFFFF0, v52  }
0x2cf: {  	v3 =	vor.u32 v3, v4  }
0x2d0: {  	v4 =	vperm.xlane v3, v0;
	_ =	sdelay $0x1  }
0x2d1: {  	v3 =	vperm.xlane v3, v2;
	v4 =	vadd.s32 v1, v4;
	_ =	sdelay $0x1  }
0x2d2: {  	v3 =	vadd.s32 v1, v3;
	_ =	sdelay $0x1  }
0x2d3: {  	s0 =	simm.s32 $0xC800  }
0x2d4: {  	[tilespmem:s0], [sflag:$0x2] =	stream.indirect_vreg.gather [hbm4b:s1+s3], $0x80, v4, vm0, $0xb8;
	[tilespmem:$0x10800] =	vst v63  }
0x2d5: {  	s11 =	simm.s32 $0xD000  }
0x2d6: {  	[tilespmem:s11], [sflag:$0x2] =	stream.indirect_vreg.gather [hbm4b:s1+s3], $0x80, v3, vm0, $0xb8;
	[tilespmem:$0x10800] =	vst v63  }
0x2d7: {  	v3 =	vld [tilespmem:$0x3D0];
	_ =	sdelay $0x4  }
0x2d8: {  	v53 =	vshll.u32 v3, $0x1  }
0x2d9: {  	v3 =	vand.u32 $0x7, v3;
	v4 =	vand.u32 $0xFFFFFFF0, v53  }
0x2da: {  	v3 =	vor.u32 v3, v4  }
0x2db: {  	v4 =	vperm.xlane v3, v0;
	_ =	sdelay $0x1  }
0x2dc: {  	v3 =	vperm.xlane v3, v2;
	v4 =	vadd.s32 v1, v4;
	_ =	sdelay $0x1  }
0x2dd: {  	v3 =	vadd.s32 v1, v3;
	_ =	sdelay $0x1  }
0x2de: {  	s2 =	simm.s32 $0xD800  }
0x2df: {  	[tilespmem:s2], [sflag:$0x2] =	stream.indirect_vreg.gather [hbm4b:s1+s3], $0x80, v4, vm0, $0xb8;
	[tilespmem:$0x10800] =	vst v63  }
0x2e0: {  	s15 =	simm.s32 $0xE000  }
0x2e1: {  	[tilespmem:s15], [sflag:$0x2] =	stream.indirect_vreg.gather [hbm4b:s1+s3], $0x80, v3, vm0, $0xb8;
	[tilespmem:$0x10800] =	vst v63  }
0x2e2: {  	v3 =	vld [tilespmem:$0x3E0];
	_ =	sdelay $0x4  }
0x2e3: {  	v54 =	vshll.u32 v3, $0x1  }
0x2e4: {  	v3 =	vand.u32 $0x7, v3;
	v4 =	vand.u32 $0xFFFFFFF0, v54  }
0x2e5: {  	v3 =	vor.u32 v3, v4  }
0x2e6: {  	v4 =	vperm.xlane v3, v0;
	_ =	sdelay $0x1  }
0x2e7: {  	v3 =	vperm.xlane v3, v2;
	v4 =	vadd.s32 v1, v4;
	_ =	sdelay $0x1  }
0x2e8: {  	v3 =	vadd.s32 v1, v3;
	_ =	sdelay $0x1  }
0x2e9: {  	s4 =	simm.s32 $0xE800  }
0x2ea: {  	[tilespmem:s4], [sflag:$0x2] =	stream.indirect_vreg.gather [hbm4b:s1+s3], $0x80, v4, vm0, $0xb8;
	[tilespmem:$0x10800] =	vst v63  }
0x2eb: {  	s16 =	simm.s32 $0xF000  }
0x2ec: {  	[tilespmem:s16], [sflag:$0x2] =	stream.indirect_vreg.gather [hbm4b:s1+s3], $0x80, v3, vm0, $0xb8;
	[tilespmem:$0x10800] =	vst v63  }
0x2ed: {  	v3 =	vld [tilespmem:$0x3F0];
	_ =	sdelay $0x4  }
0x2ee: {  	v55 =	vshll.u32 v3, $0x1  }
0x2ef: {  	v3 =	vand.u32 $0x7, v3;
	v4 =	vand.u32 $0xFFFFFFF0, v55  }
0x2f0: {  	v3 =	vor.u32 v3, v4  }
0x2f1: {  	v4 =	vperm.xlane v3, v0;
	_ =	sdelay $0x1  }
0x2f2: {  	v3 =	vperm.xlane v3, v2;
	v4 =	vadd.s32 v1, v4;
	_ =	sdelay $0x1  }
0x2f3: {  	v3 =	vadd.s32 v1, v3;
	_ =	sdelay $0x1  }
0x2f4: {  	s7 =	simm.s32 $0xF800  }
0x2f5: {  	[tilespmem:s7], [sflag:$0x2] =	stream.indirect_vreg.gather [hbm4b:s1+s3], $0x80, v4, vm0, $0xb8;
	[tilespmem:$0x10800] =	vst v63  }
0x2f6: {  	s17 =	simm.s32 $0x10000  }
0x2f7: {  	[tilespmem:s17], [sflag:$0x2] =	stream.indirect_vreg.gather [hbm4b:s1+s3], $0x80, v3, vm0, $0xb8;
	[tilespmem:$0x10800] =	vst v63  }
0x2f8: {  	_ =	swait.ge [sflag:s12], $0x8000  }
0x2f9: {  	[sflag:s12] =	ssyncset.done $0x0  }
0x2fa: {  	s14 =	rddreg [dreg:$0xb];
	[sflag:s12] =	ssyncadd.s32 $0xFFFF8000  }
0x2fb: {  	[hbm4b:s14+s3] =	stream.linear.scatter [tilespmem:s6], [sflag:$0x3], $0x8000, $0x38;
	[tilespmem:$0x10800] =	vst v63  }
0x2fc: {  	_ =	swait.ge [sflag:s5], $0x8000  }
0x2fd: {  	[sflag:s5] =	ssyncset.done $0x0  }
0x2fe: {  	[sflag:s5] =	ssyncadd.s32 $0xFFFF8000  }
0x2ff: {  	v3 =	vld [tilespmem:$0x400];
	_ =	sdelay $0x4  }
0x300: {  	v56 =	vshll.u32 v3, $0x1  }
0x301: {  	v3 =	vand.u32 $0x7, v3;
	v4 =	vand.u32 $0xFFFFFFF0, v56  }
0x302: {  	v3 =	vor.u32 v3, v4  }
0x303: {  	v4 =	vperm.xlane v3, v0;
	_ =	sdelay $0x1  }
0x304: {  	v3 =	vperm.xlane v3, v2;
	v4 =	vadd.s32 v1, v4;
	_ =	sdelay $0x1  }
0x305: {  	v3 =	vadd.s32 v1, v3;
	_ =	sdelay $0x2  }
0x306: {  	[tilespmem:s6], [sflag:$0x1] =	stream.indirect_vreg.gather [hbm4b:s1+s3], $0x80, v4, vm0, $0xb8;
	[tilespmem:$0x10800] =	vst v63  }
0x307: {  	s14 =	simm.s32 $0x1000  }
0x308: {  	[tilespmem:s14], [sflag:$0x1] =	stream.indirect_vreg.gather [hbm4b:s1+s3], $0x80, v3, vm0, $0xb8;
	[tilespmem:$0x10800] =	vst v63  }
0x309: {  	v3 =	vld [tilespmem:$0x410];
	_ =	sdelay $0x4  }
0x30a: {  	v57 =	vshll.u32 v3, $0x1  }
0x30b: {  	v3 =	vand.u32 $0x7, v3;
	v4 =	vand.u32 $0xFFFFFFF0, v57  }
0x30c: {  	v3 =	vor.u32 v3, v4  }
0x30d: {  	v4 =	vperm.xlane v3, v0;
	_ =	sdelay $0x1  }
0x30e: {  	v3 =	vperm.xlane v3, v2;
	v4 =	vadd.s32 v1, v4;
	_ =	sdelay $0x1  }
0x30f: {  	v3 =	vadd.s32 v1, v3;
	_ =	sdelay $0x1  }
0x310: {  	s14 =	simm.s32 $0x1800  }
0x311: {  	[tilespmem:s14], [sflag:$0x1] =	stream.indirect_vreg.gather [hbm4b:s1+s3], $0x80, v4, vm0, $0xb8;
	[tilespmem:$0x10800] =	vst v63  }
0x312: {  	s14 =	simm.s32 $0x2000  }
0x313: {  	[tilespmem:s14], [sflag:$0x1] =	stream.indirect_vreg.gather [hbm4b:s1+s3], $0x80, v3, vm0, $0xb8;
	[tilespmem:$0x10800] =	vst v63  }
0x314: {  	v3 =	vld [tilespmem:$0x420];
	_ =	sdelay $0x4  }
0x315: {  	v58 =	vshll.u32 v3, $0x1  }
0x316: {  	v3 =	vand.u32 $0x7, v3;
	v4 =	vand.u32 $0xFFFFFFF0, v58  }
0x317: {  	v3 =	vor.u32 v3, v4  }
0x318: {  	v4 =	vperm.xlane v3, v0;
	_ =	sdelay $0x1  }
0x319: {  	v3 =	vperm.xlane v3, v2;
	v4 =	vadd.s32 v1, v4;
	_ =	sdelay $0x1  }
0x31a: {  	v3 =	vadd.s32 v1, v3;
	_ =	sdelay $0x1  }
0x31b: {  	s20 =	simm.s32 $0x2800  }
0x31c: {  	[tilespmem:s20], [sflag:$0x1] =	stream.indirect_vreg.gather [hbm4b:s1+s3], $0x80, v4, vm0, $0xb8;
	[tilespmem:$0x10800] =	vst v63  }
0x31d: {  	s14 =	simm.s32 $0x3000  }
0x31e: {  	[tilespmem:s14], [sflag:$0x1] =	stream.indirect_vreg.gather [hbm4b:s1+s3], $0x80, v3, vm0, $0xb8;
	[tilespmem:$0x10800] =	vst v63  }
0x31f: {  	v3 =	vld [tilespmem:$0x430];
	_ =	sdelay $0x4  }
0x320: {  	v59 =	vshll.u32 v3, $0x1  }
0x321: {  	v3 =	vand.u32 $0x7, v3;
	v4 =	vand.u32 $0xFFFFFFF0, v59  }
0x322: {  	v3 =	vor.u32 v3, v4  }
0x323: {  	v4 =	vperm.xlane v3, v0;
	_ =	sdelay $0x1  }
0x324: {  	v3 =	vperm.xlane v3, v2;
	v4 =	vadd.s32 v1, v4;
	_ =	sdelay $0x1  }
0x325: {  	v3 =	vadd.s32 v1, v3;
	_ =	sdelay $0x1  }
0x326: {  	s21 =	simm.s32 $0x3800  }
0x327: {  	[tilespmem:s21], [sflag:$0x1] =	stream.indirect_vreg.gather [hbm4b:s1+s3], $0x80, v4, vm0, $0xb8;
	[tilespmem:$0x10800] =	vst v63  }
0x328: {  	s24 =	simm.s32 $0x4000  }
0x329: {  	[tilespmem:s24], [sflag:$0x1] =	stream.indirect_vreg.gather [hbm4b:s1+s3], $0x80, v3, vm0, $0xb8;
	[tilespmem:$0x10800] =	vst v63  }
0x32a: {  	v3 =	vld [tilespmem:$0x440];
	_ =	sdelay $0x4  }
0x32b: {  	v60 =	vshll.u32 v3, $0x1  }
0x32c: {  	v3 =	vand.u32 $0x7, v3;
	v4 =	vand.u32 $0xFFFFFFF0, v60  }
0x32d: {  	v3 =	vor.u32 v3, v4  }
0x32e: {  	v4 =	vperm.xlane v3, v0;
	_ =	sdelay $0x1  }
0x32f: {  	v3 =	vperm.xlane v3, v2;
	v4 =	vadd.s32 v1, v4;
	_ =	sdelay $0x1  }
0x330: {  	v3 =	vadd.s32 v1, v3;
	_ =	sdelay $0x1  }
0x331: {  	s23 =	simm.s32 $0x4800  }
0x332: {  	[tilespmem:s23], [sflag:$0x1] =	stream.indirect_vreg.gather [hbm4b:s1+s3], $0x80, v4, vm0, $0xb8;
	[tilespmem:$0x10800] =	vst v63  }
0x333: {  	s14 =	simm.s32 $0x5000  }
0x334: {  	[tilespmem:s14], [sflag:$0x1] =	stream.indirect_vreg.gather [hbm4b:s1+s3], $0x80, v3, vm0, $0xb8;
	[tilespmem:$0x10800] =	vst v63  }
0x335: {  	v3 =	vld [tilespmem:$0x450];
	_ =	sdelay $0x4  }
0x336: {  	v61 =	vshll.u32 v3, $0x1  }
0x337: {  	v3 =	vand.u32 $0x7, v3;
	v4 =	vand.u32 $0xFFFFFFF0, v61  }
0x338: {  	v3 =	vor.u32 v3, v4  }
0x339: {  	v4 =	vperm.xlane v3, v0;
	_ =	sdelay $0x1  }
0x33a: {  	v3 =	vperm.xlane v3, v2;
	v4 =	vadd.s32 v1, v4;
	_ =	sdelay $0x1  }
0x33b: {  	v3 =	vadd.s32 v1, v3;
	_ =	sdelay $0x1  }
0x33c: {  	s25 =	simm.s32 $0x5800  }
0x33d: {  	[tilespmem:s25], [sflag:$0x1] =	stream.indirect_vreg.gather [hbm4b:s1+s3], $0x80, v4, vm0, $0xb8;
	[tilespmem:$0x10800] =	vst v63  }
0x33e: {  	s26 =	simm.s32 $0x6000  }
0x33f: {  	[tilespmem:s26], [sflag:$0x1] =	stream.indirect_vreg.gather [hbm4b:s1+s3], $0x80, v3, vm0, $0xb8;
	[tilespmem:$0x10800] =	vst v63  }
0x340: {  	v3 =	vld [tilespmem:$0x460];
	_ =	sdelay $0x4  }
0x341: {  	v62 =	vshll.u32 v3, $0x1  }
0x342: {  	v3 =	vand.u32 $0x7, v3;
	v4 =	vand.u32 $0xFFFFFFF0, v62  }
0x343: {  	v3 =	vor.u32 v3, v4  }
0x344: {  	v4 =	vperm.xlane v3, v0;
	_ =	sdelay $0x1  }
0x345: {  	v3 =	vperm.xlane v3, v2;
	v4 =	vadd.s32 v1, v4;
	_ =	sdelay $0x1  }
0x346: {  	v3 =	vadd.s32 v1, v3;
	_ =	sdelay $0x1  }
0x347: {  	s28 =	simm.s32 $0x6800  }
0x348: {  	[tilespmem:s28], [sflag:$0x1] =	stream.indirect_vreg.gather [hbm4b:s1+s3], $0x80, v4, vm0, $0xb8;
	[tilespmem:$0x10800] =	vst v63  }
0x349: {  	s29 =	simm.s32 $0x7000  }
0x34a: {  	[tilespmem:s29], [sflag:$0x1] =	stream.indirect_vreg.gather [hbm4b:s1+s3], $0x80, v3, vm0, $0xb8;
	[tilespmem:$0x10800] =	vst v63  }
0x34b: {  	v3 =	vld [tilespmem:$0x470];
	_ =	sdelay $0x4  }
0x34c: {  	v63 =	vshll.u32 v3, $0x1  }
0x34d: {  	v3 =	vand.u32 $0x7, v3;
	v4 =	vand.u32 $0xFFFFFFF0, v63  }
0x34e: {  	v3 =	vor.u32 v3, v4  }
0x34f: {  	v4 =	vperm.xlane v3, v0;
	_ =	sdelay $0x1  }
0x350: {  	v3 =	vperm.xlane v3, v2;
	v4 =	vadd.s32 v1, v4;
	_ =	sdelay $0x1  }
0x351: {  	v3 =	vadd.s32 v1, v3;
	_ =	sdelay $0x1  }
0x352: {  	s30 =	simm.s32 $0x7800  }
0x353: {  	[tilespmem:s30], [sflag:$0x1] =	stream.indirect_vreg.gather [hbm4b:s1+s3], $0x80, v4, vm0, $0xb8;
	[tilespmem:$0x10800] =	vst v63  }
0x354: {  	s31 =	simm.s32 $0x8000  }
0x355: {  	[tilespmem:s31], [sflag:$0x1] =	stream.indirect_vreg.gather [hbm4b:s1+s3], $0x80, v3, vm0, $0xb8;
	[tilespmem:$0x10800] =	vst v63  }
0x356: {  	_ =	swait.ge [sflag:s13], $0x8000  }
0x357: {  	[sflag:s13] =	ssyncset.done $0x0  }
0x358: {  	s14 =	rddreg [dreg:$0xc];
	[sflag:s13] =	ssyncadd.s32 $0xFFFF8000  }
0x359: {  	[hbm4b:s14+s3] =	stream.linear.scatter [tilespmem:s22], [sflag:$0x3], $0x8000, $0x38;
	[tilespmem:$0x10800] =	vst v63  }
0x35a: {  	_ =	swait.ge [sflag:s5], $0x8000  }
0x35b: {  	[sflag:s5] =	ssyncset.done $0x0  }
0x35c: {  	[sflag:s5] =	ssyncadd.s32 $0xFFFF8000  }
0x35d: {  	v3 =	vld [tilespmem:$0x480];
	_ =	sdelay $0x4  }
0x35e: {  	v8 =	vshll.u32 v3, $0x1  }
0x35f: {  	v3 =	vand.u32 $0x7, v3;
	v4 =	vand.u32 $0xFFFFFFF0, v8  }
0x360: {  	v3 =	vor.u32 v3, v4  }
0x361: {  	v4 =	vperm.xlane v3, v0;
	_ =	sdelay $0x1  }
0x362: {  	v3 =	vperm.xlane v3, v2;
	v4 =	vadd.s32 v1, v4;
	_ =	sdelay $0x1  }
0x363: {  	v3 =	vadd.s32 v1, v3;
	_ =	sdelay $0x2  }
0x364: {  	[tilespmem:s22], [sflag:$0x2] =	stream.indirect_vreg.gather [hbm4b:s1+s3], $0x80, v4, vm0, $0xb8;
	[tilespmem:$0x10800] =	vst v63  }
0x365: {  	s14 =	simm.s32 $0x9000  }
0x366: {  	[tilespmem:s14], [sflag:$0x2] =	stream.indirect_vreg.gather [hbm4b:s1+s3], $0x80, v3, vm0, $0xb8;
	[tilespmem:$0x10800] =	vst v63  }
0x367: {  	v3 =	vld [tilespmem:$0x490];
	_ =	sdelay $0x4  }
0x368: {  	v9 =	vshll.u32 v3, $0x1  }
0x369: {  	v3 =	vand.u32 $0x7, v3;
	v4 =	vand.u32 $0xFFFFFFF0, v9  }
0x36a: {  	v3 =	vor.u32 v3, v4  }
0x36b: {  	v4 =	vperm.xlane v3, v0;
	_ =	sdelay $0x1  }
0x36c: {  	v3 =	vperm.xlane v3, v2;
	v4 =	vadd.s32 v1, v4;
	_ =	sdelay $0x1  }
0x36d: {  	v3 =	vadd.s32 v1, v3;
	_ =	sdelay $0x1  }
0x36e: {  	s8 =	simm.s32 $0x9800  }
0x36f: {  	[tilespmem:s8], [sflag:$0x2] =	stream.indirect_vreg.gather [hbm4b:s1+s3], $0x80, v4, vm0, $0xb8;
	[tilespmem:$0x10800] =	vst v63  }
0x370: {  	s14 =	simm.s32 $0xA000  }
0x371: {  	[tilespmem:s14], [sflag:$0x2] =	stream.indirect_vreg.gather [hbm4b:s1+s3], $0x80, v3, vm0, $0xb8;
	[tilespmem:$0x10800] =	vst v63  }
0x372: {  	v3 =	vld [tilespmem:$0x4A0];
	_ =	sdelay $0x4  }
0x373: {  	v10 =	vshll.u32 v3, $0x1  }
0x374: {  	v3 =	vand.u32 $0x7, v3;
	v4 =	vand.u32 $0xFFFFFFF0, v10  }
0x375: {  	v3 =	vor.u32 v3, v4  }
0x376: {  	v4 =	vperm.xlane v3, v0;
	_ =	sdelay $0x1  }
0x377: {  	v3 =	vperm.xlane v3, v2;
	v4 =	vadd.s32 v1, v4;
	_ =	sdelay $0x1  }
0x378: {  	v3 =	vadd.s32 v1, v3;
	_ =	sdelay $0x1  }
0x379: {  	s9 =	simm.s32 $0xA800  }
0x37a: {  	[tilespmem:s9], [sflag:$0x2] =	stream.indirect_vreg.gather [hbm4b:s1+s3], $0x80, v4, vm0, $0xb8;
	[tilespmem:$0x10800] =	vst v63  }
0x37b: {  	s18 =	simm.s32 $0xB000  }
0x37c: {  	[tilespmem:s18], [sflag:$0x2] =	stream.indirect_vreg.gather [hbm4b:s1+s3], $0x80, v3, vm0, $0xb8;
	[tilespmem:$0x10800] =	vst v63  }
0x37d: {  	v3 =	vld [tilespmem:$0x4B0];
	_ =	sdelay $0x4  }
0x37e: {  	v11 =	vshll.u32 v3, $0x1  }
0x37f: {  	v3 =	vand.u32 $0x7, v3;
	v4 =	vand.u32 $0xFFFFFFF0, v11  }
0x380: {  	v3 =	vor.u32 v3, v4  }
0x381: {  	v4 =	vperm.xlane v3, v0;
	_ =	sdelay $0x1  }
0x382: {  	v3 =	vperm.xlane v3, v2;
	v4 =	vadd.s32 v1, v4;
	_ =	sdelay $0x1  }
0x383: {  	v3 =	vadd.s32 v1, v3;
	_ =	sdelay $0x1  }
0x384: {  	s10 =	simm.s32 $0xB800  }
0x385: {  	[tilespmem:s10], [sflag:$0x2] =	stream.indirect_vreg.gather [hbm4b:s1+s3], $0x80, v4, vm0, $0xb8;
	[tilespmem:$0x10800] =	vst v63  }
0x386: {  	s19 =	simm.s32 $0xC000  }
0x387: {  	[tilespmem:s19], [sflag:$0x2] =	stream.indirect_vreg.gather [hbm4b:s1+s3], $0x80, v3, vm0, $0xb8;
	[tilespmem:$0x10800] =	vst v63  }
0x388: {  	v3 =	vld [tilespmem:$0x4C0];
	_ =	sdelay $0x4  }
0x389: {  	v12 =	vshll.u32 v3, $0x1  }
0x38a: {  	v3 =	vand.u32 $0x7, v3;
	v4 =	vand.u32 $0xFFFFFFF0, v12  }
0x38b: {  	v3 =	vor.u32 v3, v4  }
0x38c: {  	v4 =	vperm.xlane v3, v0;
	_ =	sdelay $0x1  }
0x38d: {  	v3 =	vperm.xlane v3, v2;
	v4 =	vadd.s32 v1, v4;
	_ =	sdelay $0x1  }
0x38e: {  	v3 =	vadd.s32 v1, v3;
	_ =	sdelay $0x1  }
0x38f: {  	s0 =	simm.s32 $0xC800  }
0x390: {  	[tilespmem:s0], [sflag:$0x2] =	stream.indirect_vreg.gather [hbm4b:s1+s3], $0x80, v4, vm0, $0xb8;
	[tilespmem:$0x10800] =	vst v63  }
0x391: {  	s11 =	simm.s32 $0xD000  }
0x392: {  	[tilespmem:s11], [sflag:$0x2] =	stream.indirect_vreg.gather [hbm4b:s1+s3], $0x80, v3, vm0, $0xb8;
	[tilespmem:$0x10800] =	vst v63  }
0x393: {  	v3 =	vld [tilespmem:$0x4D0];
	_ =	sdelay $0x4  }
0x394: {  	v13 =	vshll.u32 v3, $0x1  }
0x395: {  	v3 =	vand.u32 $0x7, v3;
	v4 =	vand.u32 $0xFFFFFFF0, v13  }
0x396: {  	v3 =	vor.u32 v3, v4  }
0x397: {  	v4 =	vperm.xlane v3, v0;
	_ =	sdelay $0x1  }
0x398: {  	v3 =	vperm.xlane v3, v2;
	v4 =	vadd.s32 v1, v4;
	_ =	sdelay $0x1  }
0x399: {  	v3 =	vadd.s32 v1, v3;
	_ =	sdelay $0x1  }
0x39a: {  	s2 =	simm.s32 $0xD800  }
0x39b: {  	[tilespmem:s2], [sflag:$0x2] =	stream.indirect_vreg.gather [hbm4b:s1+s3], $0x80, v4, vm0, $0xb8;
	[tilespmem:$0x10800] =	vst v63  }
0x39c: {  	s15 =	simm.s32 $0xE000  }
0x39d: {  	[tilespmem:s15], [sflag:$0x2] =	stream.indirect_vreg.gather [hbm4b:s1+s3], $0x80, v3, vm0, $0xb8;
	[tilespmem:$0x10800] =	vst v63  }
0x39e: {  	v3 =	vld [tilespmem:$0x4E0];
	_ =	sdelay $0x4  }
0x39f: {  	v14 =	vshll.u32 v3, $0x1  }
0x3a0: {  	v3 =	vand.u32 $0x7, v3;
	v4 =	vand.u32 $0xFFFFFFF0, v14  }
0x3a1: {  	v3 =	vor.u32 v3, v4  }
0x3a2: {  	v4 =	vperm.xlane v3, v0;
	_ =	sdelay $0x1  }
0x3a3: {  	v3 =	vperm.xlane v3, v2;
	v4 =	vadd.s32 v1, v4;
	_ =	sdelay $0x1  }
0x3a4: {  	v3 =	vadd.s32 v1, v3;
	_ =	sdelay $0x1  }
0x3a5: {  	s4 =	simm.s32 $0xE800  }
0x3a6: {  	[tilespmem:s4], [sflag:$0x2] =	stream.indirect_vreg.gather [hbm4b:s1+s3], $0x80, v4, vm0, $0xb8;
	[tilespmem:$0x10800] =	vst v63  }
0x3a7: {  	s16 =	simm.s32 $0xF000  }
0x3a8: {  	[tilespmem:s16], [sflag:$0x2] =	stream.indirect_vreg.gather [hbm4b:s1+s3], $0x80, v3, vm0, $0xb8;
	[tilespmem:$0x10800] =	vst v63  }
0x3a9: {  	v3 =	vld [tilespmem:$0x4F0];
	_ =	sdelay $0x4  }
0x3aa: {  	v15 =	vshll.u32 v3, $0x1  }
0x3ab: {  	v3 =	vand.u32 $0x7, v3;
	v4 =	vand.u32 $0xFFFFFFF0, v15  }
0x3ac: {  	v3 =	vor.u32 v3, v4  }
0x3ad: {  	v4 =	vperm.xlane v3, v0;
	_ =	sdelay $0x1  }
0x3ae: {  	v3 =	vperm.xlane v3, v2;
	v4 =	vadd.s32 v1, v4;
	_ =	sdelay $0x1  }
0x3af: {  	v3 =	vadd.s32 v1, v3;
	_ =	sdelay $0x1  }
0x3b0: {  	s7 =	simm.s32 $0xF800  }
0x3b1: {  	[tilespmem:s7], [sflag:$0x2] =	stream.indirect_vreg.gather [hbm4b:s1+s3], $0x80, v4, vm0, $0xb8;
	[tilespmem:$0x10800] =	vst v63  }
0x3b2: {  	s17 =	simm.s32 $0x10000  }
0x3b3: {  	[tilespmem:s17], [sflag:$0x2] =	stream.indirect_vreg.gather [hbm4b:s1+s3], $0x80, v3, vm0, $0xb8;
	[tilespmem:$0x10800] =	vst v63  }
0x3b4: {  	_ =	swait.ge [sflag:s12], $0x8000  }
0x3b5: {  	[sflag:s12] =	ssyncset.done $0x0  }
0x3b6: {  	s14 =	rddreg [dreg:$0xd];
	[sflag:s12] =	ssyncadd.s32 $0xFFFF8000  }
0x3b7: {  	[hbm4b:s14+s3] =	stream.linear.scatter [tilespmem:s6], [sflag:$0x3], $0x8000, $0x38;
	[tilespmem:$0x10800] =	vst v63  }
0x3b8: {  	_ =	swait.ge [sflag:s5], $0x8000  }
0x3b9: {  	[sflag:s5] =	ssyncset.done $0x0  }
0x3ba: {  	[sflag:s5] =	ssyncadd.s32 $0xFFFF8000  }
0x3bb: {  	v3 =	vld [tilespmem:$0x500];
	_ =	sdelay $0x4  }
0x3bc: {  	v16 =	vshll.u32 v3, $0x1  }
0x3bd: {  	v3 =	vand.u32 $0x7, v3;
	v4 =	vand.u32 $0xFFFFFFF0, v16  }
0x3be: {  	v3 =	vor.u32 v3, v4  }
0x3bf: {  	v4 =	vperm.xlane v3, v0;
	_ =	sdelay $0x1  }
0x3c0: {  	v3 =	vperm.xlane v3, v2;
	v4 =	vadd.s32 v1, v4;
	_ =	sdelay $0x1  }
0x3c1: {  	v3 =	vadd.s32 v1, v3;
	_ =	sdelay $0x2  }
0x3c2: {  	[tilespmem:s6], [sflag:$0x1] =	stream.indirect_vreg.gather [hbm4b:s1+s3], $0x80, v4, vm0, $0xb8;
	[tilespmem:$0x10800] =	vst v63  }
0x3c3: {  	s14 =	simm.s32 $0x1000  }
0x3c4: {  	[tilespmem:s14], [sflag:$0x1] =	stream.indirect_vreg.gather [hbm4b:s1+s3], $0x80, v3, vm0, $0xb8;
	[tilespmem:$0x10800] =	vst v63  }
0x3c5: {  	v3 =	vld [tilespmem:$0x510];
	_ =	sdelay $0x4  }
0x3c6: {  	v17 =	vshll.u32 v3, $0x1  }
0x3c7: {  	v3 =	vand.u32 $0x7, v3;
	v4 =	vand.u32 $0xFFFFFFF0, v17  }
0x3c8: {  	v3 =	vor.u32 v3, v4  }
0x3c9: {  	v4 =	vperm.xlane v3, v0;
	_ =	sdelay $0x1  }
0x3ca: {  	v3 =	vperm.xlane v3, v2;
	v4 =	vadd.s32 v1, v4;
	_ =	sdelay $0x1  }
0x3cb: {  	v3 =	vadd.s32 v1, v3;
	_ =	sdelay $0x1  }
0x3cc: {  	s14 =	simm.s32 $0x1800  }
0x3cd: {  	[tilespmem:s14], [sflag:$0x1] =	stream.indirect_vreg.gather [hbm4b:s1+s3], $0x80, v4, vm0, $0xb8;
	[tilespmem:$0x10800] =	vst v63  }
0x3ce: {  	s14 =	simm.s32 $0x2000  }
0x3cf: {  	[tilespmem:s14], [sflag:$0x1] =	stream.indirect_vreg.gather [hbm4b:s1+s3], $0x80, v3, vm0, $0xb8;
	[tilespmem:$0x10800] =	vst v63  }
0x3d0: {  	v3 =	vld [tilespmem:$0x520];
	_ =	sdelay $0x4  }
0x3d1: {  	v18 =	vshll.u32 v3, $0x1  }
0x3d2: {  	v3 =	vand.u32 $0x7, v3;
	v4 =	vand.u32 $0xFFFFFFF0, v18  }
0x3d3: {  	v3 =	vor.u32 v3, v4  }
0x3d4: {  	v4 =	vperm.xlane v3, v0;
	_ =	sdelay $0x1  }
0x3d5: {  	v3 =	vperm.xlane v3, v2;
	v4 =	vadd.s32 v1, v4;
	_ =	sdelay $0x1  }
0x3d6: {  	v3 =	vadd.s32 v1, v3;
	_ =	sdelay $0x1  }
0x3d7: {  	s20 =	simm.s32 $0x2800  }
0x3d8: {  	[tilespmem:s20], [sflag:$0x1] =	stream.indirect_vreg.gather [hbm4b:s1+s3], $0x80, v4, vm0, $0xb8;
	[tilespmem:$0x10800] =	vst v63  }
0x3d9: {  	s14 =	simm.s32 $0x3000  }
0x3da: {  	[tilespmem:s14], [sflag:$0x1] =	stream.indirect_vreg.gather [hbm4b:s1+s3], $0x80, v3, vm0, $0xb8;
	[tilespmem:$0x10800] =	vst v63  }
0x3db: {  	v3 =	vld [tilespmem:$0x530];
	_ =	sdelay $0x4  }
0x3dc: {  	v19 =	vshll.u32 v3, $0x1  }
0x3dd: {  	v3 =	vand.u32 $0x7, v3;
	v4 =	vand.u32 $0xFFFFFFF0, v19  }
0x3de: {  	v3 =	vor.u32 v3, v4  }
0x3df: {  	v4 =	vperm.xlane v3, v0;
	_ =	sdelay $0x1  }
0x3e0: {  	v3 =	vperm.xlane v3, v2;
	v4 =	vadd.s32 v1, v4;
	_ =	sdelay $0x1  }
0x3e1: {  	v3 =	vadd.s32 v1, v3;
	_ =	sdelay $0x1  }
0x3e2: {  	s21 =	simm.s32 $0x3800  }
0x3e3: {  	[tilespmem:s21], [sflag:$0x1] =	stream.indirect_vreg.gather [hbm4b:s1+s3], $0x80, v4, vm0, $0xb8;
	[tilespmem:$0x10800] =	vst v63  }
0x3e4: {  	s24 =	simm.s32 $0x4000  }
0x3e5: {  	[tilespmem:s24], [sflag:$0x1] =	stream.indirect_vreg.gather [hbm4b:s1+s3], $0x80, v3, vm0, $0xb8;
	[tilespmem:$0x10800] =	vst v63  }
0x3e6: {  	v3 =	vld [tilespmem:$0x540];
	_ =	sdelay $0x4  }
0x3e7: {  	v20 =	vshll.u32 v3, $0x1  }
0x3e8: {  	v3 =	vand.u32 $0x7, v3;
	v4 =	vand.u32 $0xFFFFFFF0, v20  }
0x3e9: {  	v3 =	vor.u32 v3, v4  }
0x3ea: {  	v4 =	vperm.xlane v3, v0;
	_ =	sdelay $0x1  }
0x3eb: {  	v3 =	vperm.xlane v3, v2;
	v4 =	vadd.s32 v1, v4;
	_ =	sdelay $0x1  }
0x3ec: {  	v3 =	vadd.s32 v1, v3;
	_ =	sdelay $0x1  }
0x3ed: {  	s23 =	simm.s32 $0x4800  }
0x3ee: {  	[tilespmem:s23], [sflag:$0x1] =	stream.indirect_vreg.gather [hbm4b:s1+s3], $0x80, v4, vm0, $0xb8;
	[tilespmem:$0x10800] =	vst v63  }
0x3ef: {  	s14 =	simm.s32 $0x5000  }
0x3f0: {  	[tilespmem:s14], [sflag:$0x1] =	stream.indirect_vreg.gather [hbm4b:s1+s3], $0x80, v3, vm0, $0xb8;
	[tilespmem:$0x10800] =	vst v63  }
0x3f1: {  	v3 =	vld [tilespmem:$0x550];
	_ =	sdelay $0x4  }
0x3f2: {  	v21 =	vshll.u32 v3, $0x1  }
0x3f3: {  	v3 =	vand.u32 $0x7, v3;
	v4 =	vand.u32 $0xFFFFFFF0, v21  }
0x3f4: {  	v3 =	vor.u32 v3, v4  }
0x3f5: {  	v4 =	vperm.xlane v3, v0;
	_ =	sdelay $0x1  }
0x3f6: {  	v3 =	vperm.xlane v3, v2;
	v4 =	vadd.s32 v1, v4;
	_ =	sdelay $0x1  }
0x3f7: {  	v3 =	vadd.s32 v1, v3;
	_ =	sdelay $0x1  }
0x3f8: {  	s25 =	simm.s32 $0x5800  }
0x3f9: {  	[tilespmem:s25], [sflag:$0x1] =	stream.indirect_vreg.gather [hbm4b:s1+s3], $0x80, v4, vm0, $0xb8;
	[tilespmem:$0x10800] =	vst v63  }
0x3fa: {  	s26 =	simm.s32 $0x6000  }
0x3fb: {  	[tilespmem:s26], [sflag:$0x1] =	stream.indirect_vreg.gather [hbm4b:s1+s3], $0x80, v3, vm0, $0xb8;
	[tilespmem:$0x10800] =	vst v63  }
0x3fc: {  	v3 =	vld [tilespmem:$0x560];
	_ =	sdelay $0x4  }
0x3fd: {  	v22 =	vshll.u32 v3, $0x1  }
0x3fe: {  	v3 =	vand.u32 $0x7, v3;
	v4 =	vand.u32 $0xFFFFFFF0, v22  }
0x3ff: {  	v3 =	vor.u32 v3, v4  }
0x400: {  	v4 =	vperm.xlane v3, v0;
	_ =	sdelay $0x1  }
0x401: {  	v3 =	vperm.xlane v3, v2;
	v4 =	vadd.s32 v1, v4;
	_ =	sdelay $0x1  }
0x402: {  	v3 =	vadd.s32 v1, v3;
	_ =	sdelay $0x1  }
0x403: {  	s28 =	simm.s32 $0x6800  }
0x404: {  	[tilespmem:s28], [sflag:$0x1] =	stream.indirect_vreg.gather [hbm4b:s1+s3], $0x80, v4, vm0, $0xb8;
	[tilespmem:$0x10800] =	vst v63  }
0x405: {  	s29 =	simm.s32 $0x7000  }
0x406: {  	[tilespmem:s29], [sflag:$0x1] =	stream.indirect_vreg.gather [hbm4b:s1+s3], $0x80, v3, vm0, $0xb8;
	[tilespmem:$0x10800] =	vst v63  }
0x407: {  	v3 =	vld [tilespmem:$0x570];
	_ =	sdelay $0x4  }
0x408: {  	v23 =	vshll.u32 v3, $0x1  }
0x409: {  	v3 =	vand.u32 $0x7, v3;
	v4 =	vand.u32 $0xFFFFFFF0, v23  }
0x40a: {  	v3 =	vor.u32 v3, v4  }
0x40b: {  	v4 =	vperm.xlane v3, v0;
	_ =	sdelay $0x1  }
0x40c: {  	v3 =	vperm.xlane v3, v2;
	v4 =	vadd.s32 v1, v4;
	_ =	sdelay $0x1  }
0x40d: {  	v3 =	vadd.s32 v1, v3;
	_ =	sdelay $0x1  }
0x40e: {  	s30 =	simm.s32 $0x7800  }
0x40f: {  	[tilespmem:s30], [sflag:$0x1] =	stream.indirect_vreg.gather [hbm4b:s1+s3], $0x80, v4, vm0, $0xb8;
	[tilespmem:$0x10800] =	vst v63  }
0x410: {  	s31 =	simm.s32 $0x8000  }
0x411: {  	[tilespmem:s31], [sflag:$0x1] =	stream.indirect_vreg.gather [hbm4b:s1+s3], $0x80, v3, vm0, $0xb8;
	[tilespmem:$0x10800] =	vst v63  }
0x412: {  	_ =	swait.ge [sflag:s13], $0x8000  }
0x413: {  	[sflag:s13] =	ssyncset.done $0x0  }
0x414: {  	s14 =	rddreg [dreg:$0xe];
	[sflag:s13] =	ssyncadd.s32 $0xFFFF8000  }
0x415: {  	[hbm4b:s14+s3] =	stream.linear.scatter [tilespmem:s22], [sflag:$0x3], $0x8000, $0x38;
	[tilespmem:$0x10800] =	vst v63  }
0x416: {  	_ =	swait.ge [sflag:s5], $0x8000  }
0x417: {  	[sflag:s5] =	ssyncset.done $0x0  }
0x418: {  	[sflag:s5] =	ssyncadd.s32 $0xFFFF8000  }
0x419: {  	v3 =	vld [tilespmem:$0x580];
	_ =	sdelay $0x4  }
0x41a: {  	v24 =	vshll.u32 v3, $0x1  }
0x41b: {  	v3 =	vand.u32 $0x7, v3;
	v4 =	vand.u32 $0xFFFFFFF0, v24  }
0x41c: {  	v3 =	vor.u32 v3, v4  }
0x41d: {  	v4 =	vperm.xlane v3, v0;
	_ =	sdelay $0x1  }
0x41e: {  	v3 =	vperm.xlane v3, v2;
	v4 =	vadd.s32 v1, v4;
	_ =	sdelay $0x1  }
0x41f: {  	v3 =	vadd.s32 v1, v3;
	_ =	sdelay $0x2  }
0x420: {  	[tilespmem:s22], [sflag:$0x2] =	stream.indirect_vreg.gather [hbm4b:s1+s3], $0x80, v4, vm0, $0xb8;
	[tilespmem:$0x10800] =	vst v63  }
0x421: {  	s14 =	simm.s32 $0x9000  }
0x422: {  	[tilespmem:s14], [sflag:$0x2] =	stream.indirect_vreg.gather [hbm4b:s1+s3], $0x80, v3, vm0, $0xb8;
	[tilespmem:$0x10800] =	vst v63  }
0x423: {  	v3 =	vld [tilespmem:$0x590];
	_ =	sdelay $0x4  }
0x424: {  	v25 =	vshll.u32 v3, $0x1  }
0x425: {  	v3 =	vand.u32 $0x7, v3;
	v4 =	vand.u32 $0xFFFFFFF0, v25  }
0x426: {  	v3 =	vor.u32 v3, v4  }
0x427: {  	v4 =	vperm.xlane v3, v0;
	_ =	sdelay $0x1  }
0x428: {  	v3 =	vperm.xlane v3, v2;
	v4 =	vadd.s32 v1, v4;
	_ =	sdelay $0x1  }
0x429: {  	v3 =	vadd.s32 v1, v3;
	_ =	sdelay $0x1  }
0x42a: {  	s8 =	simm.s32 $0x9800  }
0x42b: {  	[tilespmem:s8], [sflag:$0x2] =	stream.indirect_vreg.gather [hbm4b:s1+s3], $0x80, v4, vm0, $0xb8;
	[tilespmem:$0x10800] =	vst v63  }
0x42c: {  	s14 =	simm.s32 $0xA000  }
0x42d: {  	[tilespmem:s14], [sflag:$0x2] =	stream.indirect_vreg.gather [hbm4b:s1+s3], $0x80, v3, vm0, $0xb8;
	[tilespmem:$0x10800] =	vst v63  }
0x42e: {  	v3 =	vld [tilespmem:$0x5A0];
	_ =	sdelay $0x4  }
0x42f: {  	v26 =	vshll.u32 v3, $0x1  }
0x430: {  	v3 =	vand.u32 $0x7, v3;
	v4 =	vand.u32 $0xFFFFFFF0, v26  }
0x431: {  	v3 =	vor.u32 v3, v4  }
0x432: {  	v4 =	vperm.xlane v3, v0;
	_ =	sdelay $0x1  }
0x433: {  	v3 =	vperm.xlane v3, v2;
	v4 =	vadd.s32 v1, v4;
	_ =	sdelay $0x1  }
0x434: {  	v3 =	vadd.s32 v1, v3;
	_ =	sdelay $0x1  }
0x435: {  	s9 =	simm.s32 $0xA800  }
0x436: {  	[tilespmem:s9], [sflag:$0x2] =	stream.indirect_vreg.gather [hbm4b:s1+s3], $0x80, v4, vm0, $0xb8;
	[tilespmem:$0x10800] =	vst v63  }
0x437: {  	s18 =	simm.s32 $0xB000  }
0x438: {  	[tilespmem:s18], [sflag:$0x2] =	stream.indirect_vreg.gather [hbm4b:s1+s3], $0x80, v3, vm0, $0xb8;
	[tilespmem:$0x10800] =	vst v63  }
0x439: {  	v3 =	vld [tilespmem:$0x5B0];
	_ =	sdelay $0x4  }
0x43a: {  	v27 =	vshll.u32 v3, $0x1  }
0x43b: {  	v3 =	vand.u32 $0x7, v3;
	v4 =	vand.u32 $0xFFFFFFF0, v27  }
0x43c: {  	v3 =	vor.u32 v3, v4  }
0x43d: {  	v4 =	vperm.xlane v3, v0;
	_ =	sdelay $0x1  }
0x43e: {  	v3 =	vperm.xlane v3, v2;
	v4 =	vadd.s32 v1, v4;
	_ =	sdelay $0x1  }
0x43f: {  	v3 =	vadd.s32 v1, v3;
	_ =	sdelay $0x1  }
0x440: {  	s10 =	simm.s32 $0xB800  }
0x441: {  	[tilespmem:s10], [sflag:$0x2] =	stream.indirect_vreg.gather [hbm4b:s1+s3], $0x80, v4, vm0, $0xb8;
	[tilespmem:$0x10800] =	vst v63  }
0x442: {  	s19 =	simm.s32 $0xC000  }
0x443: {  	[tilespmem:s19], [sflag:$0x2] =	stream.indirect_vreg.gather [hbm4b:s1+s3], $0x80, v3, vm0, $0xb8;
	[tilespmem:$0x10800] =	vst v63  }
0x444: {  	v3 =	vld [tilespmem:$0x5C0];
	_ =	sdelay $0x4  }
0x445: {  	v28 =	vshll.u32 v3, $0x1  }
0x446: {  	v3 =	vand.u32 $0x7, v3;
	v4 =	vand.u32 $0xFFFFFFF0, v28  }
0x447: {  	v3 =	vor.u32 v3, v4  }
0x448: {  	v4 =	vperm.xlane v3, v0;
	_ =	sdelay $0x1  }
0x449: {  	v3 =	vperm.xlane v3, v2;
	v4 =	vadd.s32 v1, v4;
	_ =	sdelay $0x1  }
0x44a: {  	v3 =	vadd.s32 v1, v3;
	_ =	sdelay $0x1  }
0x44b: {  	s0 =	simm.s32 $0xC800  }
0x44c: {  	[tilespmem:s0], [sflag:$0x2] =	stream.indirect_vreg.gather [hbm4b:s1+s3], $0x80, v4, vm0, $0xb8;
	[tilespmem:$0x10800] =	vst v63  }
0x44d: {  	s11 =	simm.s32 $0xD000  }
0x44e: {  	[tilespmem:s11], [sflag:$0x2] =	stream.indirect_vreg.gather [hbm4b:s1+s3], $0x80, v3, vm0, $0xb8;
	[tilespmem:$0x10800] =	vst v63  }
0x44f: {  	v3 =	vld [tilespmem:$0x5D0];
	_ =	sdelay $0x4  }
0x450: {  	v29 =	vshll.u32 v3, $0x1  }
0x451: {  	v3 =	vand.u32 $0x7, v3;
	v4 =	vand.u32 $0xFFFFFFF0, v29  }
0x452: {  	v3 =	vor.u32 v3, v4  }
0x453: {  	v4 =	vperm.xlane v3, v0;
	_ =	sdelay $0x1  }
0x454: {  	v3 =	vperm.xlane v3, v2;
	v4 =	vadd.s32 v1, v4;
	_ =	sdelay $0x1  }
0x455: {  	v3 =	vadd.s32 v1, v3;
	_ =	sdelay $0x1  }
0x456: {  	s2 =	simm.s32 $0xD800  }
0x457: {  	[tilespmem:s2], [sflag:$0x2] =	stream.indirect_vreg.gather [hbm4b:s1+s3], $0x80, v4, vm0, $0xb8;
	[tilespmem:$0x10800] =	vst v63  }
0x458: {  	s15 =	simm.s32 $0xE000  }
0x459: {  	[tilespmem:s15], [sflag:$0x2] =	stream.indirect_vreg.gather [hbm4b:s1+s3], $0x80, v3, vm0, $0xb8;
	[tilespmem:$0x10800] =	vst v63  }
0x45a: {  	v3 =	vld [tilespmem:$0x5E0];
	_ =	sdelay $0x4  }
0x45b: {  	v30 =	vshll.u32 v3, $0x1  }
0x45c: {  	v3 =	vand.u32 $0x7, v3;
	v4 =	vand.u32 $0xFFFFFFF0, v30  }
0x45d: {  	v3 =	vor.u32 v3, v4  }
0x45e: {  	v4 =	vperm.xlane v3, v0;
	_ =	sdelay $0x1  }
0x45f: {  	v3 =	vperm.xlane v3, v2;
	v4 =	vadd.s32 v1, v4;
	_ =	sdelay $0x1  }
0x460: {  	v3 =	vadd.s32 v1, v3;
	_ =	sdelay $0x1  }
0x461: {  	s4 =	simm.s32 $0xE800  }
0x462: {  	[tilespmem:s4], [sflag:$0x2] =	stream.indirect_vreg.gather [hbm4b:s1+s3], $0x80, v4, vm0, $0xb8;
	[tilespmem:$0x10800] =	vst v63  }
0x463: {  	s16 =	simm.s32 $0xF000  }
0x464: {  	[tilespmem:s16], [sflag:$0x2] =	stream.indirect_vreg.gather [hbm4b:s1+s3], $0x80, v3, vm0, $0xb8;
	[tilespmem:$0x10800] =	vst v63  }
0x465: {  	v3 =	vld [tilespmem:$0x5F0];
	_ =	sdelay $0x4  }
0x466: {  	v31 =	vshll.u32 v3, $0x1  }
0x467: {  	v3 =	vand.u32 $0x7, v3;
	v4 =	vand.u32 $0xFFFFFFF0, v31  }
0x468: {  	v3 =	vor.u32 v3, v4  }
0x469: {  	v4 =	vperm.xlane v3, v0;
	_ =	sdelay $0x1  }
0x46a: {  	v3 =	vperm.xlane v3, v2;
	v4 =	vadd.s32 v1, v4;
	_ =	sdelay $0x1  }
0x46b: {  	v3 =	vadd.s32 v1, v3;
	_ =	sdelay $0x1  }
0x46c: {  	s7 =	simm.s32 $0xF800  }
0x46d: {  	[tilespmem:s7], [sflag:$0x2] =	stream.indirect_vreg.gather [hbm4b:s1+s3], $0x80, v4, vm0, $0xb8;
	[tilespmem:$0x10800] =	vst v63  }
0x46e: {  	s17 =	simm.s32 $0x10000  }
0x46f: {  	[tilespmem:s17], [sflag:$0x2] =	stream.indirect_vreg.gather [hbm4b:s1+s3], $0x80, v3, vm0, $0xb8;
	[tilespmem:$0x10800] =	vst v63  }
0x470: {  	_ =	swait.ge [sflag:s12], $0x8000  }
0x471: {  	[sflag:s12] =	ssyncset.done $0x0  }
0x472: {  	s19 =	rddreg [dreg:$0xf];
	[sflag:s12] =	ssyncadd.s32 $0xFFFF8000  }
0x473: {  	[hbm4b:s19+s3] =	stream.linear.scatter [tilespmem:s6], [sflag:$0x3], $0x8000, $0x38;
	[tilespmem:$0x10800] =	vst v63  }
0x474: {  	_ =	swait.ge [sflag:s5], $0x8000  }
0x475: {  	[sflag:s5] =	ssyncset.done $0x0  }
0x476: {  	[sflag:s5] =	ssyncadd.s32 $0xFFFF8000  }
0x477: {  	v3 =	vld [tilespmem:$0x600];
	_ =	sdelay $0x4  }
0x478: {  	v32 =	vshll.u32 v3, $0x1  }
0x479: {  	v3 =	vand.u32 $0x7, v3;
	v4 =	vand.u32 $0xFFFFFFF0, v32  }
0x47a: {  	v3 =	vor.u32 v3, v4  }
0x47b: {  	v4 =	vperm.xlane v3, v0;
	_ =	sdelay $0x1  }
0x47c: {  	v3 =	vperm.xlane v3, v2;
	v4 =	vadd.s32 v1, v4;
	_ =	sdelay $0x1  }
0x47d: {  	v3 =	vadd.s32 v1, v3;
	_ =	sdelay $0x2  }
0x47e: {  	[tilespmem:s6], [sflag:$0x1] =	stream.indirect_vreg.gather [hbm4b:s1+s3], $0x80, v4, vm0, $0xb8;
	[tilespmem:$0x10800] =	vst v63  }
0x47f: {  	s16 =	simm.s32 $0x1000  }
0x480: {  	[tilespmem:s16], [sflag:$0x1] =	stream.indirect_vreg.gather [hbm4b:s1+s3], $0x80, v3, vm0, $0xb8;
	[tilespmem:$0x10800] =	vst v63  }
0x481: {  	v3 =	vld [tilespmem:$0x610];
	_ =	sdelay $0x4  }
0x482: {  	v33 =	vshll.u32 v3, $0x1  }
0x483: {  	v3 =	vand.u32 $0x7, v3;
	v4 =	vand.u32 $0xFFFFFFF0, v33  }
0x484: {  	v3 =	vor.u32 v3, v4  }
0x485: {  	v4 =	vperm.xlane v3, v0;
	_ =	sdelay $0x1  }
0x486: {  	v3 =	vperm.xlane v3, v2;
	v4 =	vadd.s32 v1, v4;
	_ =	sdelay $0x1  }
0x487: {  	v3 =	vadd.s32 v1, v3;
	_ =	sdelay $0x1  }
0x488: {  	s17 =	simm.s32 $0x1800  }
0x489: {  	[tilespmem:s17], [sflag:$0x1] =	stream.indirect_vreg.gather [hbm4b:s1+s3], $0x80, v4, vm0, $0xb8;
	[tilespmem:$0x10800] =	vst v63  }
0x48a: {  	s19 =	simm.s32 $0x2000  }
0x48b: {  	[tilespmem:s19], [sflag:$0x1] =	stream.indirect_vreg.gather [hbm4b:s1+s3], $0x80, v3, vm0, $0xb8;
	[tilespmem:$0x10800] =	vst v63  }
0x48c: {  	v3 =	vld [tilespmem:$0x620];
	_ =	sdelay $0x4  }
0x48d: {  	v34 =	vshll.u32 v3, $0x1  }
0x48e: {  	v3 =	vand.u32 $0x7, v3;
	v4 =	vand.u32 $0xFFFFFFF0, v34  }
0x48f: {  	v3 =	vor.u32 v3, v4  }
0x490: {  	v4 =	vperm.xlane v3, v0;
	_ =	sdelay $0x1  }
0x491: {  	v3 =	vperm.xlane v3, v2;
	v4 =	vadd.s32 v1, v4;
	_ =	sdelay $0x1  }
0x492: {  	v3 =	vadd.s32 v1, v3;
	_ =	sdelay $0x1  }
0x493: {  	s20 =	simm.s32 $0x2800  }
0x494: {  	[tilespmem:s20], [sflag:$0x1] =	stream.indirect_vreg.gather [hbm4b:s1+s3], $0x80, v4, vm0, $0xb8;
	[tilespmem:$0x10800] =	vst v63  }
0x495: {  	s20 =	simm.s32 $0x3000  }
0x496: {  	[tilespmem:s20], [sflag:$0x1] =	stream.indirect_vreg.gather [hbm4b:s1+s3], $0x80, v3, vm0, $0xb8;
	[tilespmem:$0x10800] =	vst v63  }
0x497: {  	v3 =	vld [tilespmem:$0x630];
	_ =	sdelay $0x4  }
0x498: {  	v35 =	vshll.u32 v3, $0x1  }
0x499: {  	v3 =	vand.u32 $0x7, v3;
	v4 =	vand.u32 $0xFFFFFFF0, v35  }
0x49a: {  	v3 =	vor.u32 v3, v4  }
0x49b: {  	v4 =	vperm.xlane v3, v0;
	_ =	sdelay $0x1  }
0x49c: {  	v3 =	vperm.xlane v3, v2;
	v4 =	vadd.s32 v1, v4;
	_ =	sdelay $0x1  }
0x49d: {  	v3 =	vadd.s32 v1, v3;
	_ =	sdelay $0x1  }
0x49e: {  	s21 =	simm.s32 $0x3800  }
0x49f: {  	[tilespmem:s21], [sflag:$0x1] =	stream.indirect_vreg.gather [hbm4b:s1+s3], $0x80, v4, vm0, $0xb8;
	[tilespmem:$0x10800] =	vst v63  }
0x4a0: {  	s24 =	simm.s32 $0x4000  }
0x4a1: {  	[tilespmem:s24], [sflag:$0x1] =	stream.indirect_vreg.gather [hbm4b:s1+s3], $0x80, v3, vm0, $0xb8;
	[tilespmem:$0x10800] =	vst v63  }
0x4a2: {  	v3 =	vld [tilespmem:$0x640];
	_ =	sdelay $0x4  }
0x4a3: {  	v36 =	vshll.u32 v3, $0x1  }
0x4a4: {  	v3 =	vand.u32 $0x7, v3;
	v4 =	vand.u32 $0xFFFFFFF0, v36  }
0x4a5: {  	v3 =	vor.u32 v3, v4  }
0x4a6: {  	v4 =	vperm.xlane v3, v0;
	_ =	sdelay $0x1  }
0x4a7: {  	v3 =	vperm.xlane v3, v2;
	v4 =	vadd.s32 v1, v4;
	_ =	sdelay $0x1  }
0x4a8: {  	v3 =	vadd.s32 v1, v3;
	_ =	sdelay $0x1  }
0x4a9: {  	s23 =	simm.s32 $0x4800  }
0x4aa: {  	[tilespmem:s23], [sflag:$0x1] =	stream.indirect_vreg.gather [hbm4b:s1+s3], $0x80, v4, vm0, $0xb8;
	[tilespmem:$0x10800] =	vst v63  }
0x4ab: {  	s24 =	simm.s32 $0x5000  }
0x4ac: {  	[tilespmem:s24], [sflag:$0x1] =	stream.indirect_vreg.gather [hbm4b:s1+s3], $0x80, v3, vm0, $0xb8;
	[tilespmem:$0x10800] =	vst v63  }
0x4ad: {  	v3 =	vld [tilespmem:$0x650];
	_ =	sdelay $0x4  }
0x4ae: {  	v37 =	vshll.u32 v3, $0x1  }
0x4af: {  	v3 =	vand.u32 $0x7, v3;
	v4 =	vand.u32 $0xFFFFFFF0, v37  }
0x4b0: {  	v3 =	vor.u32 v3, v4  }
0x4b1: {  	v4 =	vperm.xlane v3, v0;
	_ =	sdelay $0x1  }
0x4b2: {  	v3 =	vperm.xlane v3, v2;
	v4 =	vadd.s32 v1, v4;
	_ =	sdelay $0x1  }
0x4b3: {  	v3 =	vadd.s32 v1, v3;
	_ =	sdelay $0x1  }
0x4b4: {  	s25 =	simm.s32 $0x5800  }
0x4b5: {  	[tilespmem:s25], [sflag:$0x1] =	stream.indirect_vreg.gather [hbm4b:s1+s3], $0x80, v4, vm0, $0xb8;
	[tilespmem:$0x10800] =	vst v63  }
0x4b6: {  	s26 =	simm.s32 $0x6000  }
0x4b7: {  	[tilespmem:s26], [sflag:$0x1] =	stream.indirect_vreg.gather [hbm4b:s1+s3], $0x80, v3, vm0, $0xb8;
	[tilespmem:$0x10800] =	vst v63  }
0x4b8: {  	v3 =	vld [tilespmem:$0x660];
	_ =	sdelay $0x4  }
0x4b9: {  	v38 =	vshll.u32 v3, $0x1  }
0x4ba: {  	v3 =	vand.u32 $0x7, v3;
	v4 =	vand.u32 $0xFFFFFFF0, v38  }
0x4bb: {  	v3 =	vor.u32 v3, v4  }
0x4bc: {  	v4 =	vperm.xlane v3, v0;
	_ =	sdelay $0x1  }
0x4bd: {  	v3 =	vperm.xlane v3, v2;
	v4 =	vadd.s32 v1, v4;
	_ =	sdelay $0x1  }
0x4be: {  	v3 =	vadd.s32 v1, v3;
	_ =	sdelay $0x1  }
0x4bf: {  	s28 =	simm.s32 $0x6800  }
0x4c0: {  	[tilespmem:s28], [sflag:$0x1] =	stream.indirect_vreg.gather [hbm4b:s1+s3], $0x80, v4, vm0, $0xb8;
	[tilespmem:$0x10800] =	vst v63  }
0x4c1: {  	s29 =	simm.s32 $0x7000  }
0x4c2: {  	[tilespmem:s29], [sflag:$0x1] =	stream.indirect_vreg.gather [hbm4b:s1+s3], $0x80, v3, vm0, $0xb8;
	[tilespmem:$0x10800] =	vst v63  }
0x4c3: {  	v3 =	vld [tilespmem:$0x670];
	_ =	sdelay $0x4  }
0x4c4: {  	v39 =	vshll.u32 v3, $0x1  }
0x4c5: {  	v3 =	vand.u32 $0x7, v3;
	v4 =	vand.u32 $0xFFFFFFF0, v39  }
0x4c6: {  	v3 =	vor.u32 v3, v4  }
0x4c7: {  	v4 =	vperm.xlane v3, v0;
	_ =	sdelay $0x1  }
0x4c8: {  	v3 =	vperm.xlane v3, v2;
	v4 =	vadd.s32 v1, v4;
	_ =	sdelay $0x1  }
0x4c9: {  	v3 =	vadd.s32 v1, v3;
	_ =	sdelay $0x1  }
0x4ca: {  	s30 =	simm.s32 $0x7800  }
0x4cb: {  	[tilespmem:s30], [sflag:$0x1] =	stream.indirect_vreg.gather [hbm4b:s1+s3], $0x80, v4, vm0, $0xb8;
	[tilespmem:$0x10800] =	vst v63  }
0x4cc: {  	s31 =	simm.s32 $0x8000  }
0x4cd: {  	[tilespmem:s31], [sflag:$0x1] =	stream.indirect_vreg.gather [hbm4b:s1+s3], $0x80, v3, vm0, $0xb8;
	[tilespmem:$0x10800] =	vst v63  }
0x4ce: {  	_ =	swait.ge [sflag:s13], $0x8000  }
0x4cf: {  	[sflag:s13] =	ssyncset.done $0x0  }
0x4d0: {  	s31 =	rddreg [dreg:$0x10];
	[sflag:s13] =	ssyncadd.s32 $0xFFFF8000  }
0x4d1: {  	[hbm4b:s31+s3] =	stream.linear.scatter [tilespmem:s22], [sflag:$0x3], $0x8000, $0x38;
	[tilespmem:$0x10800] =	vst v63  }
0x4d2: {  	_ =	swait.ge [sflag:s5], $0x8000  }
0x4d3: {  	[sflag:s5] =	ssyncset.done $0x0  }
0x4d4: {  	[sflag:s5] =	ssyncadd.s32 $0xFFFF8000  }
0x4d5: {  	v3 =	vld [tilespmem:$0x680];
	_ =	sdelay $0x4  }
0x4d6: {  	v40 =	vshll.u32 v3, $0x1  }
0x4d7: {  	v3 =	vand.u32 $0x7, v3;
	v4 =	vand.u32 $0xFFFFFFF0, v40  }
0x4d8: {  	v3 =	vor.u32 v3, v4  }
0x4d9: {  	v4 =	vperm.xlane v3, v0;
	_ =	sdelay $0x1  }
0x4da: {  	v3 =	vperm.xlane v3, v2;
	v4 =	vadd.s32 v1, v4;
	_ =	sdelay $0x1  }
0x4db: {  	v3 =	vadd.s32 v1, v3;
	_ =	sdelay $0x2  }
0x4dc: {  	[tilespmem:s22], [sflag:$0x2] =	stream.indirect_vreg.gather [hbm4b:s1+s3], $0x80, v4, vm0, $0xb8;
	[tilespmem:$0x10800] =	vst v63  }
0x4dd: {  	s28 =	simm.s32 $0x9000  }
0x4de: {  	[tilespmem:s28], [sflag:$0x2] =	stream.indirect_vreg.gather [hbm4b:s1+s3], $0x80, v3, vm0, $0xb8;
	[tilespmem:$0x10800] =	vst v63  }
0x4df: {  	v3 =	vld [tilespmem:$0x690];
	_ =	sdelay $0x4  }
0x4e0: {  	v41 =	vshll.u32 v3, $0x1  }
0x4e1: {  	v3 =	vand.u32 $0x7, v3;
	v4 =	vand.u32 $0xFFFFFFF0, v41  }
0x4e2: {  	v3 =	vor.u32 v3, v4  }
0x4e3: {  	v4 =	vperm.xlane v3, v0;
	_ =	sdelay $0x1  }
0x4e4: {  	v3 =	vperm.xlane v3, v2;
	v4 =	vadd.s32 v1, v4;
	_ =	sdelay $0x1  }
0x4e5: {  	v3 =	vadd.s32 v1, v3;
	_ =	sdelay $0x1  }
0x4e6: {  	s8 =	simm.s32 $0x9800  }
0x4e7: {  	[tilespmem:s8], [sflag:$0x2] =	stream.indirect_vreg.gather [hbm4b:s1+s3], $0x80, v4, vm0, $0xb8;
	[tilespmem:$0x10800] =	vst v63  }
0x4e8: {  	s30 =	simm.s32 $0xA000  }
0x4e9: {  	[tilespmem:s30], [sflag:$0x2] =	stream.indirect_vreg.gather [hbm4b:s1+s3], $0x80, v3, vm0, $0xb8;
	[tilespmem:$0x10800] =	vst v63  }
0x4ea: {  	v3 =	vld [tilespmem:$0x6A0];
	_ =	sdelay $0x4  }
0x4eb: {  	v42 =	vshll.u32 v3, $0x1  }
0x4ec: {  	v3 =	vand.u32 $0x7, v3;
	v4 =	vand.u32 $0xFFFFFFF0, v42  }
0x4ed: {  	v3 =	vor.u32 v3, v4  }
0x4ee: {  	v4 =	vperm.xlane v3, v0;
	_ =	sdelay $0x1  }
0x4ef: {  	v3 =	vperm.xlane v3, v2;
	v4 =	vadd.s32 v1, v4;
	_ =	sdelay $0x1  }
0x4f0: {  	v3 =	vadd.s32 v1, v3;
	_ =	sdelay $0x1  }
0x4f1: {  	s9 =	simm.s32 $0xA800  }
0x4f2: {  	[tilespmem:s9], [sflag:$0x2] =	stream.indirect_vreg.gather [hbm4b:s1+s3], $0x80, v4, vm0, $0xb8;
	[tilespmem:$0x10800] =	vst v63  }
0x4f3: {  	s18 =	simm.s32 $0xB000  }
0x4f4: {  	[tilespmem:s18], [sflag:$0x2] =	stream.indirect_vreg.gather [hbm4b:s1+s3], $0x80, v3, vm0, $0xb8;
	[tilespmem:$0x10800] =	vst v63  }
0x4f5: {  	v3 =	vld [tilespmem:$0x6B0];
	_ =	sdelay $0x4  }
0x4f6: {  	v43 =	vshll.u32 v3, $0x1  }
0x4f7: {  	v3 =	vand.u32 $0x7, v3;
	v4 =	vand.u32 $0xFFFFFFF0, v43  }
0x4f8: {  	v3 =	vor.u32 v3, v4  }
0x4f9: {  	v4 =	vperm.xlane v3, v0;
	_ =	sdelay $0x1  }
0x4fa: {  	v3 =	vperm.xlane v3, v2;
	v4 =	vadd.s32 v1, v4;
	_ =	sdelay $0x1  }
0x4fb: {  	v3 =	vadd.s32 v1, v3;
	_ =	sdelay $0x1  }
0x4fc: {  	s10 =	simm.s32 $0xB800  }
0x4fd: {  	[tilespmem:s10], [sflag:$0x2] =	stream.indirect_vreg.gather [hbm4b:s1+s3], $0x80, v4, vm0, $0xb8;
	[tilespmem:$0x10800] =	vst v63  }
0x4fe: {  	s14 =	simm.s32 $0xC000  }
0x4ff: {  	[tilespmem:s14], [sflag:$0x2] =	stream.indirect_vreg.gather [hbm4b:s1+s3], $0x80, v3, vm0, $0xb8;
	[tilespmem:$0x10800] =	vst v63  }
0x500: {  	v3 =	vld [tilespmem:$0x6C0];
	_ =	sdelay $0x4  }
0x501: {  	v44 =	vshll.u32 v3, $0x1  }
0x502: {  	v3 =	vand.u32 $0x7, v3;
	v4 =	vand.u32 $0xFFFFFFF0, v44  }
0x503: {  	v3 =	vor.u32 v3, v4  }
0x504: {  	v4 =	vperm.xlane v3, v0;
	_ =	sdelay $0x1  }
0x505: {  	v3 =	vperm.xlane v3, v2;
	v4 =	vadd.s32 v1, v4;
	_ =	sdelay $0x1  }
0x506: {  	v3 =	vadd.s32 v1, v3;
	_ =	sdelay $0x1  }
0x507: {  	s0 =	simm.s32 $0xC800  }
0x508: {  	[tilespmem:s0], [sflag:$0x2] =	stream.indirect_vreg.gather [hbm4b:s1+s3], $0x80, v4, vm0, $0xb8;
	[tilespmem:$0x10800] =	vst v63  }
0x509: {  	s11 =	simm.s32 $0xD000  }
0x50a: {  	[tilespmem:s11], [sflag:$0x2] =	stream.indirect_vreg.gather [hbm4b:s1+s3], $0x80, v3, vm0, $0xb8;
	[tilespmem:$0x10800] =	vst v63  }
0x50b: {  	v3 =	vld [tilespmem:$0x6D0];
	_ =	sdelay $0x4  }
0x50c: {  	v45 =	vshll.u32 v3, $0x1  }
0x50d: {  	v3 =	vand.u32 $0x7, v3;
	v4 =	vand.u32 $0xFFFFFFF0, v45  }
0x50e: {  	v3 =	vor.u32 v3, v4  }
0x50f: {  	v4 =	vperm.xlane v3, v0;
	_ =	sdelay $0x1  }
0x510: {  	v3 =	vperm.xlane v3, v2;
	v4 =	vadd.s32 v1, v4;
	_ =	sdelay $0x1  }
0x511: {  	v3 =	vadd.s32 v1, v3;
	_ =	sdelay $0x1  }
0x512: {  	s2 =	simm.s32 $0xD800  }
0x513: {  	[tilespmem:s2], [sflag:$0x2] =	stream.indirect_vreg.gather [hbm4b:s1+s3], $0x80, v4, vm0, $0xb8;
	[tilespmem:$0x10800] =	vst v63  }
0x514: {  	s15 =	simm.s32 $0xE000  }
0x515: {  	[tilespmem:s15], [sflag:$0x2] =	stream.indirect_vreg.gather [hbm4b:s1+s3], $0x80, v3, vm0, $0xb8;
	[tilespmem:$0x10800] =	vst v63  }
0x516: {  	v3 =	vld [tilespmem:$0x6E0];
	_ =	sdelay $0x4  }
0x517: {  	v46 =	vshll.u32 v3, $0x1  }
0x518: {  	v3 =	vand.u32 $0x7, v3;
	v4 =	vand.u32 $0xFFFFFFF0, v46  }
0x519: {  	v3 =	vor.u32 v3, v4  }
0x51a: {  	v4 =	vperm.xlane v3, v0;
	_ =	sdelay $0x1  }
0x51b: {  	v3 =	vperm.xlane v3, v2;
	v4 =	vadd.s32 v1, v4;
	_ =	sdelay $0x1  }
0x51c: {  	v3 =	vadd.s32 v1, v3;
	_ =	sdelay $0x1  }
0x51d: {  	s4 =	simm.s32 $0xE800  }
0x51e: {  	[tilespmem:s4], [sflag:$0x2] =	stream.indirect_vreg.gather [hbm4b:s1+s3], $0x80, v4, vm0, $0xb8;
	[tilespmem:$0x10800] =	vst v63  }
0x51f: {  	s15 =	simm.s32 $0xF000  }
0x520: {  	[tilespmem:s15], [sflag:$0x2] =	stream.indirect_vreg.gather [hbm4b:s1+s3], $0x80, v3, vm0, $0xb8;
	[tilespmem:$0x10800] =	vst v63  }
0x521: {  	v3 =	vld [tilespmem:$0x6F0];
	_ =	sdelay $0x4  }
0x522: {  	v47 =	vshll.u32 v3, $0x1  }
0x523: {  	v3 =	vand.u32 $0x7, v3;
	v4 =	vand.u32 $0xFFFFFFF0, v47  }
0x524: {  	v3 =	vor.u32 v3, v4  }
0x525: {  	v4 =	vperm.xlane v3, v0;
	_ =	sdelay $0x1  }
0x526: {  	v3 =	vperm.xlane v3, v2;
	v4 =	vadd.s32 v1, v4;
	_ =	sdelay $0x1  }
0x527: {  	v3 =	vadd.s32 v1, v3;
	_ =	sdelay $0x1  }
0x528: {  	s7 =	simm.s32 $0xF800  }
0x529: {  	[tilespmem:s7], [sflag:$0x2] =	stream.indirect_vreg.gather [hbm4b:s1+s3], $0x80, v4, vm0, $0xb8;
	[tilespmem:$0x10800] =	vst v63  }
0x52a: {  	s14 =	simm.s32 $0x10000  }
0x52b: {  	[tilespmem:s14], [sflag:$0x2] =	stream.indirect_vreg.gather [hbm4b:s1+s3], $0x80, v3, vm0, $0xb8;
	[tilespmem:$0x10800] =	vst v63  }
0x52c: {  	_ =	swait.ge [sflag:s12], $0x8000  }
0x52d: {  	[sflag:s12] =	ssyncset.done $0x0  }
0x52e: {  	s14 =	rddreg [dreg:$0x11];
	[sflag:s12] =	ssyncadd.s32 $0xFFFF8000  }
0x52f: {  	[hbm4b:s14+s3] =	stream.linear.scatter [tilespmem:s6], [sflag:$0x3], $0x8000, $0x38;
	[tilespmem:$0x10800] =	vst v63  }
0x530: {  	_ =	swait.ge [sflag:s5], $0x8000  }
0x531: {  	[sflag:s5] =	ssyncset.done $0x0  }
0x532: {  	[sflag:s5] =	ssyncadd.s32 $0xFFFF8000  }
0x533: {  	v3 =	vld [tilespmem:$0x700];
	_ =	sdelay $0x4  }
0x534: {  	v48 =	vshll.u32 v3, $0x1  }
0x535: {  	v3 =	vand.u32 $0x7, v3;
	v4 =	vand.u32 $0xFFFFFFF0, v48  }
0x536: {  	v3 =	vor.u32 v3, v4  }
0x537: {  	v4 =	vperm.xlane v3, v0;
	_ =	sdelay $0x1  }
0x538: {  	v3 =	vperm.xlane v3, v2;
	v4 =	vadd.s32 v1, v4;
	_ =	sdelay $0x1  }
0x539: {  	v3 =	vadd.s32 v1, v3;
	_ =	sdelay $0x2  }
0x53a: {  	[tilespmem:s6], [sflag:$0x1] =	stream.indirect_vreg.gather [hbm4b:s1+s3], $0x80, v4, vm0, $0xb8;
	[tilespmem:$0x10800] =	vst v63  }
0x53b: {  	s14 =	simm.s32 $0x1000  }
0x53c: {  	[tilespmem:s14], [sflag:$0x1] =	stream.indirect_vreg.gather [hbm4b:s1+s3], $0x80, v3, vm0, $0xb8;
	[tilespmem:$0x10800] =	vst v63  }
0x53d: {  	v3 =	vld [tilespmem:$0x710];
	_ =	sdelay $0x4  }
0x53e: {  	v49 =	vshll.u32 v3, $0x1  }
0x53f: {  	v3 =	vand.u32 $0x7, v3;
	v4 =	vand.u32 $0xFFFFFFF0, v49  }
0x540: {  	v3 =	vor.u32 v3, v4  }
0x541: {  	v4 =	vperm.xlane v3, v0;
	_ =	sdelay $0x1  }
0x542: {  	v3 =	vperm.xlane v3, v2;
	v4 =	vadd.s32 v1, v4;
	_ =	sdelay $0x1  }
0x543: {  	v3 =	vadd.s32 v1, v3;
	_ =	sdelay $0x1  }
0x544: {  	s14 =	simm.s32 $0x1800  }
0x545: {  	[tilespmem:s14], [sflag:$0x1] =	stream.indirect_vreg.gather [hbm4b:s1+s3], $0x80, v4, vm0, $0xb8;
	[tilespmem:$0x10800] =	vst v63  }
0x546: {  	s14 =	simm.s32 $0x2000  }
0x547: {  	[tilespmem:s14], [sflag:$0x1] =	stream.indirect_vreg.gather [hbm4b:s1+s3], $0x80, v3, vm0, $0xb8;
	[tilespmem:$0x10800] =	vst v63  }
0x548: {  	v3 =	vld [tilespmem:$0x720];
	_ =	sdelay $0x4  }
0x549: {  	v50 =	vshll.u32 v3, $0x1  }
0x54a: {  	v3 =	vand.u32 $0x7, v3;
	v4 =	vand.u32 $0xFFFFFFF0, v50  }
0x54b: {  	v3 =	vor.u32 v3, v4  }
0x54c: {  	v4 =	vperm.xlane v3, v0;
	_ =	sdelay $0x1  }
0x54d: {  	v3 =	vperm.xlane v3, v2;
	v4 =	vadd.s32 v1, v4;
	_ =	sdelay $0x1  }
0x54e: {  	v3 =	vadd.s32 v1, v3;
	_ =	sdelay $0x1  }
0x54f: {  	s16 =	simm.s32 $0x2800  }
0x550: {  	[tilespmem:s16], [sflag:$0x1] =	stream.indirect_vreg.gather [hbm4b:s1+s3], $0x80, v4, vm0, $0xb8;
	[tilespmem:$0x10800] =	vst v63  }
0x551: {  	s16 =	simm.s32 $0x3000  }
0x552: {  	[tilespmem:s16], [sflag:$0x1] =	stream.indirect_vreg.gather [hbm4b:s1+s3], $0x80, v3, vm0, $0xb8;
	[tilespmem:$0x10800] =	vst v63  }
0x553: {  	v3 =	vld [tilespmem:$0x730];
	_ =	sdelay $0x4  }
0x554: {  	v51 =	vshll.u32 v3, $0x1  }
0x555: {  	v3 =	vand.u32 $0x7, v3;
	v4 =	vand.u32 $0xFFFFFFF0, v51  }
0x556: {  	v3 =	vor.u32 v3, v4  }
0x557: {  	v4 =	vperm.xlane v3, v0;
	_ =	sdelay $0x1  }
0x558: {  	v3 =	vperm.xlane v3, v2;
	v4 =	vadd.s32 v1, v4;
	_ =	sdelay $0x1  }
0x559: {  	v3 =	vadd.s32 v1, v3;
	_ =	sdelay $0x1  }
0x55a: {  	s17 =	simm.s32 $0x3800  }
0x55b: {  	[tilespmem:s17], [sflag:$0x1] =	stream.indirect_vreg.gather [hbm4b:s1+s3], $0x80, v4, vm0, $0xb8;
	[tilespmem:$0x10800] =	vst v63  }
0x55c: {  	s20 =	simm.s32 $0x4000  }
0x55d: {  	[tilespmem:s20], [sflag:$0x1] =	stream.indirect_vreg.gather [hbm4b:s1+s3], $0x80, v3, vm0, $0xb8;
	[tilespmem:$0x10800] =	vst v63  }
0x55e: {  	v3 =	vld [tilespmem:$0x740];
	_ =	sdelay $0x4  }
0x55f: {  	v52 =	vshll.u32 v3, $0x1  }
0x560: {  	v3 =	vand.u32 $0x7, v3;
	v4 =	vand.u32 $0xFFFFFFF0, v52  }
0x561: {  	v3 =	vor.u32 v3, v4  }
0x562: {  	v4 =	vperm.xlane v3, v0;
	_ =	sdelay $0x1  }
0x563: {  	v3 =	vperm.xlane v3, v2;
	v4 =	vadd.s32 v1, v4;
	_ =	sdelay $0x1  }
0x564: {  	v3 =	vadd.s32 v1, v3;
	_ =	sdelay $0x1  }
0x565: {  	s19 =	simm.s32 $0x4800  }
0x566: {  	[tilespmem:s19], [sflag:$0x1] =	stream.indirect_vreg.gather [hbm4b:s1+s3], $0x80, v4, vm0, $0xb8;
	[tilespmem:$0x10800] =	vst v63  }
0x567: {  	s20 =	simm.s32 $0x5000  }
0x568: {  	[tilespmem:s20], [sflag:$0x1] =	stream.indirect_vreg.gather [hbm4b:s1+s3], $0x80, v3, vm0, $0xb8;
	[tilespmem:$0x10800] =	vst v63  }
0x569: {  	v3 =	vld [tilespmem:$0x750];
	_ =	sdelay $0x4  }
0x56a: {  	v53 =	vshll.u32 v3, $0x1  }
0x56b: {  	v3 =	vand.u32 $0x7, v3;
	v4 =	vand.u32 $0xFFFFFFF0, v53  }
0x56c: {  	v3 =	vor.u32 v3, v4  }
0x56d: {  	v4 =	vperm.xlane v3, v0;
	_ =	sdelay $0x1  }
0x56e: {  	v3 =	vperm.xlane v3, v2;
	v4 =	vadd.s32 v1, v4;
	_ =	sdelay $0x1  }
0x56f: {  	v3 =	vadd.s32 v1, v3;
	_ =	sdelay $0x1  }
0x570: {  	s21 =	simm.s32 $0x5800  }
0x571: {  	[tilespmem:s21], [sflag:$0x1] =	stream.indirect_vreg.gather [hbm4b:s1+s3], $0x80, v4, vm0, $0xb8;
	[tilespmem:$0x10800] =	vst v63  }
0x572: {  	s23 =	simm.s32 $0x6000  }
0x573: {  	[tilespmem:s23], [sflag:$0x1] =	stream.indirect_vreg.gather [hbm4b:s1+s3], $0x80, v3, vm0, $0xb8;
	[tilespmem:$0x10800] =	vst v63  }
0x574: {  	v3 =	vld [tilespmem:$0x760];
	_ =	sdelay $0x4  }
0x575: {  	v54 =	vshll.u32 v3, $0x1  }
0x576: {  	v3 =	vand.u32 $0x7, v3;
	v4 =	vand.u32 $0xFFFFFFF0, v54  }
0x577: {  	v3 =	vor.u32 v3, v4  }
0x578: {  	v4 =	vperm.xlane v3, v0;
	_ =	sdelay $0x1  }
0x579: {  	v3 =	vperm.xlane v3, v2;
	v4 =	vadd.s32 v1, v4;
	_ =	sdelay $0x1  }
0x57a: {  	v3 =	vadd.s32 v1, v3;
	_ =	sdelay $0x1  }
0x57b: {  	s24 =	simm.s32 $0x6800  }
0x57c: {  	[tilespmem:s24], [sflag:$0x1] =	stream.indirect_vreg.gather [hbm4b:s1+s3], $0x80, v4, vm0, $0xb8;
	[tilespmem:$0x10800] =	vst v63  }
0x57d: {  	s25 =	simm.s32 $0x7000  }
0x57e: {  	[tilespmem:s25], [sflag:$0x1] =	stream.indirect_vreg.gather [hbm4b:s1+s3], $0x80, v3, vm0, $0xb8;
	[tilespmem:$0x10800] =	vst v63  }
0x57f: {  	v3 =	vld [tilespmem:$0x770];
	_ =	sdelay $0x4  }
0x580: {  	v55 =	vshll.u32 v3, $0x1  }
0x581: {  	v3 =	vand.u32 $0x7, v3;
	v4 =	vand.u32 $0xFFFFFFF0, v55  }
0x582: {  	v3 =	vor.u32 v3, v4  }
0x583: {  	v4 =	vperm.xlane v3, v0;
	_ =	sdelay $0x1  }
0x584: {  	v3 =	vperm.xlane v3, v2;
	v4 =	vadd.s32 v1, v4;
	_ =	sdelay $0x1  }
0x585: {  	v3 =	vadd.s32 v1, v3;
	_ =	sdelay $0x1  }
0x586: {  	s26 =	simm.s32 $0x7800  }
0x587: {  	[tilespmem:s26], [sflag:$0x1] =	stream.indirect_vreg.gather [hbm4b:s1+s3], $0x80, v4, vm0, $0xb8;
	[tilespmem:$0x10800] =	vst v63  }
0x588: {  	s29 =	simm.s32 $0x8000  }
0x589: {  	[tilespmem:s29], [sflag:$0x1] =	stream.indirect_vreg.gather [hbm4b:s1+s3], $0x80, v3, vm0, $0xb8;
	[tilespmem:$0x10800] =	vst v63  }
0x58a: {  	_ =	swait.ge [sflag:s13], $0x8000  }
0x58b: {  	[sflag:s13] =	ssyncset.done $0x0  }
0x58c: {  	s25 =	rddreg [dreg:$0x12];
	[sflag:s13] =	ssyncadd.s32 $0xFFFF8000  }
0x58d: {  	[hbm4b:s25+s3] =	stream.linear.scatter [tilespmem:s22], [sflag:$0x3], $0x8000, $0x38;
	[tilespmem:$0x10800] =	vst v63  }
0x58e: {  	_ =	swait.ge [sflag:s5], $0x8000  }
0x58f: {  	[sflag:s5] =	ssyncset.done $0x0  }
0x590: {  	[sflag:s5] =	ssyncadd.s32 $0xFFFF8000  }
0x591: {  	v3 =	vld [tilespmem:$0x780];
	_ =	sdelay $0x4  }
0x592: {  	v56 =	vshll.u32 v3, $0x1  }
0x593: {  	v3 =	vand.u32 $0x7, v3;
	v4 =	vand.u32 $0xFFFFFFF0, v56  }
0x594: {  	v3 =	vor.u32 v3, v4  }
0x595: {  	v4 =	vperm.xlane v3, v0;
	_ =	sdelay $0x1  }
0x596: {  	v3 =	vperm.xlane v3, v2;
	v4 =	vadd.s32 v1, v4;
	_ =	sdelay $0x1  }
0x597: {  	v3 =	vadd.s32 v1, v3;
	_ =	sdelay $0x2  }
0x598: {  	[tilespmem:s22], [sflag:$0x2] =	stream.indirect_vreg.gather [hbm4b:s1+s3], $0x80, v4, vm0, $0xb8;
	[tilespmem:$0x10800] =	vst v63  }
0x599: {  	s31 =	simm.s32 $0x9000  }
0x59a: {  	[tilespmem:s31], [sflag:$0x2] =	stream.indirect_vreg.gather [hbm4b:s1+s3], $0x80, v3, vm0, $0xb8;
	[tilespmem:$0x10800] =	vst v63  }
0x59b: {  	v3 =	vld [tilespmem:$0x790];
	_ =	sdelay $0x4  }
0x59c: {  	v57 =	vshll.u32 v3, $0x1  }
0x59d: {  	v3 =	vand.u32 $0x7, v3;
	v4 =	vand.u32 $0xFFFFFFF0, v57  }
0x59e: {  	v3 =	vor.u32 v3, v4  }
0x59f: {  	v4 =	vperm.xlane v3, v0;
	_ =	sdelay $0x1  }
0x5a0: {  	v3 =	vperm.xlane v3, v2;
	v4 =	vadd.s32 v1, v4;
	_ =	sdelay $0x1  }
0x5a1: {  	v3 =	vadd.s32 v1, v3;
	_ =	sdelay $0x1  }
0x5a2: {  	s28 =	simm.s32 $0x9800  }
0x5a3: {  	[tilespmem:s28], [sflag:$0x2] =	stream.indirect_vreg.gather [hbm4b:s1+s3], $0x80, v4, vm0, $0xb8;
	[tilespmem:$0x10800] =	vst v63  }
0x5a4: {  	s26 =	simm.s32 $0xA000  }
0x5a5: {  	[tilespmem:s26], [sflag:$0x2] =	stream.indirect_vreg.gather [hbm4b:s1+s3], $0x80, v3, vm0, $0xb8;
	[tilespmem:$0x10800] =	vst v63  }
0x5a6: {  	v3 =	vld [tilespmem:$0x7A0];
	_ =	sdelay $0x4  }
0x5a7: {  	v58 =	vshll.u32 v3, $0x1  }
0x5a8: {  	v3 =	vand.u32 $0x7, v3;
	v4 =	vand.u32 $0xFFFFFFF0, v58  }
0x5a9: {  	v3 =	vor.u32 v3, v4  }
0x5aa: {  	v4 =	vperm.xlane v3, v0;
	_ =	sdelay $0x1  }
0x5ab: {  	v3 =	vperm.xlane v3, v2;
	v4 =	vadd.s32 v1, v4;
	_ =	sdelay $0x1  }
0x5ac: {  	v3 =	vadd.s32 v1, v3;
	_ =	sdelay $0x1  }
0x5ad: {  	s8 =	simm.s32 $0xA800  }
0x5ae: {  	[tilespmem:s8], [sflag:$0x2] =	stream.indirect_vreg.gather [hbm4b:s1+s3], $0x80, v4, vm0, $0xb8;
	[tilespmem:$0x10800] =	vst v63  }
0x5af: {  	s9 =	simm.s32 $0xB000  }
0x5b0: {  	[tilespmem:s9], [sflag:$0x2] =	stream.indirect_vreg.gather [hbm4b:s1+s3], $0x80, v3, vm0, $0xb8;
	[tilespmem:$0x10800] =	vst v63  }
0x5b1: {  	v3 =	vld [tilespmem:$0x7B0];
	_ =	sdelay $0x4  }
0x5b2: {  	v59 =	vshll.u32 v3, $0x1  }
0x5b3: {  	v3 =	vand.u32 $0x7, v3;
	v4 =	vand.u32 $0xFFFFFFF0, v59  }
0x5b4: {  	v3 =	vor.u32 v3, v4  }
0x5b5: {  	v4 =	vperm.xlane v3, v0;
	_ =	sdelay $0x1  }
0x5b6: {  	v3 =	vperm.xlane v3, v2;
	v4 =	vadd.s32 v1, v4;
	_ =	sdelay $0x1  }
0x5b7: {  	v3 =	vadd.s32 v1, v3;
	_ =	sdelay $0x1  }
0x5b8: {  	s30 =	simm.s32 $0xB800  }
0x5b9: {  	[tilespmem:s30], [sflag:$0x2] =	stream.indirect_vreg.gather [hbm4b:s1+s3], $0x80, v4, vm0, $0xb8;
	[tilespmem:$0x10800] =	vst v63  }
0x5ba: {  	s28 =	simm.s32 $0xC000  }
0x5bb: {  	[tilespmem:s28], [sflag:$0x2] =	stream.indirect_vreg.gather [hbm4b:s1+s3], $0x80, v3, vm0, $0xb8;
	[tilespmem:$0x10800] =	vst v63  }
0x5bc: {  	v3 =	vld [tilespmem:$0x7C0];
	_ =	sdelay $0x4  }
0x5bd: {  	v60 =	vshll.u32 v3, $0x1  }
0x5be: {  	v3 =	vand.u32 $0x7, v3;
	v4 =	vand.u32 $0xFFFFFFF0, v60  }
0x5bf: {  	v3 =	vor.u32 v3, v4  }
0x5c0: {  	v4 =	vperm.xlane v3, v0;
	_ =	sdelay $0x1  }
0x5c1: {  	v3 =	vperm.xlane v3, v2;
	v4 =	vadd.s32 v1, v4;
	_ =	sdelay $0x1  }
0x5c2: {  	v3 =	vadd.s32 v1, v3;
	_ =	sdelay $0x1  }
0x5c3: {  	s18 =	simm.s32 $0xC800  }
0x5c4: {  	[tilespmem:s18], [sflag:$0x2] =	stream.indirect_vreg.gather [hbm4b:s1+s3], $0x80, v4, vm0, $0xb8;
	[tilespmem:$0x10800] =	vst v63  }
0x5c5: {  	s10 =	simm.s32 $0xD000  }
0x5c6: {  	[tilespmem:s10], [sflag:$0x2] =	stream.indirect_vreg.gather [hbm4b:s1+s3], $0x80, v3, vm0, $0xb8;
	[tilespmem:$0x10800] =	vst v63  }
0x5c7: {  	v3 =	vld [tilespmem:$0x7D0];
	_ =	sdelay $0x4  }
0x5c8: {  	v61 =	vshll.u32 v3, $0x1  }
0x5c9: {  	v3 =	vand.u32 $0x7, v3;
	v4 =	vand.u32 $0xFFFFFFF0, v61  }
0x5ca: {  	v3 =	vor.u32 v3, v4  }
0x5cb: {  	v4 =	vperm.xlane v3, v0;
	_ =	sdelay $0x1  }
0x5cc: {  	v3 =	vperm.xlane v3, v2;
	v4 =	vadd.s32 v1, v4;
	_ =	sdelay $0x1  }
0x5cd: {  	v3 =	vadd.s32 v1, v3;
	_ =	sdelay $0x1  }
0x5ce: {  	s0 =	simm.s32 $0xD800  }
0x5cf: {  	[tilespmem:s0], [sflag:$0x2] =	stream.indirect_vreg.gather [hbm4b:s1+s3], $0x80, v4, vm0, $0xb8;
	[tilespmem:$0x10800] =	vst v63  }
0x5d0: {  	s11 =	simm.s32 $0xE000  }
0x5d1: {  	[tilespmem:s11], [sflag:$0x2] =	stream.indirect_vreg.gather [hbm4b:s1+s3], $0x80, v3, vm0, $0xb8;
	[tilespmem:$0x10800] =	vst v63  }
0x5d2: {  	v3 =	vld [tilespmem:$0x7E0];
	_ =	sdelay $0x4  }
0x5d3: {  	v62 =	vshll.u32 v3, $0x1  }
0x5d4: {  	v3 =	vand.u32 $0x7, v3;
	v4 =	vand.u32 $0xFFFFFFF0, v62  }
0x5d5: {  	v3 =	vor.u32 v3, v4  }
0x5d6: {  	v4 =	vperm.xlane v3, v0;
	_ =	sdelay $0x1  }
0x5d7: {  	v3 =	vperm.xlane v3, v2;
	v4 =	vadd.s32 v1, v4;
	_ =	sdelay $0x1  }
0x5d8: {  	v3 =	vadd.s32 v1, v3;
	_ =	sdelay $0x1  }
0x5d9: {  	s2 =	simm.s32 $0xE800  }
0x5da: {  	[tilespmem:s2], [sflag:$0x2] =	stream.indirect_vreg.gather [hbm4b:s1+s3], $0x80, v4, vm0, $0xb8;
	[tilespmem:$0x10800] =	vst v63  }
0x5db: {  	s15 =	simm.s32 $0xF000  }
0x5dc: {  	[tilespmem:s15], [sflag:$0x2] =	stream.indirect_vreg.gather [hbm4b:s1+s3], $0x80, v3, vm0, $0xb8;
	[tilespmem:$0x10800] =	vst v63  }
0x5dd: {  	v3 =	vld [tilespmem:$0x7F0];
	_ =	sdelay $0x4  }
0x5de: {  	v63 =	vshll.u32 v3, $0x1  }
0x5df: {  	v3 =	vand.u32 $0x7, v3;
	v4 =	vand.u32 $0xFFFFFFF0, v63  }
0x5e0: {  	v3 =	vor.u32 v3, v4  }
0x5e1: {  	v4 =	vperm.xlane v3, v0;
	_ =	sdelay $0x1  }
0x5e2: {  	v3 =	vperm.xlane v3, v2;
	v4 =	vadd.s32 v1, v4;
	_ =	sdelay $0x1  }
0x5e3: {  	v3 =	vadd.s32 v1, v3;
	_ =	sdelay $0x1  }
0x5e4: {  	s4 =	simm.s32 $0xF800  }
0x5e5: {  	[tilespmem:s4], [sflag:$0x2] =	stream.indirect_vreg.gather [hbm4b:s1+s3], $0x80, v4, vm0, $0xb8;
	[tilespmem:$0x10800] =	vst v63  }
0x5e6: {  	s7 =	simm.s32 $0x10000  }
0x5e7: {  	[tilespmem:s7], [sflag:$0x2] =	stream.indirect_vreg.gather [hbm4b:s1+s3], $0x80, v3, vm0, $0xb8;
	[tilespmem:$0x10800] =	vst v63  }
0x5e8: {  	s29 =	rddreg [dreg:$0x15];
	_ =	swait.ge [sflag:s12], $0x8000  }
0x5e9: {  	[sflag:s12] =	ssyncset.done $0x0  }
0x5ea: {  	s30 =	rddreg [dreg:$0x13];
	[sflag:s12] =	ssyncadd.s32 $0xFFFF8000  }
0x5eb: {  	[hbm4b:s30+s3] =	stream.linear.scatter [tilespmem:s6], [sflag:$0x3], $0x8000, $0x38;
	[tilespmem:$0x10800] =	vst v63  }
0x5ec: {  	_ =	swait.ge [sflag:s5], $0x8000  }
0x5ed: {  	[sflag:s5] =	ssyncset.done $0x0  }
0x5ee: {  	[sflag:s5] =	ssyncadd.s32 $0xFFFF8000  }
0x5ef: {  	_ =	swait.ge [sflag:s13], $0x8000  }
0x5f0: {  	p0 =	sne.s32 s29, $0x1;
	[sflag:s13] =	ssyncset.done $0x0  }
.Ltmp0:
0x5f1: {  	s31 =	rddreg [dreg:$0x14];
	[sflag:s13] =	ssyncadd.s32 $0xFFFF8000;
	(pc) =	sbr.rel @p0 .LBB2_1-.Ltmp0, $4  }
0x5f2: {  	[hbm4b:s31+s3] =	stream.linear.scatter [tilespmem:s22], [sflag:$0x3], $0x8000, $0x38;
	[tilespmem:$0x10800] =	vst v63  }
0x5f3: {  	_ =	swait.ge [sflag:s5], $0x8000  }
0x5f4: {  	[sflag:s5] =	ssyncset.done $0x0  }
0x5f5: {  	s0 =	sadd.s32 $0xFFFFFFFF, s29;
	[sflag:s5] =	ssyncadd.s32 $0xFFFF8000  }
0x5f6: {  	_ =	sfence.sel $0x180000  }
0x5f7: {  	[bflag:$0x0] =	sbarrier.arrive $0xFFFF  }
0x5f8: {  	_ =	strace $0x90000047  }
0x5f9: {  	s0 =	stileid.u32;
	[bflag:$0x2] =	sbarrier.arrive $0xFFFF  }
0x5fa: {  	p0 =	sne.s32 s0, $0x0;
	s0 =	rddreg [dreg:$0x3]  }
0x5fb: {  	s0 =	sadd.s32 @!p0 $0x100000, s0  }
0x5fc: {  	[sflag:s0] =	ssyncadd.tile.s32 @!p0 $0x1;
	_ =	shalt  }
.Lfunc_end2:
_tile_overlayer_lowered:
.L_overlay_start_2:
0x5fd: {  	(tag) =	ssettag $0x2  }
0x5fe: {  	s0 =	rddreg [dreg:$0x0];
	s2 =	stileid.u32  }
0x5ff: {  	s1 =	rddreg [dreg:$0x1];
	p0 =	sne.s32 s2, $0x0  }
0x600: {  	s3 =	rddreg [dreg:$0x2];
	[bflag:$0x3] =	sbarrier.arrive $0xFFFF;
	s2 =	simm.s32 @!p0 $0x1C03  }
0x601: {  	[timem:s3], [sflag:s2] =	dma.local @!p0 [hbm:s0], s1  }
0x602: {  	s0 =	simm.s32 @!p0 $0x3  }
0x603: {  	_ =	swait.ge @!p0 [sflag:s0], s1  }
0x604: {  	s1 =	ssub.s32 @!p0 $0x0, s1;
	[sflag:s0] =	ssyncset.done @!p0 $0x0  }
0x605: {  	[sflag:s0] =	ssyncadd.s32 @!p0 s1  }
0x606: {  	[bflag:$0x3] =	sbarrier.arrive $0xFFFF  }
0x607: {  	_ =	shalt  }

</sc_bundles>
